<compile_context>
chip_gen: v7x
topology: tpu7x:2x2x1
jax: 0.10.2.dev20260603
libtpu: 0.0.44.dev20260713+nightly
codegen_flags: <defaults>
</compile_context>

<pallas_src>
import functools
import math

import jax
import jax.numpy as jnp
from jax import lax
from jax.experimental import pallas as pl
from jax.experimental.pallas import tpu as pltpu
from jax.experimental.pallas import tpu_sc as plsc

D_MODEL = 64
SCALE = math.sqrt(D_MODEL)

NC = 2
NS = 16
NW = NC * NS

NBUF = 4


def _sc_gather(table, xT):
    P, R = xT.shape
    D = table.shape[1]
    bpw = R // NW
    mesh = plsc.VectorSubcoreMesh(core_axis_name="c", subcore_axis_name="s")

    @functools.partial(
        pl.kernel,
        out_type=jax.ShapeDtypeStruct((P, D // 8, NW, 8, bpw), jnp.float32),
        mesh=mesh,
        compiler_params=pltpu.CompilerParams(
            use_tc_tiling_on_sc=False,
            needs_layout_passes=False,
            disable_bounds_checks=True,
        ),
        scratch_types=[
            pltpu.VMEM((P, bpw), jnp.int32),
            [pltpu.VMEM((bpw, D), jnp.float32) for _ in range(NBUF)],
            [pltpu.VMEM((D // 8, 8, bpw), jnp.float32) for _ in range(NBUF)],
            [pltpu.SemaphoreType.DMA for _ in range(NBUF)],
            [pltpu.SemaphoreType.DMA for _ in range(NBUF)],
        ],
    )
    def k(table_hbm, idx_hbm, out_hbm, idx_v, in_bufs, obufs, gsem, ssem):
        wid = lax.axis_index("s") * NC + lax.axis_index("c")

        pltpu.sync_copy(idx_hbm.at[:, pl.ds(wid * bpw, bpw)], idx_v)

        def start_gather(p, b):
            pltpu.async_copy(table_hbm.at[idx_v.at[p]], in_bufs[b], gsem[b])

        def wait_gather(b):
            pltpu.make_async_copy(
                table_hbm.at[idx_v.at[0]], in_bufs[b], gsem[b]
            ).wait()

        def start_scatter(p, b):
            pltpu.async_copy(obufs[b], out_hbm.at[p, :, wid], ssem[b])

        def wait_scatter(b):
            pltpu.make_async_copy(
                obufs[b], out_hbm.at[0, :, 0], ssem[b]
            ).wait()

        riota = lax.iota(jnp.int32, 16)
        rows_j = [riota + 16 * j for j in range(bpw // 16)]
        zeros16 = jnp.zeros((16,), jnp.int32)

        def tscale(b):
            ib, ob = in_bufs[b], obufs[b]

            @plsc.parallel_loop(0, D, unroll=4)
            def fbody(f):
                cols = zeros16 + f
                ft = f // 8
                fi = f % 8
                for j in range(bpw // 16):
                    vals = plsc.load_gather(ib, [rows_j[j], cols])
                    ob[ft, fi, pl.ds(j * 16, 16)] = vals * jnp.float32(SCALE)

        T = P // NBUF

        for b in range(NBUF):
            start_gather(b, b)

        def body(t, _):
            for b in range(NBUF):
                p = t * NBUF + b
                wait_gather(b)

                @pl.when(t > 0)
                def _():
                    wait_scatter(b)

                tscale(b)

                @pl.when(t < T - 1)
                def _():
                    start_gather(p + NBUF, b)

                start_scatter(p, b)
            return 0

        lax.fori_loop(0, T, body, 0)

        for b in range(NBUF):
            wait_scatter(b)

    return k(table, xT)


def kernel(x, table):
    R, P = x.shape
    D = table.shape[1]
    xT = jnp.transpose(x).astype(jnp.int32)
    o5 = _sc_gather(table, xT)
    return o5.transpose(2, 4, 0, 1, 3).reshape(R, P, D)

# --- scband reference (transcript-rebuilt; emitter-appended) ---
"""Pipeline reference for scband-embeddings-32427003085356 (READ-ONLY COPY).

The authoritative reference and input builder live on the scoring server;
editing this copy changes nothing except your own understanding.
"""

import jax, jax.numpy as jnp
import numpy as np
import math

D_MODEL = 64
VOCAB = 1000000

def setup_inputs(seed: int = 0) -> dict:
    key = jax.random.key(seed)
    k1, k2 = jax.random.split(key)
    x = jax.random.randint(k1, (4096, 200), 0, VOCAB, dtype=jnp.int64)
    # nn.Embedding default init: N(0, 1)
    table = jax.random.normal(k2, (VOCAB, D_MODEL), dtype=jnp.float32)
    return {"x": x, "table": table}

def reference(x, table):
    emb = jnp.take(table, x, axis=0)
    return emb * math.sqrt(D_MODEL)

if __name__ == "__main__":
    import jax
    _d = setup_inputs()
    print(jax.jit(kernel)(*tuple(_d.values())))

</pallas_src>

<mosaic_0001>
#map = affine_map<(d0, d1) -> (0, 0)>
#map1 = affine_map<(d0, d1) -> (0, 0, 0, 0, 0)>
module attributes {stable_mosaic.version = 14 : i64} {
  func.func @k(%arg0: i32, %arg1: i32, %arg2: memref<1000000x64xf32, #tpu.memory_space<hbm>>, %arg3: memref<200x4096xi32, #tpu.memory_space<hbm>>, %arg4: memref<200x8x32x8x128xf32, #tpu.memory_space<hbm>>, %arg5: memref<200x128xi32, #tpu.memory_space<vmem>>, %arg6: memref<128x64xf32, #tpu.memory_space<vmem>>, %arg7: memref<128x64xf32, #tpu.memory_space<vmem>>, %arg8: memref<128x64xf32, #tpu.memory_space<vmem>>, %arg9: memref<128x64xf32, #tpu.memory_space<vmem>>, %arg10: memref<8x8x128xf32, #tpu.memory_space<vmem>>, %arg11: memref<8x8x128xf32, #tpu.memory_space<vmem>>, %arg12: memref<8x8x128xf32, #tpu.memory_space<vmem>>, %arg13: memref<8x8x128xf32, #tpu.memory_space<vmem>>, %arg14: memref<!tpu.dma_semaphore, #tpu.memory_space<semaphore_mem>>, %arg15: memref<!tpu.dma_semaphore, #tpu.memory_space<semaphore_mem>>, %arg16: memref<!tpu.dma_semaphore, #tpu.memory_space<semaphore_mem>>, %arg17: memref<!tpu.dma_semaphore, #tpu.memory_space<semaphore_mem>>, %arg18: memref<!tpu.dma_semaphore, #tpu.memory_space<semaphore_mem>>, %arg19: memref<!tpu.dma_semaphore, #tpu.memory_space<semaphore_mem>>, %arg20: memref<!tpu.dma_semaphore, #tpu.memory_space<semaphore_mem>>, %arg21: memref<!tpu.dma_semaphore, #tpu.memory_space<semaphore_mem>>) attributes {dimension_semantics = [#tpu.dimension_semantics<core_parallel>, #tpu.dimension_semantics<subcore_parallel>], iteration_bounds = array<i64: 2, 16>, scalar_prefetch = 0 : i64, scratch_operands = 17 : i64, tpu.core_type = #tpu.core_type<sc_vector_subcore>, window_params = [{transform_indices = #map}, {transform_indices = #map}, {transform_indices = #map1}]} {
    %mul3A = arith.constant 2 : i32
    %mul3A_0 = arith.muli %arg1, %mul3A : i32
    %add3A = arith.addi %mul3A_0, %arg0 : i32
    %mul3A_1 = arith.constant 128 : i32
    %mul3A_2 = arith.muli %add3A, %mul3A_1 : i32
    "tpu.region"() ({
      %run_scoped3A = tpu.sem_alloc : memref<!tpu.dma_semaphore, #tpu.memory_space<semaphore_mem>>
      %dma_start3A_108 = arith.constant 0 : i32
      %dma_start3A_109 = tpu.memref_slice %arg3[%dma_start3A_108, %mul3A_2] : memref<200x4096xi32, #tpu.memory_space<hbm>> -> memref<200x128xi32, #tpu.memory_space<hbm>>
      %dma_start3A_110 = arith.constant 0 : i32
      %dma_start3A_111 = tpu.memref_slice %arg3[%dma_start3A_110, %mul3A_2] : memref<200x4096xi32, #tpu.memory_space<hbm>> -> memref<200x128xi32, #tpu.memory_space<hbm>>
      tpu.enqueue_dma source(%dma_start3A_111 : memref<200x128xi32, #tpu.memory_space<hbm>>) target(%arg5 : memref<200x128xi32, #tpu.memory_space<vmem>>) target_semaphore(%run_scoped3A : memref<!tpu.dma_semaphore, #tpu.memory_space<semaphore_mem>>)
      %dma_wait3A_112 = arith.constant 0 : i32
      %dma_wait3A_113 = tpu.memref_slice %arg3[%dma_wait3A_112, %mul3A_2] : memref<200x4096xi32, #tpu.memory_space<hbm>> -> memref<200x128xi32, #tpu.memory_space<hbm>>
      %dma_wait3A_114 = arith.constant 0 : i32
      %dma_wait3A_115 = tpu.memref_slice %arg3[%dma_wait3A_114, %mul3A_2] : memref<200x4096xi32, #tpu.memory_space<hbm>> -> memref<200x128xi32, #tpu.memory_space<hbm>>
      tpu.wait_dma2 semaphore(%run_scoped3A : memref<!tpu.dma_semaphore, #tpu.memory_space<semaphore_mem>>) src(%dma_wait3A_115 : memref<200x128xi32, #tpu.memory_space<hbm>>) dst(%arg5 : memref<200x128xi32, #tpu.memory_space<vmem>>)
      tpu.yield
    }) : () -> ()
    %iota3A = tpu.iota {dimensions = array<i32: 0>} : vector<16xi32>
    %add3A_3 = arith.constant 0 : i32
    %add3A_4 = vector.broadcast %add3A_3 : i32 to vector<16xi32>
    %add3A_5 = arith.addi %iota3A, %add3A_4 : vector<16xi32>
    %add3A_6 = arith.constant 16 : i32
    %add3A_7 = vector.broadcast %add3A_6 : i32 to vector<16xi32>
    %add3A_8 = arith.addi %iota3A, %add3A_7 : vector<16xi32>
    %add3A_9 = arith.constant 32 : i32
    %add3A_10 = vector.broadcast %add3A_9 : i32 to vector<16xi32>
    %add3A_11 = arith.addi %iota3A, %add3A_10 : vector<16xi32>
    %add3A_12 = arith.constant 48 : i32
    %add3A_13 = vector.broadcast %add3A_12 : i32 to vector<16xi32>
    %add3A_14 = arith.addi %iota3A, %add3A_13 : vector<16xi32>
    %add3A_15 = arith.constant 64 : i32
    %add3A_16 = vector.broadcast %add3A_15 : i32 to vector<16xi32>
    %add3A_17 = arith.addi %iota3A, %add3A_16 : vector<16xi32>
    %add3A_18 = arith.constant 80 : i32
    %add3A_19 = vector.broadcast %add3A_18 : i32 to vector<16xi32>
    %add3A_20 = arith.addi %iota3A, %add3A_19 : vector<16xi32>
    %add3A_21 = arith.constant 96 : i32
    %add3A_22 = vector.broadcast %add3A_21 : i32 to vector<16xi32>
    %add3A_23 = arith.addi %iota3A, %add3A_22 : vector<16xi32>
    %add3A_24 = arith.constant 112 : i32
    %add3A_25 = vector.broadcast %add3A_24 : i32 to vector<16xi32>
    %add3A_26 = arith.addi %iota3A, %add3A_25 : vector<16xi32>
    %broadcast_in_dim3A = arith.constant 0 : i32
    %broadcast_in_dim3A_27 = vector.broadcast %broadcast_in_dim3A : i32 to vector<16xi32>
    %dma_start3A = arith.constant 0 : i32
    %dma_start3A_28 = arith.constant 0 : i32
    %dma_start3A_29 = tpu.memref_slice %arg5[%dma_start3A, %dma_start3A_28] : memref<200x128xi32, #tpu.memory_space<vmem>> -> memref<1x128xi32, #tpu.memory_space<vmem>>
    %dma_start3A_30 = tpu.memref_squeeze %dma_start3A_29 : memref<1x128xi32, #tpu.memory_space<vmem>> -> memref<128xi32, #tpu.memory_space<vmem>>
    %dma_start3A_31 = arith.constant 0 : i32
    %dma_start3A_32 = arith.constant 0 : i32
    %dma_start3A_33 = tpu.memref_slice %arg2[%dma_start3A_31, %dma_start3A_32] : memref<1000000x64xf32, #tpu.memory_space<hbm>> -> memref<1000000x64xf32, #tpu.memory_space<hbm>>
    tpu.enqueue_indirect_dma source(%dma_start3A_33 : memref<1000000x64xf32, #tpu.memory_space<hbm>>) target(%arg6 : memref<128x64xf32, #tpu.memory_space<vmem>>) offsets(%dma_start3A_30 : memref<128xi32, #tpu.memory_space<vmem>>) semaphore(%arg14 : memref<!tpu.dma_semaphore, #tpu.memory_space<semaphore_mem>>)
    %dma_start3A_34 = arith.constant 1 : i32
    %dma_start3A_35 = arith.constant 0 : i32
    %dma_start3A_36 = tpu.memref_slice %arg5[%dma_start3A_34, %dma_start3A_35] : memref<200x128xi32, #tpu.memory_space<vmem>> -> memref<1x128xi32, #tpu.memory_space<vmem>>
    %dma_start3A_37 = tpu.memref_squeeze %dma_start3A_36 : memref<1x128xi32, #tpu.memory_space<vmem>> -> memref<128xi32, #tpu.memory_space<vmem>>
    %dma_start3A_38 = arith.constant 0 : i32
    %dma_start3A_39 = arith.constant 0 : i32
    %dma_start3A_40 = tpu.memref_slice %arg2[%dma_start3A_38, %dma_start3A_39] : memref<1000000x64xf32, #tpu.memory_space<hbm>> -> memref<1000000x64xf32, #tpu.memory_space<hbm>>
    tpu.enqueue_indirect_dma source(%dma_start3A_40 : memref<1000000x64xf32, #tpu.memory_space<hbm>>) target(%arg7 : memref<128x64xf32, #tpu.memory_space<vmem>>) offsets(%dma_start3A_37 : memref<128xi32, #tpu.memory_space<vmem>>) semaphore(%arg15 : memref<!tpu.dma_semaphore, #tpu.memory_space<semaphore_mem>>)
    %dma_start3A_41 = arith.constant 2 : i32
    %dma_start3A_42 = arith.constant 0 : i32
    %dma_start3A_43 = tpu.memref_slice %arg5[%dma_start3A_41, %dma_start3A_42] : memref<200x128xi32, #tpu.memory_space<vmem>> -> memref<1x128xi32, #tpu.memory_space<vmem>>
    %dma_start3A_44 = tpu.memref_squeeze %dma_start3A_43 : memref<1x128xi32, #tpu.memory_space<vmem>> -> memref<128xi32, #tpu.memory_space<vmem>>
    %dma_start3A_45 = arith.constant 0 : i32
    %dma_start3A_46 = arith.constant 0 : i32
    %dma_start3A_47 = tpu.memref_slice %arg2[%dma_start3A_45, %dma_start3A_46] : memref<1000000x64xf32, #tpu.memory_space<hbm>> -> memref<1000000x64xf32, #tpu.memory_space<hbm>>
    tpu.enqueue_indirect_dma source(%dma_start3A_47 : memref<1000000x64xf32, #tpu.memory_space<hbm>>) target(%arg8 : memref<128x64xf32, #tpu.memory_space<vmem>>) offsets(%dma_start3A_44 : memref<128xi32, #tpu.memory_space<vmem>>) semaphore(%arg16 : memref<!tpu.dma_semaphore, #tpu.memory_space<semaphore_mem>>)
    %dma_start3A_48 = arith.constant 3 : i32
    %dma_start3A_49 = arith.constant 0 : i32
    %dma_start3A_50 = tpu.memref_slice %arg5[%dma_start3A_48, %dma_start3A_49] : memref<200x128xi32, #tpu.memory_space<vmem>> -> memref<1x128xi32, #tpu.memory_space<vmem>>
    %dma_start3A_51 = tpu.memref_squeeze %dma_start3A_50 : memref<1x128xi32, #tpu.memory_space<vmem>> -> memref<128xi32, #tpu.memory_space<vmem>>
    %dma_start3A_52 = arith.constant 0 : i32
    %dma_start3A_53 = arith.constant 0 : i32
    %dma_start3A_54 = tpu.memref_slice %arg2[%dma_start3A_52, %dma_start3A_53] : memref<1000000x64xf32, #tpu.memory_space<hbm>> -> memref<1000000x64xf32, #tpu.memory_space<hbm>>
    tpu.enqueue_indirect_dma source(%dma_start3A_54 : memref<1000000x64xf32, #tpu.memory_space<hbm>>) target(%arg9 : memref<128x64xf32, #tpu.memory_space<vmem>>) offsets(%dma_start3A_51 : memref<128xi32, #tpu.memory_space<vmem>>) semaphore(%arg17 : memref<!tpu.dma_semaphore, #tpu.memory_space<semaphore_mem>>)
    %scan3A = arith.constant 0 : i32
    %scan3A_55 = arith.constant 0 : i32
    %scan3A_56 = arith.constant 50 : i32
    %scan3A_57 = arith.addi %scan3A_55, %scan3A_56 : i32
    %scan3A_58 = arith.constant 1 : i32
    %scan3A_59 = scf.for %scan3A_108 = %scan3A_55 to %scan3A_57 step %scan3A_58 iter_args(%scan3A_109 = %scan3A) -> (i32)  : i32 {
      %mul3A_110 = arith.constant 4 : i32
      %mul3A_111 = arith.muli %scan3A_108, %mul3A_110 : i32
      %add3A_112 = arith.constant 0 : i32
      %add3A_113 = arith.addi %mul3A_111, %add3A_112 : i32
      %dma_wait3A_114 = arith.constant 0 : i32
      %dma_wait3A_115 = arith.constant 0 : i32
      %dma_wait3A_116 = tpu.memref_slice %arg5[%dma_wait3A_114, %dma_wait3A_115] : memref<200x128xi32, #tpu.memory_space<vmem>> -> memref<1x128xi32, #tpu.memory_space<vmem>>
      %dma_wait3A_117 = tpu.memref_squeeze %dma_wait3A_116 : memref<1x128xi32, #tpu.memory_space<vmem>> -> memref<128xi32, #tpu.memory_space<vmem>>
      %dma_wait3A_118 = arith.constant 0 : i32
      %dma_wait3A_119 = arith.constant 0 : i32
      %dma_wait3A_120 = tpu.memref_slice %arg2[%dma_wait3A_118, %dma_wait3A_119] : memref<1000000x64xf32, #tpu.memory_space<hbm>> -> memref<1000000x64xf32, #tpu.memory_space<hbm>>
      tpu.wait_indirect_dma semaphore(%arg14 : memref<!tpu.dma_semaphore, #tpu.memory_space<semaphore_mem>>) src(%dma_wait3A_120 : memref<1000000x64xf32, #tpu.memory_space<hbm>>) dst(%arg6 : memref<128x64xf32, #tpu.memory_space<vmem>>)
      %gt3A = arith.constant 0 : i32
      %gt3A_121 = arith.cmpi sgt, %scan3A_108, %gt3A : i32
      %convert_element_type3A = arith.extui %gt3A_121 : i1 to i32
      %cond3A = arith.constant 0 : i32
      %cond3A_122 = arith.cmpi ne, %convert_element_type3A, %cond3A : i32
      scf.if %cond3A_122 {
        %dma_wait3A_242 = arith.constant 0 : i32
        %dma_wait3A_243 = arith.constant 0 : i32
        %dma_wait3A_244 = arith.constant 0 : i32
        %dma_wait3A_245 = arith.constant 0 : i32
        %dma_wait3A_246 = arith.constant 0 : i32
        %dma_wait3A_247 = tpu.memref_slice %arg4[%dma_wait3A_242, %dma_wait3A_244, %dma_wait3A_243, %dma_wait3A_245, %dma_wait3A_246] : memref<200x8x32x8x128xf32, #tpu.memory_space<hbm>> -> memref<1x8x1x8x128xf32, #tpu.memory_space<hbm>>
        %dma_wait3A_248 = tpu.memref_squeeze %dma_wait3A_247 : memref<1x8x1x8x128xf32, #tpu.memory_space<hbm>> -> memref<8x8x128xf32, #tpu.memory_space<hbm>>
        %dma_wait3A_249 = arith.constant 0 : i32
        %dma_wait3A_250 = arith.constant 0 : i32
        %dma_wait3A_251 = arith.constant 0 : i32
        %dma_wait3A_252 = tpu.memref_slice %arg4[%dma_wait3A_242, %dma_wait3A_249, %dma_wait3A_243, %dma_wait3A_250, %dma_wait3A_251] : memref<200x8x32x8x128xf32, #tpu.memory_space<hbm>> -> memref<1x8x1x8x128xf32, #tpu.memory_space<hbm>>
        %dma_wait3A_253 = tpu.memref_squeeze %dma_wait3A_252 : memref<1x8x1x8x128xf32, #tpu.memory_space<hbm>> -> memref<8x8x128xf32, #tpu.memory_space<hbm>>
        tpu.wait_dma2 semaphore(%arg18 : memref<!tpu.dma_semaphore, #tpu.memory_space<semaphore_mem>>) src(%arg10 : memref<8x8x128xf32, #tpu.memory_space<vmem>>) dst(%dma_wait3A_253 : memref<8x8x128xf32, #tpu.memory_space<hbm>>)
      } else {
      }
      %parallel_loop3A = arith.constant 0 : i32
      %parallel_loop3A_123 = arith.constant 64 : i32
      %parallel_loop3A_124 = arith.constant 1 : i32
      scf.for %parallel_loop3A_242 = %parallel_loop3A to %parallel_loop3A_123 step %parallel_loop3A_124  : i32 {
        %parallel_loop3A_243 = vector.broadcast %parallel_loop3A_242 : i32 to vector<16xi32>
        %parallel_loop3A_244 = arith.addi %broadcast_in_dim3A_27, %parallel_loop3A_243 : vector<16xi32>
        %parallel_loop3A_245 = arith.constant 8 : i32
        %parallel_loop3A_246 = arith.divsi %parallel_loop3A_242, %parallel_loop3A_245 : i32
        %parallel_loop3A_247 = arith.constant 0 : i32
        %parallel_loop3A_248 = arith.cmpi sgt, %parallel_loop3A_242, %parallel_loop3A_247 : i32
        %parallel_loop3A_249 = arith.extui %parallel_loop3A_248 : i1 to i32
        %parallel_loop3A_250 = arith.constant 0 : i32
        %parallel_loop3A_251 = arith.cmpi slt, %parallel_loop3A_242, %parallel_loop3A_250 : i32
        %parallel_loop3A_252 = arith.extui %parallel_loop3A_251 : i1 to i32
        %parallel_loop3A_253 = arith.subi %parallel_loop3A_249, %parallel_loop3A_252 : i32
        %parallel_loop3A_254 = arith.constant 0 : i32
        %parallel_loop3A_255 = arith.cmpi sgt, %parallel_loop3A_245, %parallel_loop3A_254 : i32
        %parallel_loop3A_256 = arith.extui %parallel_loop3A_255 : i1 to i32
        %parallel_loop3A_257 = arith.constant 0 : i32
        %parallel_loop3A_258 = arith.cmpi slt, %parallel_loop3A_245, %parallel_loop3A_257 : i32
        %parallel_loop3A_259 = arith.extui %parallel_loop3A_258 : i1 to i32
        %parallel_loop3A_260 = arith.subi %parallel_loop3A_256, %parallel_loop3A_259 : i32
        %parallel_loop3A_261 = arith.cmpi ne, %parallel_loop3A_253, %parallel_loop3A_260 : i32
        %parallel_loop3A_262 = arith.remsi %parallel_loop3A_242, %parallel_loop3A_245 : i32
        %parallel_loop3A_263 = arith.constant 0 : i32
        %parallel_loop3A_264 = arith.cmpi ne, %parallel_loop3A_262, %parallel_loop3A_263 : i32
        %parallel_loop3A_265 = arith.andi %parallel_loop3A_261, %parallel_loop3A_264 : i1
        %parallel_loop3A_266 = arith.constant 1 : i32
        %parallel_loop3A_267 = arith.subi %parallel_loop3A_246, %parallel_loop3A_266 : i32
        %parallel_loop3A_268 = arith.select %parallel_loop3A_265, %parallel_loop3A_267, %parallel_loop3A_246 : i32
        %parallel_loop3A_269 = arith.constant 8 : i32
        %parallel_loop3A_270 = arith.constant 0 : i32
        %parallel_loop3A_271 = arith.cmpi eq, %parallel_loop3A_269, %parallel_loop3A_270 : i32
        %parallel_loop3A_272 = arith.constant 1 : i32
        %parallel_loop3A_273 = arith.select %parallel_loop3A_271, %parallel_loop3A_272, %parallel_loop3A_269 : i32
        %parallel_loop3A_274 = arith.remsi %parallel_loop3A_242, %parallel_loop3A_273 : i32
        %parallel_loop3A_275 = arith.constant 0 : i32
        %parallel_loop3A_276 = arith.cmpi ne, %parallel_loop3A_274, %parallel_loop3A_275 : i32
        %parallel_loop3A_277 = arith.constant 0 : i32
        %parallel_loop3A_278 = arith.cmpi slt, %parallel_loop3A_274, %parallel_loop3A_277 : i32
        %parallel_loop3A_279 = arith.constant 0 : i32
        %parallel_loop3A_280 = arith.cmpi slt, %parallel_loop3A_273, %parallel_loop3A_279 : i32
        %parallel_loop3A_281 = arith.xori %parallel_loop3A_278, %parallel_loop3A_280 : i1
        %parallel_loop3A_282 = arith.andi %parallel_loop3A_281, %parallel_loop3A_276 : i1
        %parallel_loop3A_283 = arith.addi %parallel_loop3A_274, %parallel_loop3A_273 : i32
        %parallel_loop3A_284 = arith.select %parallel_loop3A_282, %parallel_loop3A_283, %parallel_loop3A_274 : i32
        %parallel_loop3A_285 = tpu.vector_load_idx %arg6[%add3A_5, %parallel_loop3A_244] : memref<128x64xf32, #tpu.memory_space<vmem>>[vector<16xi32>, vector<16xi32>], vector<16xf32>,
        %parallel_loop3A_286 = arith.constant 8.000000e+00 : f32
        %parallel_loop3A_287 = vector.broadcast %parallel_loop3A_286 : f32 to vector<16xf32>
        %parallel_loop3A_288 = arith.mulf %parallel_loop3A_285, %parallel_loop3A_287 : vector<16xf32>
        %parallel_loop3A_289 = arith.index_cast %parallel_loop3A_268 : i32 to index
        %parallel_loop3A_290 = arith.index_cast %parallel_loop3A_284 : i32 to index
        %parallel_loop3A_291 = arith.constant 0 : index
        %parallel_loop3A_292 = tpu.vector_load %arg10[%parallel_loop3A_289, %parallel_loop3A_290, %parallel_loop3A_291] {strides = array<i32>} : memref<8x8x128xf32, #tpu.memory_space<vmem>>, vector<16xf32>,
        tpu.vector_store %arg10[%parallel_loop3A_289, %parallel_loop3A_290, %parallel_loop3A_291], %parallel_loop3A_288 {strides = array<i32>} : memref<8x8x128xf32, #tpu.memory_space<vmem>>, vector<16xf32>,
        %parallel_loop3A_293 = tpu.vector_load_idx %arg6[%add3A_8, %parallel_loop3A_244] : memref<128x64xf32, #tpu.memory_space<vmem>>[vector<16xi32>, vector<16xi32>], vector<16xf32>,
        %parallel_loop3A_294 = arith.constant 8.000000e+00 : f32
        %parallel_loop3A_295 = vector.broadcast %parallel_loop3A_294 : f32 to vector<16xf32>
        %parallel_loop3A_296 = arith.mulf %parallel_loop3A_293, %parallel_loop3A_295 : vector<16xf32>
        %parallel_loop3A_297 = arith.index_cast %parallel_loop3A_268 : i32 to index
        %parallel_loop3A_298 = arith.index_cast %parallel_loop3A_284 : i32 to index
        %parallel_loop3A_299 = arith.constant 16 : index
        %parallel_loop3A_300 = tpu.vector_load %arg10[%parallel_loop3A_297, %parallel_loop3A_298, %parallel_loop3A_299] {strides = array<i32>} : memref<8x8x128xf32, #tpu.memory_space<vmem>>, vector<16xf32>,
        tpu.vector_store %arg10[%parallel_loop3A_297, %parallel_loop3A_298, %parallel_loop3A_299], %parallel_loop3A_296 {strides = array<i32>} : memref<8x8x128xf32, #tpu.memory_space<vmem>>, vector<16xf32>,
        %parallel_loop3A_301 = tpu.vector_load_idx %arg6[%add3A_11, %parallel_loop3A_244] : memref<128x64xf32, #tpu.memory_space<vmem>>[vector<16xi32>, vector<16xi32>], vector<16xf32>,
        %parallel_loop3A_302 = arith.constant 8.000000e+00 : f32
        %parallel_loop3A_303 = vector.broadcast %parallel_loop3A_302 : f32 to vector<16xf32>
        %parallel_loop3A_304 = arith.mulf %parallel_loop3A_301, %parallel_loop3A_303 : vector<16xf32>
        %parallel_loop3A_305 = arith.index_cast %parallel_loop3A_268 : i32 to index
        %parallel_loop3A_306 = arith.index_cast %parallel_loop3A_284 : i32 to index
        %parallel_loop3A_307 = arith.constant 32 : index
        %parallel_loop3A_308 = tpu.vector_load %arg10[%parallel_loop3A_305, %parallel_loop3A_306, %parallel_loop3A_307] {strides = array<i32>} : memref<8x8x128xf32, #tpu.memory_space<vmem>>, vector<16xf32>,
        tpu.vector_store %arg10[%parallel_loop3A_305, %parallel_loop3A_306, %parallel_loop3A_307], %parallel_loop3A_304 {strides = array<i32>} : memref<8x8x128xf32, #tpu.memory_space<vmem>>, vector<16xf32>,
        %parallel_loop3A_309 = tpu.vector_load_idx %arg6[%add3A_14, %parallel_loop3A_244] : memref<128x64xf32, #tpu.memory_space<vmem>>[vector<16xi32>, vector<16xi32>], vector<16xf32>,
        %parallel_loop3A_310 = arith.constant 8.000000e+00 : f32
        %parallel_loop3A_311 = vector.broadcast %parallel_loop3A_310 : f32 to vector<16xf32>
        %parallel_loop3A_312 = arith.mulf %parallel_loop3A_309, %parallel_loop3A_311 : vector<16xf32>
        %parallel_loop3A_313 = arith.index_cast %parallel_loop3A_268 : i32 to index
        %parallel_loop3A_314 = arith.index_cast %parallel_loop3A_284 : i32 to index
        %parallel_loop3A_315 = arith.constant 48 : index
        %parallel_loop3A_316 = tpu.vector_load %arg10[%parallel_loop3A_313, %parallel_loop3A_314, %parallel_loop3A_315] {strides = array<i32>} : memref<8x8x128xf32, #tpu.memory_space<vmem>>, vector<16xf32>,
        tpu.vector_store %arg10[%parallel_loop3A_313, %parallel_loop3A_314, %parallel_loop3A_315], %parallel_loop3A_312 {strides = array<i32>} : memref<8x8x128xf32, #tpu.memory_space<vmem>>, vector<16xf32>,
        %parallel_loop3A_317 = tpu.vector_load_idx %arg6[%add3A_17, %parallel_loop3A_244] : memref<128x64xf32, #tpu.memory_space<vmem>>[vector<16xi32>, vector<16xi32>], vector<16xf32>,
        %parallel_loop3A_318 = arith.constant 8.000000e+00 : f32
        %parallel_loop3A_319 = vector.broadcast %parallel_loop3A_318 : f32 to vector<16xf32>
        %parallel_loop3A_320 = arith.mulf %parallel_loop3A_317, %parallel_loop3A_319 : vector<16xf32>
        %parallel_loop3A_321 = arith.index_cast %parallel_loop3A_268 : i32 to index
        %parallel_loop3A_322 = arith.index_cast %parallel_loop3A_284 : i32 to index
        %parallel_loop3A_323 = arith.constant 64 : index
        %parallel_loop3A_324 = tpu.vector_load %arg10[%parallel_loop3A_321, %parallel_loop3A_322, %parallel_loop3A_323] {strides = array<i32>} : memref<8x8x128xf32, #tpu.memory_space<vmem>>, vector<16xf32>,
        tpu.vector_store %arg10[%parallel_loop3A_321, %parallel_loop3A_322, %parallel_loop3A_323], %parallel_loop3A_320 {strides = array<i32>} : memref<8x8x128xf32, #tpu.memory_space<vmem>>, vector<16xf32>,
        %parallel_loop3A_325 = tpu.vector_load_idx %arg6[%add3A_20, %parallel_loop3A_244] : memref<128x64xf32, #tpu.memory_space<vmem>>[vector<16xi32>, vector<16xi32>], vector<16xf32>,
        %parallel_loop3A_326 = arith.constant 8.000000e+00 : f32
        %parallel_loop3A_327 = vector.broadcast %parallel_loop3A_326 : f32 to vector<16xf32>
        %parallel_loop3A_328 = arith.mulf %parallel_loop3A_325, %parallel_loop3A_327 : vector<16xf32>
        %parallel_loop3A_329 = arith.index_cast %parallel_loop3A_268 : i32 to index
        %parallel_loop3A_330 = arith.index_cast %parallel_loop3A_284 : i32 to index
        %parallel_loop3A_331 = arith.constant 80 : index
        %parallel_loop3A_332 = tpu.vector_load %arg10[%parallel_loop3A_329, %parallel_loop3A_330, %parallel_loop3A_331] {strides = array<i32>} : memref<8x8x128xf32, #tpu.memory_space<vmem>>, vector<16xf32>,
        tpu.vector_store %arg10[%parallel_loop3A_329, %parallel_loop3A_330, %parallel_loop3A_331], %parallel_loop3A_328 {strides = array<i32>} : memref<8x8x128xf32, #tpu.memory_space<vmem>>, vector<16xf32>,
        %parallel_loop3A_333 = tpu.vector_load_idx %arg6[%add3A_23, %parallel_loop3A_244] : memref<128x64xf32, #tpu.memory_space<vmem>>[vector<16xi32>, vector<16xi32>], vector<16xf32>,
        %parallel_loop3A_334 = arith.constant 8.000000e+00 : f32
        %parallel_loop3A_335 = vector.broadcast %parallel_loop3A_334 : f32 to vector<16xf32>
        %parallel_loop3A_336 = arith.mulf %parallel_loop3A_333, %parallel_loop3A_335 : vector<16xf32>
        %parallel_loop3A_337 = arith.index_cast %parallel_loop3A_268 : i32 to index
        %parallel_loop3A_338 = arith.index_cast %parallel_loop3A_284 : i32 to index
        %parallel_loop3A_339 = arith.constant 96 : index
        %parallel_loop3A_340 = tpu.vector_load %arg10[%parallel_loop3A_337, %parallel_loop3A_338, %parallel_loop3A_339] {strides = array<i32>} : memref<8x8x128xf32, #tpu.memory_space<vmem>>, vector<16xf32>,
        tpu.vector_store %arg10[%parallel_loop3A_337, %parallel_loop3A_338, %parallel_loop3A_339], %parallel_loop3A_336 {strides = array<i32>} : memref<8x8x128xf32, #tpu.memory_space<vmem>>, vector<16xf32>,
        %parallel_loop3A_341 = tpu.vector_load_idx %arg6[%add3A_26, %parallel_loop3A_244] : memref<128x64xf32, #tpu.memory_space<vmem>>[vector<16xi32>, vector<16xi32>], vector<16xf32>,
        %parallel_loop3A_342 = arith.constant 8.000000e+00 : f32
        %parallel_loop3A_343 = vector.broadcast %parallel_loop3A_342 : f32 to vector<16xf32>
        %parallel_loop3A_344 = arith.mulf %parallel_loop3A_341, %parallel_loop3A_343 : vector<16xf32>
        %parallel_loop3A_345 = arith.index_cast %parallel_loop3A_268 : i32 to index
        %parallel_loop3A_346 = arith.index_cast %parallel_loop3A_284 : i32 to index
        %parallel_loop3A_347 = arith.constant 112 : index
        %parallel_loop3A_348 = tpu.vector_load %arg10[%parallel_loop3A_345, %parallel_loop3A_346, %parallel_loop3A_347] {strides = array<i32>} : memref<8x8x128xf32, #tpu.memory_space<vmem>>, vector<16xf32>,
        tpu.vector_store %arg10[%parallel_loop3A_345, %parallel_loop3A_346, %parallel_loop3A_347], %parallel_loop3A_344 {strides = array<i32>} : memref<8x8x128xf32, #tpu.memory_space<vmem>>, vector<16xf32>,
      } {sc.loop_unroll_factor = 4 : i64, sc.parallel_access}
      %lt3A = arith.constant 49 : i32
      %lt3A_125 = arith.cmpi slt, %scan3A_108, %lt3A : i32
      %convert_element_type3A_126 = arith.extui %lt3A_125 : i1 to i32
      %cond3A_127 = arith.constant 0 : i32
      %cond3A_128 = arith.cmpi ne, %convert_element_type3A_126, %cond3A_127 : i32
      scf.if %cond3A_128 {
        %add3A_242 = arith.constant 4 : i32
        %add3A_243 = arith.addi %add3A_113, %add3A_242 : i32
        %dma_start3A_244 = arith.constant 0 : i32
        %dma_start3A_245 = tpu.memref_slice %arg5[%add3A_243, %dma_start3A_244] : memref<200x128xi32, #tpu.memory_space<vmem>> -> memref<1x128xi32, #tpu.memory_space<vmem>>
        %dma_start3A_246 = tpu.memref_squeeze %dma_start3A_245 : memref<1x128xi32, #tpu.memory_space<vmem>> -> memref<128xi32, #tpu.memory_space<vmem>>
        %dma_start3A_247 = arith.constant 0 : i32
        %dma_start3A_248 = arith.constant 0 : i32
        %dma_start3A_249 = tpu.memref_slice %arg2[%dma_start3A_247, %dma_start3A_248] : memref<1000000x64xf32, #tpu.memory_space<hbm>> -> memref<1000000x64xf32, #tpu.memory_space<hbm>>
        tpu.enqueue_indirect_dma source(%dma_start3A_249 : memref<1000000x64xf32, #tpu.memory_space<hbm>>) target(%arg6 : memref<128x64xf32, #tpu.memory_space<vmem>>) offsets(%dma_start3A_246 : memref<128xi32, #tpu.memory_space<vmem>>) semaphore(%arg14 : memref<!tpu.dma_semaphore, #tpu.memory_space<semaphore_mem>>)
      } else {
      }
      %dma_start3A_129 = arith.constant 0 : i32
      %dma_start3A_130 = arith.constant 0 : i32
      %dma_start3A_131 = arith.constant 0 : i32
      %dma_start3A_132 = tpu.memref_slice %arg4[%add3A_113, %dma_start3A_129, %add3A, %dma_start3A_130, %dma_start3A_131] : memref<200x8x32x8x128xf32, #tpu.memory_space<hbm>> -> memref<1x8x1x8x128xf32, #tpu.memory_space<hbm>>
      %dma_start3A_133 = tpu.memref_squeeze %dma_start3A_132 : memref<1x8x1x8x128xf32, #tpu.memory_space<hbm>> -> memref<8x8x128xf32, #tpu.memory_space<hbm>>
      %dma_start3A_134 = arith.constant 0 : i32
      %dma_start3A_135 = arith.constant 0 : i32
      %dma_start3A_136 = arith.constant 0 : i32
      %dma_start3A_137 = tpu.memref_slice %arg4[%add3A_113, %dma_start3A_134, %add3A, %dma_start3A_135, %dma_start3A_136] : memref<200x8x32x8x128xf32, #tpu.memory_space<hbm>> -> memref<1x8x1x8x128xf32, #tpu.memory_space<hbm>>
      %dma_start3A_138 = tpu.memref_squeeze %dma_start3A_137 : memref<1x8x1x8x128xf32, #tpu.memory_space<hbm>> -> memref<8x8x128xf32, #tpu.memory_space<hbm>>
      tpu.enqueue_dma source(%arg10 : memref<8x8x128xf32, #tpu.memory_space<vmem>>) target(%dma_start3A_138 : memref<8x8x128xf32, #tpu.memory_space<hbm>>) target_semaphore(%arg18 : memref<!tpu.dma_semaphore, #tpu.memory_space<semaphore_mem>>)
      %mul3A_139 = arith.constant 4 : i32
      %mul3A_140 = arith.muli %scan3A_108, %mul3A_139 : i32
      %add3A_141 = arith.constant 1 : i32
      %add3A_142 = arith.addi %mul3A_140, %add3A_141 : i32
      %dma_wait3A_143 = arith.constant 0 : i32
      %dma_wait3A_144 = arith.constant 0 : i32
      %dma_wait3A_145 = tpu.memref_slice %arg5[%dma_wait3A_143, %dma_wait3A_144] : memref<200x128xi32, #tpu.memory_space<vmem>> -> memref<1x128xi32, #tpu.memory_space<vmem>>
      %dma_wait3A_146 = tpu.memref_squeeze %dma_wait3A_145 : memref<1x128xi32, #tpu.memory_space<vmem>> -> memref<128xi32, #tpu.memory_space<vmem>>
      %dma_wait3A_147 = arith.constant 0 : i32
      %dma_wait3A_148 = arith.constant 0 : i32
      %dma_wait3A_149 = tpu.memref_slice %arg2[%dma_wait3A_147, %dma_wait3A_148] : memref<1000000x64xf32, #tpu.memory_space<hbm>> -> memref<1000000x64xf32, #tpu.memory_space<hbm>>
      tpu.wait_indirect_dma semaphore(%arg15 : memref<!tpu.dma_semaphore, #tpu.memory_space<semaphore_mem>>) src(%dma_wait3A_149 : memref<1000000x64xf32, #tpu.memory_space<hbm>>) dst(%arg7 : memref<128x64xf32, #tpu.memory_space<vmem>>)
      %gt3A_150 = arith.constant 0 : i32
      %gt3A_151 = arith.cmpi sgt, %scan3A_108, %gt3A_150 : i32
      %convert_element_type3A_152 = arith.extui %gt3A_151 : i1 to i32
      %cond3A_153 = arith.constant 0 : i32
      %cond3A_154 = arith.cmpi ne, %convert_element_type3A_152, %cond3A_153 : i32
      scf.if %cond3A_154 {
        %dma_wait3A_242 = arith.constant 0 : i32
        %dma_wait3A_243 = arith.constant 0 : i32
        %dma_wait3A_244 = arith.constant 0 : i32
        %dma_wait3A_245 = arith.constant 0 : i32
        %dma_wait3A_246 = arith.constant 0 : i32
        %dma_wait3A_247 = tpu.memref_slice %arg4[%dma_wait3A_242, %dma_wait3A_244, %dma_wait3A_243, %dma_wait3A_245, %dma_wait3A_246] : memref<200x8x32x8x128xf32, #tpu.memory_space<hbm>> -> memref<1x8x1x8x128xf32, #tpu.memory_space<hbm>>
        %dma_wait3A_248 = tpu.memref_squeeze %dma_wait3A_247 : memref<1x8x1x8x128xf32, #tpu.memory_space<hbm>> -> memref<8x8x128xf32, #tpu.memory_space<hbm>>
        %dma_wait3A_249 = arith.constant 0 : i32
        %dma_wait3A_250 = arith.constant 0 : i32
        %dma_wait3A_251 = arith.constant 0 : i32
        %dma_wait3A_252 = tpu.memref_slice %arg4[%dma_wait3A_242, %dma_wait3A_249, %dma_wait3A_243, %dma_wait3A_250, %dma_wait3A_251] : memref<200x8x32x8x128xf32, #tpu.memory_space<hbm>> -> memref<1x8x1x8x128xf32, #tpu.memory_space<hbm>>
        %dma_wait3A_253 = tpu.memref_squeeze %dma_wait3A_252 : memref<1x8x1x8x128xf32, #tpu.memory_space<hbm>> -> memref<8x8x128xf32, #tpu.memory_space<hbm>>
        tpu.wait_dma2 semaphore(%arg19 : memref<!tpu.dma_semaphore, #tpu.memory_space<semaphore_mem>>) src(%arg11 : memref<8x8x128xf32, #tpu.memory_space<vmem>>) dst(%dma_wait3A_253 : memref<8x8x128xf32, #tpu.memory_space<hbm>>)
      } else {
      }
      %parallel_loop3A_155 = arith.constant 0 : i32
      %parallel_loop3A_156 = arith.constant 64 : i32
      %parallel_loop3A_157 = arith.constant 1 : i32
      scf.for %parallel_loop3A_242 = %parallel_loop3A_155 to %parallel_loop3A_156 step %parallel_loop3A_157  : i32 {
        %parallel_loop3A_243 = vector.broadcast %parallel_loop3A_242 : i32 to vector<16xi32>
        %parallel_loop3A_244 = arith.addi %broadcast_in_dim3A_27, %parallel_loop3A_243 : vector<16xi32>
        %parallel_loop3A_245 = arith.constant 8 : i32
        %parallel_loop3A_246 = arith.divsi %parallel_loop3A_242, %parallel_loop3A_245 : i32
        %parallel_loop3A_247 = arith.constant 0 : i32
        %parallel_loop3A_248 = arith.cmpi sgt, %parallel_loop3A_242, %parallel_loop3A_247 : i32
        %parallel_loop3A_249 = arith.extui %parallel_loop3A_248 : i1 to i32
        %parallel_loop3A_250 = arith.constant 0 : i32
        %parallel_loop3A_251 = arith.cmpi slt, %parallel_loop3A_242, %parallel_loop3A_250 : i32
        %parallel_loop3A_252 = arith.extui %parallel_loop3A_251 : i1 to i32
        %parallel_loop3A_253 = arith.subi %parallel_loop3A_249, %parallel_loop3A_252 : i32
        %parallel_loop3A_254 = arith.constant 0 : i32
        %parallel_loop3A_255 = arith.cmpi sgt, %parallel_loop3A_245, %parallel_loop3A_254 : i32
        %parallel_loop3A_256 = arith.extui %parallel_loop3A_255 : i1 to i32
        %parallel_loop3A_257 = arith.constant 0 : i32
        %parallel_loop3A_258 = arith.cmpi slt, %parallel_loop3A_245, %parallel_loop3A_257 : i32
        %parallel_loop3A_259 = arith.extui %parallel_loop3A_258 : i1 to i32
        %parallel_loop3A_260 = arith.subi %parallel_loop3A_256, %parallel_loop3A_259 : i32
        %parallel_loop3A_261 = arith.cmpi ne, %parallel_loop3A_253, %parallel_loop3A_260 : i32
        %parallel_loop3A_262 = arith.remsi %parallel_loop3A_242, %parallel_loop3A_245 : i32
        %parallel_loop3A_263 = arith.constant 0 : i32
        %parallel_loop3A_264 = arith.cmpi ne, %parallel_loop3A_262, %parallel_loop3A_263 : i32
        %parallel_loop3A_265 = arith.andi %parallel_loop3A_261, %parallel_loop3A_264 : i1
        %parallel_loop3A_266 = arith.constant 1 : i32
        %parallel_loop3A_267 = arith.subi %parallel_loop3A_246, %parallel_loop3A_266 : i32
        %parallel_loop3A_268 = arith.select %parallel_loop3A_265, %parallel_loop3A_267, %parallel_loop3A_246 : i32
        %parallel_loop3A_269 = arith.constant 8 : i32
        %parallel_loop3A_270 = arith.constant 0 : i32
        %parallel_loop3A_271 = arith.cmpi eq, %parallel_loop3A_269, %parallel_loop3A_270 : i32
        %parallel_loop3A_272 = arith.constant 1 : i32
        %parallel_loop3A_273 = arith.select %parallel_loop3A_271, %parallel_loop3A_272, %parallel_loop3A_269 : i32
        %parallel_loop3A_274 = arith.remsi %parallel_loop3A_242, %parallel_loop3A_273 : i32
        %parallel_loop3A_275 = arith.constant 0 : i32
        %parallel_loop3A_276 = arith.cmpi ne, %parallel_loop3A_274, %parallel_loop3A_275 : i32
        %parallel_loop3A_277 = arith.constant 0 : i32
        %parallel_loop3A_278 = arith.cmpi slt, %parallel_loop3A_274, %parallel_loop3A_277 : i32
        %parallel_loop3A_279 = arith.constant 0 : i32
        %parallel_loop3A_280 = arith.cmpi slt, %parallel_loop3A_273, %parallel_loop3A_279 : i32
        %parallel_loop3A_281 = arith.xori %parallel_loop3A_278, %parallel_loop3A_280 : i1
        %parallel_loop3A_282 = arith.andi %parallel_loop3A_281, %parallel_loop3A_276 : i1
        %parallel_loop3A_283 = arith.addi %parallel_loop3A_274, %parallel_loop3A_273 : i32
        %parallel_loop3A_284 = arith.select %parallel_loop3A_282, %parallel_loop3A_283, %parallel_loop3A_274 : i32
        %parallel_loop3A_285 = tpu.vector_load_idx %arg7[%add3A_5, %parallel_loop3A_244] : memref<128x64xf32, #tpu.memory_space<vmem>>[vector<16xi32>, vector<16xi32>], vector<16xf32>,
        %parallel_loop3A_286 = arith.constant 8.000000e+00 : f32
        %parallel_loop3A_287 = vector.broadcast %parallel_loop3A_286 : f32 to vector<16xf32>
        %parallel_loop3A_288 = arith.mulf %parallel_loop3A_285, %parallel_loop3A_287 : vector<16xf32>
        %parallel_loop3A_289 = arith.index_cast %parallel_loop3A_268 : i32 to index
        %parallel_loop3A_290 = arith.index_cast %parallel_loop3A_284 : i32 to index
        %parallel_loop3A_291 = arith.constant 0 : index
        %parallel_loop3A_292 = tpu.vector_load %arg11[%parallel_loop3A_289, %parallel_loop3A_290, %parallel_loop3A_291] {strides = array<i32>} : memref<8x8x128xf32, #tpu.memory_space<vmem>>, vector<16xf32>,
        tpu.vector_store %arg11[%parallel_loop3A_289, %parallel_loop3A_290, %parallel_loop3A_291], %parallel_loop3A_288 {strides = array<i32>} : memref<8x8x128xf32, #tpu.memory_space<vmem>>, vector<16xf32>,
        %parallel_loop3A_293 = tpu.vector_load_idx %arg7[%add3A_8, %parallel_loop3A_244] : memref<128x64xf32, #tpu.memory_space<vmem>>[vector<16xi32>, vector<16xi32>], vector<16xf32>,
        %parallel_loop3A_294 = arith.constant 8.000000e+00 : f32
        %parallel_loop3A_295 = vector.broadcast %parallel_loop3A_294 : f32 to vector<16xf32>
        %parallel_loop3A_296 = arith.mulf %parallel_loop3A_293, %parallel_loop3A_295 : vector<16xf32>
        %parallel_loop3A_297 = arith.index_cast %parallel_loop3A_268 : i32 to index
        %parallel_loop3A_298 = arith.index_cast %parallel_loop3A_284 : i32 to index
        %parallel_loop3A_299 = arith.constant 16 : index
        %parallel_loop3A_300 = tpu.vector_load %arg11[%parallel_loop3A_297, %parallel_loop3A_298, %parallel_loop3A_299] {strides = array<i32>} : memref<8x8x128xf32, #tpu.memory_space<vmem>>, vector<16xf32>,
        tpu.vector_store %arg11[%parallel_loop3A_297, %parallel_loop3A_298, %parallel_loop3A_299], %parallel_loop3A_296 {strides = array<i32>} : memref<8x8x128xf32, #tpu.memory_space<vmem>>, vector<16xf32>,
        %parallel_loop3A_301 = tpu.vector_load_idx %arg7[%add3A_11, %parallel_loop3A_244] : memref<128x64xf32, #tpu.memory_space<vmem>>[vector<16xi32>, vector<16xi32>], vector<16xf32>,
        %parallel_loop3A_302 = arith.constant 8.000000e+00 : f32
        %parallel_loop3A_303 = vector.broadcast %parallel_loop3A_302 : f32 to vector<16xf32>
        %parallel_loop3A_304 = arith.mulf %parallel_loop3A_301, %parallel_loop3A_303 : vector<16xf32>
        %parallel_loop3A_305 = arith.index_cast %parallel_loop3A_268 : i32 to index
        %parallel_loop3A_306 = arith.index_cast %parallel_loop3A_284 : i32 to index
        %parallel_loop3A_307 = arith.constant 32 : index
        %parallel_loop3A_308 = tpu.vector_load %arg11[%parallel_loop3A_305, %parallel_loop3A_306, %parallel_loop3A_307] {strides = array<i32>} : memref<8x8x128xf32, #tpu.memory_space<vmem>>, vector<16xf32>,
        tpu.vector_store %arg11[%parallel_loop3A_305, %parallel_loop3A_306, %parallel_loop3A_307], %parallel_loop3A_304 {strides = array<i32>} : memref<8x8x128xf32, #tpu.memory_space<vmem>>, vector<16xf32>,
        %parallel_loop3A_309 = tpu.vector_load_idx %arg7[%add3A_14, %parallel_loop3A_244] : memref<128x64xf32, #tpu.memory_space<vmem>>[vector<16xi32>, vector<16xi32>], vector<16xf32>,
        %parallel_loop3A_310 = arith.constant 8.000000e+00 : f32
        %parallel_loop3A_311 = vector.broadcast %parallel_loop3A_310 : f32 to vector<16xf32>
        %parallel_loop3A_312 = arith.mulf %parallel_loop3A_309, %parallel_loop3A_311 : vector<16xf32>
        %parallel_loop3A_313 = arith.index_cast %parallel_loop3A_268 : i32 to index
        %parallel_loop3A_314 = arith.index_cast %parallel_loop3A_284 : i32 to index
        %parallel_loop3A_315 = arith.constant 48 : index
        %parallel_loop3A_316 = tpu.vector_load %arg11[%parallel_loop3A_313, %parallel_loop3A_314, %parallel_loop3A_315] {strides = array<i32>} : memref<8x8x128xf32, #tpu.memory_space<vmem>>, vector<16xf32>,
        tpu.vector_store %arg11[%parallel_loop3A_313, %parallel_loop3A_314, %parallel_loop3A_315], %parallel_loop3A_312 {strides = array<i32>} : memref<8x8x128xf32, #tpu.memory_space<vmem>>, vector<16xf32>,
        %parallel_loop3A_317 = tpu.vector_load_idx %arg7[%add3A_17, %parallel_loop3A_244] : memref<128x64xf32, #tpu.memory_space<vmem>>[vector<16xi32>, vector<16xi32>], vector<16xf32>,
        %parallel_loop3A_318 = arith.constant 8.000000e+00 : f32
        %parallel_loop3A_319 = vector.broadcast %parallel_loop3A_318 : f32 to vector<16xf32>
        %parallel_loop3A_320 = arith.mulf %parallel_loop3A_317, %parallel_loop3A_319 : vector<16xf32>
        %parallel_loop3A_321 = arith.index_cast %parallel_loop3A_268 : i32 to index
        %parallel_loop3A_322 = arith.index_cast %parallel_loop3A_284 : i32 to index
        %parallel_loop3A_323 = arith.constant 64 : index
        %parallel_loop3A_324 = tpu.vector_load %arg11[%parallel_loop3A_321, %parallel_loop3A_322, %parallel_loop3A_323] {strides = array<i32>} : memref<8x8x128xf32, #tpu.memory_space<vmem>>, vector<16xf32>,
        tpu.vector_store %arg11[%parallel_loop3A_321, %parallel_loop3A_322, %parallel_loop3A_323], %parallel_loop3A_320 {strides = array<i32>} : memref<8x8x128xf32, #tpu.memory_space<vmem>>, vector<16xf32>,
        %parallel_loop3A_325 = tpu.vector_load_idx %arg7[%add3A_20, %parallel_loop3A_244] : memref<128x64xf32, #tpu.memory_space<vmem>>[vector<16xi32>, vector<16xi32>], vector<16xf32>,
        %parallel_loop3A_326 = arith.constant 8.000000e+00 : f32
        %parallel_loop3A_327 = vector.broadcast %parallel_loop3A_326 : f32 to vector<16xf32>
        %parallel_loop3A_328 = arith.mulf %parallel_loop3A_325, %parallel_loop3A_327 : vector<16xf32>
        %parallel_loop3A_329 = arith.index_cast %parallel_loop3A_268 : i32 to index
        %parallel_loop3A_330 = arith.index_cast %parallel_loop3A_284 : i32 to index
        %parallel_loop3A_331 = arith.constant 80 : index
        %parallel_loop3A_332 = tpu.vector_load %arg11[%parallel_loop3A_329, %parallel_loop3A_330, %parallel_loop3A_331] {strides = array<i32>} : memref<8x8x128xf32, #tpu.memory_space<vmem>>, vector<16xf32>,
        tpu.vector_store %arg11[%parallel_loop3A_329, %parallel_loop3A_330, %parallel_loop3A_331], %parallel_loop3A_328 {strides = array<i32>} : memref<8x8x128xf32, #tpu.memory_space<vmem>>, vector<16xf32>,
        %parallel_loop3A_333 = tpu.vector_load_idx %arg7[%add3A_23, %parallel_loop3A_244] : memref<128x64xf32, #tpu.memory_space<vmem>>[vector<16xi32>, vector<16xi32>], vector<16xf32>,
        %parallel_loop3A_334 = arith.constant 8.000000e+00 : f32
        %parallel_loop3A_335 = vector.broadcast %parallel_loop3A_334 : f32 to vector<16xf32>
        %parallel_loop3A_336 = arith.mulf %parallel_loop3A_333, %parallel_loop3A_335 : vector<16xf32>
        %parallel_loop3A_337 = arith.index_cast %parallel_loop3A_268 : i32 to index
        %parallel_loop3A_338 = arith.index_cast %parallel_loop3A_284 : i32 to index
        %parallel_loop3A_339 = arith.constant 96 : index
        %parallel_loop3A_340 = tpu.vector_load %arg11[%parallel_loop3A_337, %parallel_loop3A_338, %parallel_loop3A_339] {strides = array<i32>} : memref<8x8x128xf32, #tpu.memory_space<vmem>>, vector<16xf32>,
        tpu.vector_store %arg11[%parallel_loop3A_337, %parallel_loop3A_338, %parallel_loop3A_339], %parallel_loop3A_336 {strides = array<i32>} : memref<8x8x128xf32, #tpu.memory_space<vmem>>, vector<16xf32>,
        %parallel_loop3A_341 = tpu.vector_load_idx %arg7[%add3A_26, %parallel_loop3A_244] : memref<128x64xf32, #tpu.memory_space<vmem>>[vector<16xi32>, vector<16xi32>], vector<16xf32>,
        %parallel_loop3A_342 = arith.constant 8.000000e+00 : f32
        %parallel_loop3A_343 = vector.broadcast %parallel_loop3A_342 : f32 to vector<16xf32>
        %parallel_loop3A_344 = arith.mulf %parallel_loop3A_341, %parallel_loop3A_343 : vector<16xf32>
        %parallel_loop3A_345 = arith.index_cast %parallel_loop3A_268 : i32 to index
        %parallel_loop3A_346 = arith.index_cast %parallel_loop3A_284 : i32 to index
        %parallel_loop3A_347 = arith.constant 112 : index
        %parallel_loop3A_348 = tpu.vector_load %arg11[%parallel_loop3A_345, %parallel_loop3A_346, %parallel_loop3A_347] {strides = array<i32>} : memref<8x8x128xf32, #tpu.memory_space<vmem>>, vector<16xf32>,
        tpu.vector_store %arg11[%parallel_loop3A_345, %parallel_loop3A_346, %parallel_loop3A_347], %parallel_loop3A_344 {strides = array<i32>} : memref<8x8x128xf32, #tpu.memory_space<vmem>>, vector<16xf32>,
      } {sc.loop_unroll_factor = 4 : i64, sc.parallel_access}
      %lt3A_158 = arith.constant 49 : i32
      %lt3A_159 = arith.cmpi slt, %scan3A_108, %lt3A_158 : i32
      %convert_element_type3A_160 = arith.extui %lt3A_159 : i1 to i32
      %cond3A_161 = arith.constant 0 : i32
      %cond3A_162 = arith.cmpi ne, %convert_element_type3A_160, %cond3A_161 : i32
      scf.if %cond3A_162 {
        %add3A_242 = arith.constant 4 : i32
        %add3A_243 = arith.addi %add3A_142, %add3A_242 : i32
        %dma_start3A_244 = arith.constant 0 : i32
        %dma_start3A_245 = tpu.memref_slice %arg5[%add3A_243, %dma_start3A_244] : memref<200x128xi32, #tpu.memory_space<vmem>> -> memref<1x128xi32, #tpu.memory_space<vmem>>
        %dma_start3A_246 = tpu.memref_squeeze %dma_start3A_245 : memref<1x128xi32, #tpu.memory_space<vmem>> -> memref<128xi32, #tpu.memory_space<vmem>>
        %dma_start3A_247 = arith.constant 0 : i32
        %dma_start3A_248 = arith.constant 0 : i32
        %dma_start3A_249 = tpu.memref_slice %arg2[%dma_start3A_247, %dma_start3A_248] : memref<1000000x64xf32, #tpu.memory_space<hbm>> -> memref<1000000x64xf32, #tpu.memory_space<hbm>>
        tpu.enqueue_indirect_dma source(%dma_start3A_249 : memref<1000000x64xf32, #tpu.memory_space<hbm>>) target(%arg7 : memref<128x64xf32, #tpu.memory_space<vmem>>) offsets(%dma_start3A_246 : memref<128xi32, #tpu.memory_space<vmem>>) semaphore(%arg15 : memref<!tpu.dma_semaphore, #tpu.memory_space<semaphore_mem>>)
      } else {
      }
      %dma_start3A_163 = arith.constant 0 : i32
      %dma_start3A_164 = arith.constant 0 : i32
      %dma_start3A_165 = arith.constant 0 : i32
      %dma_start3A_166 = tpu.memref_slice %arg4[%add3A_142, %dma_start3A_163, %add3A, %dma_start3A_164, %dma_start3A_165] : memref<200x8x32x8x128xf32, #tpu.memory_space<hbm>> -> memref<1x8x1x8x128xf32, #tpu.memory_space<hbm>>
      %dma_start3A_167 = tpu.memref_squeeze %dma_start3A_166 : memref<1x8x1x8x128xf32, #tpu.memory_space<hbm>> -> memref<8x8x128xf32, #tpu.memory_space<hbm>>
      %dma_start3A_168 = arith.constant 0 : i32
      %dma_start3A_169 = arith.constant 0 : i32
      %dma_start3A_170 = arith.constant 0 : i32
      %dma_start3A_171 = tpu.memref_slice %arg4[%add3A_142, %dma_start3A_168, %add3A, %dma_start3A_169, %dma_start3A_170] : memref<200x8x32x8x128xf32, #tpu.memory_space<hbm>> -> memref<1x8x1x8x128xf32, #tpu.memory_space<hbm>>
      %dma_start3A_172 = tpu.memref_squeeze %dma_start3A_171 : memref<1x8x1x8x128xf32, #tpu.memory_space<hbm>> -> memref<8x8x128xf32, #tpu.memory_space<hbm>>
      tpu.enqueue_dma source(%arg11 : memref<8x8x128xf32, #tpu.memory_space<vmem>>) target(%dma_start3A_172 : memref<8x8x128xf32, #tpu.memory_space<hbm>>) target_semaphore(%arg19 : memref<!tpu.dma_semaphore, #tpu.memory_space<semaphore_mem>>)
      %mul3A_173 = arith.constant 4 : i32
      %mul3A_174 = arith.muli %scan3A_108, %mul3A_173 : i32
      %add3A_175 = arith.constant 2 : i32
      %add3A_176 = arith.addi %mul3A_174, %add3A_175 : i32
      %dma_wait3A_177 = arith.constant 0 : i32
      %dma_wait3A_178 = arith.constant 0 : i32
      %dma_wait3A_179 = tpu.memref_slice %arg5[%dma_wait3A_177, %dma_wait3A_178] : memref<200x128xi32, #tpu.memory_space<vmem>> -> memref<1x128xi32, #tpu.memory_space<vmem>>
      %dma_wait3A_180 = tpu.memref_squeeze %dma_wait3A_179 : memref<1x128xi32, #tpu.memory_space<vmem>> -> memref<128xi32, #tpu.memory_space<vmem>>
      %dma_wait3A_181 = arith.constant 0 : i32
      %dma_wait3A_182 = arith.constant 0 : i32
      %dma_wait3A_183 = tpu.memref_slice %arg2[%dma_wait3A_181, %dma_wait3A_182] : memref<1000000x64xf32, #tpu.memory_space<hbm>> -> memref<1000000x64xf32, #tpu.memory_space<hbm>>
      tpu.wait_indirect_dma semaphore(%arg16 : memref<!tpu.dma_semaphore, #tpu.memory_space<semaphore_mem>>) src(%dma_wait3A_183 : memref<1000000x64xf32, #tpu.memory_space<hbm>>) dst(%arg8 : memref<128x64xf32, #tpu.memory_space<vmem>>)
      %gt3A_184 = arith.constant 0 : i32
      %gt3A_185 = arith.cmpi sgt, %scan3A_108, %gt3A_184 : i32
      %convert_element_type3A_186 = arith.extui %gt3A_185 : i1 to i32
      %cond3A_187 = arith.constant 0 : i32
      %cond3A_188 = arith.cmpi ne, %convert_element_type3A_186, %cond3A_187 : i32
      scf.if %cond3A_188 {
        %dma_wait3A_242 = arith.constant 0 : i32
        %dma_wait3A_243 = arith.constant 0 : i32
        %dma_wait3A_244 = arith.constant 0 : i32
        %dma_wait3A_245 = arith.constant 0 : i32
        %dma_wait3A_246 = arith.constant 0 : i32
        %dma_wait3A_247 = tpu.memref_slice %arg4[%dma_wait3A_242, %dma_wait3A_244, %dma_wait3A_243, %dma_wait3A_245, %dma_wait3A_246] : memref<200x8x32x8x128xf32, #tpu.memory_space<hbm>> -> memref<1x8x1x8x128xf32, #tpu.memory_space<hbm>>
        %dma_wait3A_248 = tpu.memref_squeeze %dma_wait3A_247 : memref<1x8x1x8x128xf32, #tpu.memory_space<hbm>> -> memref<8x8x128xf32, #tpu.memory_space<hbm>>
        %dma_wait3A_249 = arith.constant 0 : i32
        %dma_wait3A_250 = arith.constant 0 : i32
        %dma_wait3A_251 = arith.constant 0 : i32
        %dma_wait3A_252 = tpu.memref_slice %arg4[%dma_wait3A_242, %dma_wait3A_249, %dma_wait3A_243, %dma_wait3A_250, %dma_wait3A_251] : memref<200x8x32x8x128xf32, #tpu.memory_space<hbm>> -> memref<1x8x1x8x128xf32, #tpu.memory_space<hbm>>
        %dma_wait3A_253 = tpu.memref_squeeze %dma_wait3A_252 : memref<1x8x1x8x128xf32, #tpu.memory_space<hbm>> -> memref<8x8x128xf32, #tpu.memory_space<hbm>>
        tpu.wait_dma2 semaphore(%arg20 : memref<!tpu.dma_semaphore, #tpu.memory_space<semaphore_mem>>) src(%arg12 : memref<8x8x128xf32, #tpu.memory_space<vmem>>) dst(%dma_wait3A_253 : memref<8x8x128xf32, #tpu.memory_space<hbm>>)
      } else {
      }
      %parallel_loop3A_189 = arith.constant 0 : i32
      %parallel_loop3A_190 = arith.constant 64 : i32
      %parallel_loop3A_191 = arith.constant 1 : i32
      scf.for %parallel_loop3A_242 = %parallel_loop3A_189 to %parallel_loop3A_190 step %parallel_loop3A_191  : i32 {
        %parallel_loop3A_243 = vector.broadcast %parallel_loop3A_242 : i32 to vector<16xi32>
        %parallel_loop3A_244 = arith.addi %broadcast_in_dim3A_27, %parallel_loop3A_243 : vector<16xi32>
        %parallel_loop3A_245 = arith.constant 8 : i32
        %parallel_loop3A_246 = arith.divsi %parallel_loop3A_242, %parallel_loop3A_245 : i32
        %parallel_loop3A_247 = arith.constant 0 : i32
        %parallel_loop3A_248 = arith.cmpi sgt, %parallel_loop3A_242, %parallel_loop3A_247 : i32
        %parallel_loop3A_249 = arith.extui %parallel_loop3A_248 : i1 to i32
        %parallel_loop3A_250 = arith.constant 0 : i32
        %parallel_loop3A_251 = arith.cmpi slt, %parallel_loop3A_242, %parallel_loop3A_250 : i32
        %parallel_loop3A_252 = arith.extui %parallel_loop3A_251 : i1 to i32
        %parallel_loop3A_253 = arith.subi %parallel_loop3A_249, %parallel_loop3A_252 : i32
        %parallel_loop3A_254 = arith.constant 0 : i32
        %parallel_loop3A_255 = arith.cmpi sgt, %parallel_loop3A_245, %parallel_loop3A_254 : i32
        %parallel_loop3A_256 = arith.extui %parallel_loop3A_255 : i1 to i32
        %parallel_loop3A_257 = arith.constant 0 : i32
        %parallel_loop3A_258 = arith.cmpi slt, %parallel_loop3A_245, %parallel_loop3A_257 : i32
        %parallel_loop3A_259 = arith.extui %parallel_loop3A_258 : i1 to i32
        %parallel_loop3A_260 = arith.subi %parallel_loop3A_256, %parallel_loop3A_259 : i32
        %parallel_loop3A_261 = arith.cmpi ne, %parallel_loop3A_253, %parallel_loop3A_260 : i32
        %parallel_loop3A_262 = arith.remsi %parallel_loop3A_242, %parallel_loop3A_245 : i32
        %parallel_loop3A_263 = arith.constant 0 : i32
        %parallel_loop3A_264 = arith.cmpi ne, %parallel_loop3A_262, %parallel_loop3A_263 : i32
        %parallel_loop3A_265 = arith.andi %parallel_loop3A_261, %parallel_loop3A_264 : i1
        %parallel_loop3A_266 = arith.constant 1 : i32
        %parallel_loop3A_267 = arith.subi %parallel_loop3A_246, %parallel_loop3A_266 : i32
        %parallel_loop3A_268 = arith.select %parallel_loop3A_265, %parallel_loop3A_267, %parallel_loop3A_246 : i32
        %parallel_loop3A_269 = arith.constant 8 : i32
        %parallel_loop3A_270 = arith.constant 0 : i32
        %parallel_loop3A_271 = arith.cmpi eq, %parallel_loop3A_269, %parallel_loop3A_270 : i32
        %parallel_loop3A_272 = arith.constant 1 : i32
        %parallel_loop3A_273 = arith.select %parallel_loop3A_271, %parallel_loop3A_272, %parallel_loop3A_269 : i32
        %parallel_loop3A_274 = arith.remsi %parallel_loop3A_242, %parallel_loop3A_273 : i32
        %parallel_loop3A_275 = arith.constant 0 : i32
        %parallel_loop3A_276 = arith.cmpi ne, %parallel_loop3A_274, %parallel_loop3A_275 : i32
        %parallel_loop3A_277 = arith.constant 0 : i32
        %parallel_loop3A_278 = arith.cmpi slt, %parallel_loop3A_274, %parallel_loop3A_277 : i32
        %parallel_loop3A_279 = arith.constant 0 : i32
        %parallel_loop3A_280 = arith.cmpi slt, %parallel_loop3A_273, %parallel_loop3A_279 : i32
        %parallel_loop3A_281 = arith.xori %parallel_loop3A_278, %parallel_loop3A_280 : i1
        %parallel_loop3A_282 = arith.andi %parallel_loop3A_281, %parallel_loop3A_276 : i1
        %parallel_loop3A_283 = arith.addi %parallel_loop3A_274, %parallel_loop3A_273 : i32
        %parallel_loop3A_284 = arith.select %parallel_loop3A_282, %parallel_loop3A_283, %parallel_loop3A_274 : i32
        %parallel_loop3A_285 = tpu.vector_load_idx %arg8[%add3A_5, %parallel_loop3A_244] : memref<128x64xf32, #tpu.memory_space<vmem>>[vector<16xi32>, vector<16xi32>], vector<16xf32>,
        %parallel_loop3A_286 = arith.constant 8.000000e+00 : f32
        %parallel_loop3A_287 = vector.broadcast %parallel_loop3A_286 : f32 to vector<16xf32>
        %parallel_loop3A_288 = arith.mulf %parallel_loop3A_285, %parallel_loop3A_287 : vector<16xf32>
        %parallel_loop3A_289 = arith.index_cast %parallel_loop3A_268 : i32 to index
        %parallel_loop3A_290 = arith.index_cast %parallel_loop3A_284 : i32 to index
        %parallel_loop3A_291 = arith.constant 0 : index
        %parallel_loop3A_292 = tpu.vector_load %arg12[%parallel_loop3A_289, %parallel_loop3A_290, %parallel_loop3A_291] {strides = array<i32>} : memref<8x8x128xf32, #tpu.memory_space<vmem>>, vector<16xf32>,
        tpu.vector_store %arg12[%parallel_loop3A_289, %parallel_loop3A_290, %parallel_loop3A_291], %parallel_loop3A_288 {strides = array<i32>} : memref<8x8x128xf32, #tpu.memory_space<vmem>>, vector<16xf32>,
        %parallel_loop3A_293 = tpu.vector_load_idx %arg8[%add3A_8, %parallel_loop3A_244] : memref<128x64xf32, #tpu.memory_space<vmem>>[vector<16xi32>, vector<16xi32>], vector<16xf32>,
        %parallel_loop3A_294 = arith.constant 8.000000e+00 : f32
        %parallel_loop3A_295 = vector.broadcast %parallel_loop3A_294 : f32 to vector<16xf32>
        %parallel_loop3A_296 = arith.mulf %parallel_loop3A_293, %parallel_loop3A_295 : vector<16xf32>
        %parallel_loop3A_297 = arith.index_cast %parallel_loop3A_268 : i32 to index
        %parallel_loop3A_298 = arith.index_cast %parallel_loop3A_284 : i32 to index
        %parallel_loop3A_299 = arith.constant 16 : index
        %parallel_loop3A_300 = tpu.vector_load %arg12[%parallel_loop3A_297, %parallel_loop3A_298, %parallel_loop3A_299] {strides = array<i32>} : memref<8x8x128xf32, #tpu.memory_space<vmem>>, vector<16xf32>,
        tpu.vector_store %arg12[%parallel_loop3A_297, %parallel_loop3A_298, %parallel_loop3A_299], %parallel_loop3A_296 {strides = array<i32>} : memref<8x8x128xf32, #tpu.memory_space<vmem>>, vector<16xf32>,
        %parallel_loop3A_301 = tpu.vector_load_idx %arg8[%add3A_11, %parallel_loop3A_244] : memref<128x64xf32, #tpu.memory_space<vmem>>[vector<16xi32>, vector<16xi32>], vector<16xf32>,
        %parallel_loop3A_302 = arith.constant 8.000000e+00 : f32
        %parallel_loop3A_303 = vector.broadcast %parallel_loop3A_302 : f32 to vector<16xf32>
        %parallel_loop3A_304 = arith.mulf %parallel_loop3A_301, %parallel_loop3A_303 : vector<16xf32>
        %parallel_loop3A_305 = arith.index_cast %parallel_loop3A_268 : i32 to index
        %parallel_loop3A_306 = arith.index_cast %parallel_loop3A_284 : i32 to index
        %parallel_loop3A_307 = arith.constant 32 : index
        %parallel_loop3A_308 = tpu.vector_load %arg12[%parallel_loop3A_305, %parallel_loop3A_306, %parallel_loop3A_307] {strides = array<i32>} : memref<8x8x128xf32, #tpu.memory_space<vmem>>, vector<16xf32>,
        tpu.vector_store %arg12[%parallel_loop3A_305, %parallel_loop3A_306, %parallel_loop3A_307], %parallel_loop3A_304 {strides = array<i32>} : memref<8x8x128xf32, #tpu.memory_space<vmem>>, vector<16xf32>,
        %parallel_loop3A_309 = tpu.vector_load_idx %arg8[%add3A_14, %parallel_loop3A_244] : memref<128x64xf32, #tpu.memory_space<vmem>>[vector<16xi32>, vector<16xi32>], vector<16xf32>,
        %parallel_loop3A_310 = arith.constant 8.000000e+00 : f32
        %parallel_loop3A_311 = vector.broadcast %parallel_loop3A_310 : f32 to vector<16xf32>
        %parallel_loop3A_312 = arith.mulf %parallel_loop3A_309, %parallel_loop3A_311 : vector<16xf32>
        %parallel_loop3A_313 = arith.index_cast %parallel_loop3A_268 : i32 to index
        %parallel_loop3A_314 = arith.index_cast %parallel_loop3A_284 : i32 to index
        %parallel_loop3A_315 = arith.constant 48 : index
        %parallel_loop3A_316 = tpu.vector_load %arg12[%parallel_loop3A_313, %parallel_loop3A_314, %parallel_loop3A_315] {strides = array<i32>} : memref<8x8x128xf32, #tpu.memory_space<vmem>>, vector<16xf32>,
        tpu.vector_store %arg12[%parallel_loop3A_313, %parallel_loop3A_314, %parallel_loop3A_315], %parallel_loop3A_312 {strides = array<i32>} : memref<8x8x128xf32, #tpu.memory_space<vmem>>, vector<16xf32>,
        %parallel_loop3A_317 = tpu.vector_load_idx %arg8[%add3A_17, %parallel_loop3A_244] : memref<128x64xf32, #tpu.memory_space<vmem>>[vector<16xi32>, vector<16xi32>], vector<16xf32>,
        %parallel_loop3A_318 = arith.constant 8.000000e+00 : f32
        %parallel_loop3A_319 = vector.broadcast %parallel_loop3A_318 : f32 to vector<16xf32>
        %parallel_loop3A_320 = arith.mulf %parallel_loop3A_317, %parallel_loop3A_319 : vector<16xf32>
        %parallel_loop3A_321 = arith.index_cast %parallel_loop3A_268 : i32 to index
        %parallel_loop3A_322 = arith.index_cast %parallel_loop3A_284 : i32 to index
        %parallel_loop3A_323 = arith.constant 64 : index
        %parallel_loop3A_324 = tpu.vector_load %arg12[%parallel_loop3A_321, %parallel_loop3A_322, %parallel_loop3A_323] {strides = array<i32>} : memref<8x8x128xf32, #tpu.memory_space<vmem>>, vector<16xf32>,
        tpu.vector_store %arg12[%parallel_loop3A_321, %parallel_loop3A_322, %parallel_loop3A_323], %parallel_loop3A_320 {strides = array<i32>} : memref<8x8x128xf32, #tpu.memory_space<vmem>>, vector<16xf32>,
        %parallel_loop3A_325 = tpu.vector_load_idx %arg8[%add3A_20, %parallel_loop3A_244] : memref<128x64xf32, #tpu.memory_space<vmem>>[vector<16xi32>, vector<16xi32>], vector<16xf32>,
        %parallel_loop3A_326 = arith.constant 8.000000e+00 : f32
        %parallel_loop3A_327 = vector.broadcast %parallel_loop3A_326 : f32 to vector<16xf32>
        %parallel_loop3A_328 = arith.mulf %parallel_loop3A_325, %parallel_loop3A_327 : vector<16xf32>
        %parallel_loop3A_329 = arith.index_cast %parallel_loop3A_268 : i32 to index
        %parallel_loop3A_330 = arith.index_cast %parallel_loop3A_284 : i32 to index
        %parallel_loop3A_331 = arith.constant 80 : index
        %parallel_loop3A_332 = tpu.vector_load %arg12[%parallel_loop3A_329, %parallel_loop3A_330, %parallel_loop3A_331] {strides = array<i32>} : memref<8x8x128xf32, #tpu.memory_space<vmem>>, vector<16xf32>,
        tpu.vector_store %arg12[%parallel_loop3A_329, %parallel_loop3A_330, %parallel_loop3A_331], %parallel_loop3A_328 {strides = array<i32>} : memref<8x8x128xf32, #tpu.memory_space<vmem>>, vector<16xf32>,
        %parallel_loop3A_333 = tpu.vector_load_idx %arg8[%add3A_23, %parallel_loop3A_244] : memref<128x64xf32, #tpu.memory_space<vmem>>[vector<16xi32>, vector<16xi32>], vector<16xf32>,
        %parallel_loop3A_334 = arith.constant 8.000000e+00 : f32
        %parallel_loop3A_335 = vector.broadcast %parallel_loop3A_334 : f32 to vector<16xf32>
        %parallel_loop3A_336 = arith.mulf %parallel_loop3A_333, %parallel_loop3A_335 : vector<16xf32>
        %parallel_loop3A_337 = arith.index_cast %parallel_loop3A_268 : i32 to index
        %parallel_loop3A_338 = arith.index_cast %parallel_loop3A_284 : i32 to index
        %parallel_loop3A_339 = arith.constant 96 : index
        %parallel_loop3A_340 = tpu.vector_load %arg12[%parallel_loop3A_337, %parallel_loop3A_338, %parallel_loop3A_339] {strides = array<i32>} : memref<8x8x128xf32, #tpu.memory_space<vmem>>, vector<16xf32>,
        tpu.vector_store %arg12[%parallel_loop3A_337, %parallel_loop3A_338, %parallel_loop3A_339], %parallel_loop3A_336 {strides = array<i32>} : memref<8x8x128xf32, #tpu.memory_space<vmem>>, vector<16xf32>,
        %parallel_loop3A_341 = tpu.vector_load_idx %arg8[%add3A_26, %parallel_loop3A_244] : memref<128x64xf32, #tpu.memory_space<vmem>>[vector<16xi32>, vector<16xi32>], vector<16xf32>,
        %parallel_loop3A_342 = arith.constant 8.000000e+00 : f32
        %parallel_loop3A_343 = vector.broadcast %parallel_loop3A_342 : f32 to vector<16xf32>
        %parallel_loop3A_344 = arith.mulf %parallel_loop3A_341, %parallel_loop3A_343 : vector<16xf32>
        %parallel_loop3A_345 = arith.index_cast %parallel_loop3A_268 : i32 to index
        %parallel_loop3A_346 = arith.index_cast %parallel_loop3A_284 : i32 to index
        %parallel_loop3A_347 = arith.constant 112 : index
        %parallel_loop3A_348 = tpu.vector_load %arg12[%parallel_loop3A_345, %parallel_loop3A_346, %parallel_loop3A_347] {strides = array<i32>} : memref<8x8x128xf32, #tpu.memory_space<vmem>>, vector<16xf32>,
        tpu.vector_store %arg12[%parallel_loop3A_345, %parallel_loop3A_346, %parallel_loop3A_347], %parallel_loop3A_344 {strides = array<i32>} : memref<8x8x128xf32, #tpu.memory_space<vmem>>, vector<16xf32>,
      } {sc.loop_unroll_factor = 4 : i64, sc.parallel_access}
      %lt3A_192 = arith.constant 49 : i32
      %lt3A_193 = arith.cmpi slt, %scan3A_108, %lt3A_192 : i32
      %convert_element_type3A_194 = arith.extui %lt3A_193 : i1 to i32
      %cond3A_195 = arith.constant 0 : i32
      %cond3A_196 = arith.cmpi ne, %convert_element_type3A_194, %cond3A_195 : i32
      scf.if %cond3A_196 {
        %add3A_242 = arith.constant 4 : i32
        %add3A_243 = arith.addi %add3A_176, %add3A_242 : i32
        %dma_start3A_244 = arith.constant 0 : i32
        %dma_start3A_245 = tpu.memref_slice %arg5[%add3A_243, %dma_start3A_244] : memref<200x128xi32, #tpu.memory_space<vmem>> -> memref<1x128xi32, #tpu.memory_space<vmem>>
        %dma_start3A_246 = tpu.memref_squeeze %dma_start3A_245 : memref<1x128xi32, #tpu.memory_space<vmem>> -> memref<128xi32, #tpu.memory_space<vmem>>
        %dma_start3A_247 = arith.constant 0 : i32
        %dma_start3A_248 = arith.constant 0 : i32
        %dma_start3A_249 = tpu.memref_slice %arg2[%dma_start3A_247, %dma_start3A_248] : memref<1000000x64xf32, #tpu.memory_space<hbm>> -> memref<1000000x64xf32, #tpu.memory_space<hbm>>
        tpu.enqueue_indirect_dma source(%dma_start3A_249 : memref<1000000x64xf32, #tpu.memory_space<hbm>>) target(%arg8 : memref<128x64xf32, #tpu.memory_space<vmem>>) offsets(%dma_start3A_246 : memref<128xi32, #tpu.memory_space<vmem>>) semaphore(%arg16 : memref<!tpu.dma_semaphore, #tpu.memory_space<semaphore_mem>>)
      } else {
      }
      %dma_start3A_197 = arith.constant 0 : i32
      %dma_start3A_198 = arith.constant 0 : i32
      %dma_start3A_199 = arith.constant 0 : i32
      %dma_start3A_200 = tpu.memref_slice %arg4[%add3A_176, %dma_start3A_197, %add3A, %dma_start3A_198, %dma_start3A_199] : memref<200x8x32x8x128xf32, #tpu.memory_space<hbm>> -> memref<1x8x1x8x128xf32, #tpu.memory_space<hbm>>
      %dma_start3A_201 = tpu.memref_squeeze %dma_start3A_200 : memref<1x8x1x8x128xf32, #tpu.memory_space<hbm>> -> memref<8x8x128xf32, #tpu.memory_space<hbm>>
      %dma_start3A_202 = arith.constant 0 : i32
      %dma_start3A_203 = arith.constant 0 : i32
      %dma_start3A_204 = arith.constant 0 : i32
      %dma_start3A_205 = tpu.memref_slice %arg4[%add3A_176, %dma_start3A_202, %add3A, %dma_start3A_203, %dma_start3A_204] : memref<200x8x32x8x128xf32, #tpu.memory_space<hbm>> -> memref<1x8x1x8x128xf32, #tpu.memory_space<hbm>>
      %dma_start3A_206 = tpu.memref_squeeze %dma_start3A_205 : memref<1x8x1x8x128xf32, #tpu.memory_space<hbm>> -> memref<8x8x128xf32, #tpu.memory_space<hbm>>
      tpu.enqueue_dma source(%arg12 : memref<8x8x128xf32, #tpu.memory_space<vmem>>) target(%dma_start3A_206 : memref<8x8x128xf32, #tpu.memory_space<hbm>>) target_semaphore(%arg20 : memref<!tpu.dma_semaphore, #tpu.memory_space<semaphore_mem>>)
      %mul3A_207 = arith.constant 4 : i32
      %mul3A_208 = arith.muli %scan3A_108, %mul3A_207 : i32
      %add3A_209 = arith.constant 3 : i32
      %add3A_210 = arith.addi %mul3A_208, %add3A_209 : i32
      %dma_wait3A_211 = arith.constant 0 : i32
      %dma_wait3A_212 = arith.constant 0 : i32
      %dma_wait3A_213 = tpu.memref_slice %arg5[%dma_wait3A_211, %dma_wait3A_212] : memref<200x128xi32, #tpu.memory_space<vmem>> -> memref<1x128xi32, #tpu.memory_space<vmem>>
      %dma_wait3A_214 = tpu.memref_squeeze %dma_wait3A_213 : memref<1x128xi32, #tpu.memory_space<vmem>> -> memref<128xi32, #tpu.memory_space<vmem>>
      %dma_wait3A_215 = arith.constant 0 : i32
      %dma_wait3A_216 = arith.constant 0 : i32
      %dma_wait3A_217 = tpu.memref_slice %arg2[%dma_wait3A_215, %dma_wait3A_216] : memref<1000000x64xf32, #tpu.memory_space<hbm>> -> memref<1000000x64xf32, #tpu.memory_space<hbm>>
      tpu.wait_indirect_dma semaphore(%arg17 : memref<!tpu.dma_semaphore, #tpu.memory_space<semaphore_mem>>) src(%dma_wait3A_217 : memref<1000000x64xf32, #tpu.memory_space<hbm>>) dst(%arg9 : memref<128x64xf32, #tpu.memory_space<vmem>>)
      %gt3A_218 = arith.constant 0 : i32
      %gt3A_219 = arith.cmpi sgt, %scan3A_108, %gt3A_218 : i32
      %convert_element_type3A_220 = arith.extui %gt3A_219 : i1 to i32
      %cond3A_221 = arith.constant 0 : i32
      %cond3A_222 = arith.cmpi ne, %convert_element_type3A_220, %cond3A_221 : i32
      scf.if %cond3A_222 {
        %dma_wait3A_242 = arith.constant 0 : i32
        %dma_wait3A_243 = arith.constant 0 : i32
        %dma_wait3A_244 = arith.constant 0 : i32
        %dma_wait3A_245 = arith.constant 0 : i32
        %dma_wait3A_246 = arith.constant 0 : i32
        %dma_wait3A_247 = tpu.memref_slice %arg4[%dma_wait3A_242, %dma_wait3A_244, %dma_wait3A_243, %dma_wait3A_245, %dma_wait3A_246] : memref<200x8x32x8x128xf32, #tpu.memory_space<hbm>> -> memref<1x8x1x8x128xf32, #tpu.memory_space<hbm>>
        %dma_wait3A_248 = tpu.memref_squeeze %dma_wait3A_247 : memref<1x8x1x8x128xf32, #tpu.memory_space<hbm>> -> memref<8x8x128xf32, #tpu.memory_space<hbm>>
        %dma_wait3A_249 = arith.constant 0 : i32
        %dma_wait3A_250 = arith.constant 0 : i32
        %dma_wait3A_251 = arith.constant 0 : i32
        %dma_wait3A_252 = tpu.memref_slice %arg4[%dma_wait3A_242, %dma_wait3A_249, %dma_wait3A_243, %dma_wait3A_250, %dma_wait3A_251] : memref<200x8x32x8x128xf32, #tpu.memory_space<hbm>> -> memref<1x8x1x8x128xf32, #tpu.memory_space<hbm>>
        %dma_wait3A_253 = tpu.memref_squeeze %dma_wait3A_252 : memref<1x8x1x8x128xf32, #tpu.memory_space<hbm>> -> memref<8x8x128xf32, #tpu.memory_space<hbm>>
        tpu.wait_dma2 semaphore(%arg21 : memref<!tpu.dma_semaphore, #tpu.memory_space<semaphore_mem>>) src(%arg13 : memref<8x8x128xf32, #tpu.memory_space<vmem>>) dst(%dma_wait3A_253 : memref<8x8x128xf32, #tpu.memory_space<hbm>>)
      } else {
      }
      %parallel_loop3A_223 = arith.constant 0 : i32
      %parallel_loop3A_224 = arith.constant 64 : i32
      %parallel_loop3A_225 = arith.constant 1 : i32
      scf.for %parallel_loop3A_242 = %parallel_loop3A_223 to %parallel_loop3A_224 step %parallel_loop3A_225  : i32 {
        %parallel_loop3A_243 = vector.broadcast %parallel_loop3A_242 : i32 to vector<16xi32>
        %parallel_loop3A_244 = arith.addi %broadcast_in_dim3A_27, %parallel_loop3A_243 : vector<16xi32>
        %parallel_loop3A_245 = arith.constant 8 : i32
        %parallel_loop3A_246 = arith.divsi %parallel_loop3A_242, %parallel_loop3A_245 : i32
        %parallel_loop3A_247 = arith.constant 0 : i32
        %parallel_loop3A_248 = arith.cmpi sgt, %parallel_loop3A_242, %parallel_loop3A_247 : i32
        %parallel_loop3A_249 = arith.extui %parallel_loop3A_248 : i1 to i32
        %parallel_loop3A_250 = arith.constant 0 : i32
        %parallel_loop3A_251 = arith.cmpi slt, %parallel_loop3A_242, %parallel_loop3A_250 : i32
        %parallel_loop3A_252 = arith.extui %parallel_loop3A_251 : i1 to i32
        %parallel_loop3A_253 = arith.subi %parallel_loop3A_249, %parallel_loop3A_252 : i32
        %parallel_loop3A_254 = arith.constant 0 : i32
        %parallel_loop3A_255 = arith.cmpi sgt, %parallel_loop3A_245, %parallel_loop3A_254 : i32
        %parallel_loop3A_256 = arith.extui %parallel_loop3A_255 : i1 to i32
        %parallel_loop3A_257 = arith.constant 0 : i32
        %parallel_loop3A_258 = arith.cmpi slt, %parallel_loop3A_245, %parallel_loop3A_257 : i32
        %parallel_loop3A_259 = arith.extui %parallel_loop3A_258 : i1 to i32
        %parallel_loop3A_260 = arith.subi %parallel_loop3A_256, %parallel_loop3A_259 : i32
        %parallel_loop3A_261 = arith.cmpi ne, %parallel_loop3A_253, %parallel_loop3A_260 : i32
        %parallel_loop3A_262 = arith.remsi %parallel_loop3A_242, %parallel_loop3A_245 : i32
        %parallel_loop3A_263 = arith.constant 0 : i32
        %parallel_loop3A_264 = arith.cmpi ne, %parallel_loop3A_262, %parallel_loop3A_263 : i32
        %parallel_loop3A_265 = arith.andi %parallel_loop3A_261, %parallel_loop3A_264 : i1
        %parallel_loop3A_266 = arith.constant 1 : i32
        %parallel_loop3A_267 = arith.subi %parallel_loop3A_246, %parallel_loop3A_266 : i32
        %parallel_loop3A_268 = arith.select %parallel_loop3A_265, %parallel_loop3A_267, %parallel_loop3A_246 : i32
        %parallel_loop3A_269 = arith.constant 8 : i32
        %parallel_loop3A_270 = arith.constant 0 : i32
        %parallel_loop3A_271 = arith.cmpi eq, %parallel_loop3A_269, %parallel_loop3A_270 : i32
        %parallel_loop3A_272 = arith.constant 1 : i32
        %parallel_loop3A_273 = arith.select %parallel_loop3A_271, %parallel_loop3A_272, %parallel_loop3A_269 : i32
        %parallel_loop3A_274 = arith.remsi %parallel_loop3A_242, %parallel_loop3A_273 : i32
        %parallel_loop3A_275 = arith.constant 0 : i32
        %parallel_loop3A_276 = arith.cmpi ne, %parallel_loop3A_274, %parallel_loop3A_275 : i32
        %parallel_loop3A_277 = arith.constant 0 : i32
        %parallel_loop3A_278 = arith.cmpi slt, %parallel_loop3A_274, %parallel_loop3A_277 : i32
        %parallel_loop3A_279 = arith.constant 0 : i32
        %parallel_loop3A_280 = arith.cmpi slt, %parallel_loop3A_273, %parallel_loop3A_279 : i32
        %parallel_loop3A_281 = arith.xori %parallel_loop3A_278, %parallel_loop3A_280 : i1
        %parallel_loop3A_282 = arith.andi %parallel_loop3A_281, %parallel_loop3A_276 : i1
        %parallel_loop3A_283 = arith.addi %parallel_loop3A_274, %parallel_loop3A_273 : i32
        %parallel_loop3A_284 = arith.select %parallel_loop3A_282, %parallel_loop3A_283, %parallel_loop3A_274 : i32
        %parallel_loop3A_285 = tpu.vector_load_idx %arg9[%add3A_5, %parallel_loop3A_244] : memref<128x64xf32, #tpu.memory_space<vmem>>[vector<16xi32>, vector<16xi32>], vector<16xf32>,
        %parallel_loop3A_286 = arith.constant 8.000000e+00 : f32
        %parallel_loop3A_287 = vector.broadcast %parallel_loop3A_286 : f32 to vector<16xf32>
        %parallel_loop3A_288 = arith.mulf %parallel_loop3A_285, %parallel_loop3A_287 : vector<16xf32>
        %parallel_loop3A_289 = arith.index_cast %parallel_loop3A_268 : i32 to index
        %parallel_loop3A_290 = arith.index_cast %parallel_loop3A_284 : i32 to index
        %parallel_loop3A_291 = arith.constant 0 : index
        %parallel_loop3A_292 = tpu.vector_load %arg13[%parallel_loop3A_289, %parallel_loop3A_290, %parallel_loop3A_291] {strides = array<i32>} : memref<8x8x128xf32, #tpu.memory_space<vmem>>, vector<16xf32>,
        tpu.vector_store %arg13[%parallel_loop3A_289, %parallel_loop3A_290, %parallel_loop3A_291], %parallel_loop3A_288 {strides = array<i32>} : memref<8x8x128xf32, #tpu.memory_space<vmem>>, vector<16xf32>,
        %parallel_loop3A_293 = tpu.vector_load_idx %arg9[%add3A_8, %parallel_loop3A_244] : memref<128x64xf32, #tpu.memory_space<vmem>>[vector<16xi32>, vector<16xi32>], vector<16xf32>,
        %parallel_loop3A_294 = arith.constant 8.000000e+00 : f32
        %parallel_loop3A_295 = vector.broadcast %parallel_loop3A_294 : f32 to vector<16xf32>
        %parallel_loop3A_296 = arith.mulf %parallel_loop3A_293, %parallel_loop3A_295 : vector<16xf32>
        %parallel_loop3A_297 = arith.index_cast %parallel_loop3A_268 : i32 to index
        %parallel_loop3A_298 = arith.index_cast %parallel_loop3A_284 : i32 to index
        %parallel_loop3A_299 = arith.constant 16 : index
        %parallel_loop3A_300 = tpu.vector_load %arg13[%parallel_loop3A_297, %parallel_loop3A_298, %parallel_loop3A_299] {strides = array<i32>} : memref<8x8x128xf32, #tpu.memory_space<vmem>>, vector<16xf32>,
        tpu.vector_store %arg13[%parallel_loop3A_297, %parallel_loop3A_298, %parallel_loop3A_299], %parallel_loop3A_296 {strides = array<i32>} : memref<8x8x128xf32, #tpu.memory_space<vmem>>, vector<16xf32>,
        %parallel_loop3A_301 = tpu.vector_load_idx %arg9[%add3A_11, %parallel_loop3A_244] : memref<128x64xf32, #tpu.memory_space<vmem>>[vector<16xi32>, vector<16xi32>], vector<16xf32>,
        %parallel_loop3A_302 = arith.constant 8.000000e+00 : f32
        %parallel_loop3A_303 = vector.broadcast %parallel_loop3A_302 : f32 to vector<16xf32>
        %parallel_loop3A_304 = arith.mulf %parallel_loop3A_301, %parallel_loop3A_303 : vector<16xf32>
        %parallel_loop3A_305 = arith.index_cast %parallel_loop3A_268 : i32 to index
        %parallel_loop3A_306 = arith.index_cast %parallel_loop3A_284 : i32 to index
        %parallel_loop3A_307 = arith.constant 32 : index
        %parallel_loop3A_308 = tpu.vector_load %arg13[%parallel_loop3A_305, %parallel_loop3A_306, %parallel_loop3A_307] {strides = array<i32>} : memref<8x8x128xf32, #tpu.memory_space<vmem>>, vector<16xf32>,
        tpu.vector_store %arg13[%parallel_loop3A_305, %parallel_loop3A_306, %parallel_loop3A_307], %parallel_loop3A_304 {strides = array<i32>} : memref<8x8x128xf32, #tpu.memory_space<vmem>>, vector<16xf32>,
        %parallel_loop3A_309 = tpu.vector_load_idx %arg9[%add3A_14, %parallel_loop3A_244] : memref<128x64xf32, #tpu.memory_space<vmem>>[vector<16xi32>, vector<16xi32>], vector<16xf32>,
        %parallel_loop3A_310 = arith.constant 8.000000e+00 : f32
        %parallel_loop3A_311 = vector.broadcast %parallel_loop3A_310 : f32 to vector<16xf32>
        %parallel_loop3A_312 = arith.mulf %parallel_loop3A_309, %parallel_loop3A_311 : vector<16xf32>
        %parallel_loop3A_313 = arith.index_cast %parallel_loop3A_268 : i32 to index
        %parallel_loop3A_314 = arith.index_cast %parallel_loop3A_284 : i32 to index
        %parallel_loop3A_315 = arith.constant 48 : index
        %parallel_loop3A_316 = tpu.vector_load %arg13[%parallel_loop3A_313, %parallel_loop3A_314, %parallel_loop3A_315] {strides = array<i32>} : memref<8x8x128xf32, #tpu.memory_space<vmem>>, vector<16xf32>,
        tpu.vector_store %arg13[%parallel_loop3A_313, %parallel_loop3A_314, %parallel_loop3A_315], %parallel_loop3A_312 {strides = array<i32>} : memref<8x8x128xf32, #tpu.memory_space<vmem>>, vector<16xf32>,
        %parallel_loop3A_317 = tpu.vector_load_idx %arg9[%add3A_17, %parallel_loop3A_244] : memref<128x64xf32, #tpu.memory_space<vmem>>[vector<16xi32>, vector<16xi32>], vector<16xf32>,
        %parallel_loop3A_318 = arith.constant 8.000000e+00 : f32
        %parallel_loop3A_319 = vector.broadcast %parallel_loop3A_318 : f32 to vector<16xf32>
        %parallel_loop3A_320 = arith.mulf %parallel_loop3A_317, %parallel_loop3A_319 : vector<16xf32>
        %parallel_loop3A_321 = arith.index_cast %parallel_loop3A_268 : i32 to index
        %parallel_loop3A_322 = arith.index_cast %parallel_loop3A_284 : i32 to index
        %parallel_loop3A_323 = arith.constant 64 : index
        %parallel_loop3A_324 = tpu.vector_load %arg13[%parallel_loop3A_321, %parallel_loop3A_322, %parallel_loop3A_323] {strides = array<i32>} : memref<8x8x128xf32, #tpu.memory_space<vmem>>, vector<16xf32>,
        tpu.vector_store %arg13[%parallel_loop3A_321, %parallel_loop3A_322, %parallel_loop3A_323], %parallel_loop3A_320 {strides = array<i32>} : memref<8x8x128xf32, #tpu.memory_space<vmem>>, vector<16xf32>,
        %parallel_loop3A_325 = tpu.vector_load_idx %arg9[%add3A_20, %parallel_loop3A_244] : memref<128x64xf32, #tpu.memory_space<vmem>>[vector<16xi32>, vector<16xi32>], vector<16xf32>,
        %parallel_loop3A_326 = arith.constant 8.000000e+00 : f32
        %parallel_loop3A_327 = vector.broadcast %parallel_loop3A_326 : f32 to vector<16xf32>
        %parallel_loop3A_328 = arith.mulf %parallel_loop3A_325, %parallel_loop3A_327 : vector<16xf32>
        %parallel_loop3A_329 = arith.index_cast %parallel_loop3A_268 : i32 to index
        %parallel_loop3A_330 = arith.index_cast %parallel_loop3A_284 : i32 to index
        %parallel_loop3A_331 = arith.constant 80 : index
        %parallel_loop3A_332 = tpu.vector_load %arg13[%parallel_loop3A_329, %parallel_loop3A_330, %parallel_loop3A_331] {strides = array<i32>} : memref<8x8x128xf32, #tpu.memory_space<vmem>>, vector<16xf32>,
        tpu.vector_store %arg13[%parallel_loop3A_329, %parallel_loop3A_330, %parallel_loop3A_331], %parallel_loop3A_328 {strides = array<i32>} : memref<8x8x128xf32, #tpu.memory_space<vmem>>, vector<16xf32>,
        %parallel_loop3A_333 = tpu.vector_load_idx %arg9[%add3A_23, %parallel_loop3A_244] : memref<128x64xf32, #tpu.memory_space<vmem>>[vector<16xi32>, vector<16xi32>], vector<16xf32>,
        %parallel_loop3A_334 = arith.constant 8.000000e+00 : f32
        %parallel_loop3A_335 = vector.broadcast %parallel_loop3A_334 : f32 to vector<16xf32>
        %parallel_loop3A_336 = arith.mulf %parallel_loop3A_333, %parallel_loop3A_335 : vector<16xf32>
        %parallel_loop3A_337 = arith.index_cast %parallel_loop3A_268 : i32 to index
        %parallel_loop3A_338 = arith.index_cast %parallel_loop3A_284 : i32 to index
        %parallel_loop3A_339 = arith.constant 96 : index
        %parallel_loop3A_340 = tpu.vector_load %arg13[%parallel_loop3A_337, %parallel_loop3A_338, %parallel_loop3A_339] {strides = array<i32>} : memref<8x8x128xf32, #tpu.memory_space<vmem>>, vector<16xf32>,
        tpu.vector_store %arg13[%parallel_loop3A_337, %parallel_loop3A_338, %parallel_loop3A_339], %parallel_loop3A_336 {strides = array<i32>} : memref<8x8x128xf32, #tpu.memory_space<vmem>>, vector<16xf32>,
        %parallel_loop3A_341 = tpu.vector_load_idx %arg9[%add3A_26, %parallel_loop3A_244] : memref<128x64xf32, #tpu.memory_space<vmem>>[vector<16xi32>, vector<16xi32>], vector<16xf32>,
        %parallel_loop3A_342 = arith.constant 8.000000e+00 : f32
        %parallel_loop3A_343 = vector.broadcast %parallel_loop3A_342 : f32 to vector<16xf32>
        %parallel_loop3A_344 = arith.mulf %parallel_loop3A_341, %parallel_loop3A_343 : vector<16xf32>
        %parallel_loop3A_345 = arith.index_cast %parallel_loop3A_268 : i32 to index
        %parallel_loop3A_346 = arith.index_cast %parallel_loop3A_284 : i32 to index
        %parallel_loop3A_347 = arith.constant 112 : index
        %parallel_loop3A_348 = tpu.vector_load %arg13[%parallel_loop3A_345, %parallel_loop3A_346, %parallel_loop3A_347] {strides = array<i32>} : memref<8x8x128xf32, #tpu.memory_space<vmem>>, vector<16xf32>,
        tpu.vector_store %arg13[%parallel_loop3A_345, %parallel_loop3A_346, %parallel_loop3A_347], %parallel_loop3A_344 {strides = array<i32>} : memref<8x8x128xf32, #tpu.memory_space<vmem>>, vector<16xf32>,
      } {sc.loop_unroll_factor = 4 : i64, sc.parallel_access}
      %lt3A_226 = arith.constant 49 : i32
      %lt3A_227 = arith.cmpi slt, %scan3A_108, %lt3A_226 : i32
      %convert_element_type3A_228 = arith.extui %lt3A_227 : i1 to i32
      %cond3A_229 = arith.constant 0 : i32
      %cond3A_230 = arith.cmpi ne, %convert_element_type3A_228, %cond3A_229 : i32
      scf.if %cond3A_230 {
        %add3A_242 = arith.constant 4 : i32
        %add3A_243 = arith.addi %add3A_210, %add3A_242 : i32
        %dma_start3A_244 = arith.constant 0 : i32
        %dma_start3A_245 = tpu.memref_slice %arg5[%add3A_243, %dma_start3A_244] : memref<200x128xi32, #tpu.memory_space<vmem>> -> memref<1x128xi32, #tpu.memory_space<vmem>>
        %dma_start3A_246 = tpu.memref_squeeze %dma_start3A_245 : memref<1x128xi32, #tpu.memory_space<vmem>> -> memref<128xi32, #tpu.memory_space<vmem>>
        %dma_start3A_247 = arith.constant 0 : i32
        %dma_start3A_248 = arith.constant 0 : i32
        %dma_start3A_249 = tpu.memref_slice %arg2[%dma_start3A_247, %dma_start3A_248] : memref<1000000x64xf32, #tpu.memory_space<hbm>> -> memref<1000000x64xf32, #tpu.memory_space<hbm>>
        tpu.enqueue_indirect_dma source(%dma_start3A_249 : memref<1000000x64xf32, #tpu.memory_space<hbm>>) target(%arg9 : memref<128x64xf32, #tpu.memory_space<vmem>>) offsets(%dma_start3A_246 : memref<128xi32, #tpu.memory_space<vmem>>) semaphore(%arg17 : memref<!tpu.dma_semaphore, #tpu.memory_space<semaphore_mem>>)
      } else {
      }
      %dma_start3A_231 = arith.constant 0 : i32
      %dma_start3A_232 = arith.constant 0 : i32
      %dma_start3A_233 = arith.constant 0 : i32
      %dma_start3A_234 = tpu.memref_slice %arg4[%add3A_210, %dma_start3A_231, %add3A, %dma_start3A_232, %dma_start3A_233] : memref<200x8x32x8x128xf32, #tpu.memory_space<hbm>> -> memref<1x8x1x8x128xf32, #tpu.memory_space<hbm>>
      %dma_start3A_235 = tpu.memref_squeeze %dma_start3A_234 : memref<1x8x1x8x128xf32, #tpu.memory_space<hbm>> -> memref<8x8x128xf32, #tpu.memory_space<hbm>>
      %dma_start3A_236 = arith.constant 0 : i32
      %dma_start3A_237 = arith.constant 0 : i32
      %dma_start3A_238 = arith.constant 0 : i32
      %dma_start3A_239 = tpu.memref_slice %arg4[%add3A_210, %dma_start3A_236, %add3A, %dma_start3A_237, %dma_start3A_238] : memref<200x8x32x8x128xf32, #tpu.memory_space<hbm>> -> memref<1x8x1x8x128xf32, #tpu.memory_space<hbm>>
      %dma_start3A_240 = tpu.memref_squeeze %dma_start3A_239 : memref<1x8x1x8x128xf32, #tpu.memory_space<hbm>> -> memref<8x8x128xf32, #tpu.memory_space<hbm>>
      tpu.enqueue_dma source(%arg13 : memref<8x8x128xf32, #tpu.memory_space<vmem>>) target(%dma_start3A_240 : memref<8x8x128xf32, #tpu.memory_space<hbm>>) target_semaphore(%arg21 : memref<!tpu.dma_semaphore, #tpu.memory_space<semaphore_mem>>)
      %scan3A_241 = arith.constant 0 : i32
      scf.yield %scan3A_241 : i32
    }
    %scan3A_60 = arith.constant 50 : i32
    %dma_wait3A = arith.constant 0 : i32
    %dma_wait3A_61 = arith.constant 0 : i32
    %dma_wait3A_62 = arith.constant 0 : i32
    %dma_wait3A_63 = arith.constant 0 : i32
    %dma_wait3A_64 = arith.constant 0 : i32
    %dma_wait3A_65 = tpu.memref_slice %arg4[%dma_wait3A, %dma_wait3A_62, %dma_wait3A_61, %dma_wait3A_63, %dma_wait3A_64] : memref<200x8x32x8x128xf32, #tpu.memory_space<hbm>> -> memref<1x8x1x8x128xf32, #tpu.memory_space<hbm>>
    %dma_wait3A_66 = tpu.memref_squeeze %dma_wait3A_65 : memref<1x8x1x8x128xf32, #tpu.memory_space<hbm>> -> memref<8x8x128xf32, #tpu.memory_space<hbm>>
    %dma_wait3A_67 = arith.constant 0 : i32
    %dma_wait3A_68 = arith.constant 0 : i32
    %dma_wait3A_69 = arith.constant 0 : i32
    %dma_wait3A_70 = tpu.memref_slice %arg4[%dma_wait3A, %dma_wait3A_67, %dma_wait3A_61, %dma_wait3A_68, %dma_wait3A_69] : memref<200x8x32x8x128xf32, #tpu.memory_space<hbm>> -> memref<1x8x1x8x128xf32, #tpu.memory_space<hbm>>
    %dma_wait3A_71 = tpu.memref_squeeze %dma_wait3A_70 : memref<1x8x1x8x128xf32, #tpu.memory_space<hbm>> -> memref<8x8x128xf32, #tpu.memory_space<hbm>>
    tpu.wait_dma2 semaphore(%arg18 : memref<!tpu.dma_semaphore, #tpu.memory_space<semaphore_mem>>) src(%arg10 : memref<8x8x128xf32, #tpu.memory_space<vmem>>) dst(%dma_wait3A_71 : memref<8x8x128xf32, #tpu.memory_space<hbm>>)
    %dma_wait3A_72 = arith.constant 0 : i32
    %dma_wait3A_73 = arith.constant 0 : i32
    %dma_wait3A_74 = arith.constant 0 : i32
    %dma_wait3A_75 = arith.constant 0 : i32
    %dma_wait3A_76 = arith.constant 0 : i32
    %dma_wait3A_77 = tpu.memref_slice %arg4[%dma_wait3A_72, %dma_wait3A_74, %dma_wait3A_73, %dma_wait3A_75, %dma_wait3A_76] : memref<200x8x32x8x128xf32, #tpu.memory_space<hbm>> -> memref<1x8x1x8x128xf32, #tpu.memory_space<hbm>>
    %dma_wait3A_78 = tpu.memref_squeeze %dma_wait3A_77 : memref<1x8x1x8x128xf32, #tpu.memory_space<hbm>> -> memref<8x8x128xf32, #tpu.memory_space<hbm>>
    %dma_wait3A_79 = arith.constant 0 : i32
    %dma_wait3A_80 = arith.constant 0 : i32
    %dma_wait3A_81 = arith.constant 0 : i32
    %dma_wait3A_82 = tpu.memref_slice %arg4[%dma_wait3A_72, %dma_wait3A_79, %dma_wait3A_73, %dma_wait3A_80, %dma_wait3A_81] : memref<200x8x32x8x128xf32, #tpu.memory_space<hbm>> -> memref<1x8x1x8x128xf32, #tpu.memory_space<hbm>>
    %dma_wait3A_83 = tpu.memref_squeeze %dma_wait3A_82 : memref<1x8x1x8x128xf32, #tpu.memory_space<hbm>> -> memref<8x8x128xf32, #tpu.memory_space<hbm>>
    tpu.wait_dma2 semaphore(%arg19 : memref<!tpu.dma_semaphore, #tpu.memory_space<semaphore_mem>>) src(%arg11 : memref<8x8x128xf32, #tpu.memory_space<vmem>>) dst(%dma_wait3A_83 : memref<8x8x128xf32, #tpu.memory_space<hbm>>)
    %dma_wait3A_84 = arith.constant 0 : i32
    %dma_wait3A_85 = arith.constant 0 : i32
    %dma_wait3A_86 = arith.constant 0 : i32
    %dma_wait3A_87 = arith.constant 0 : i32
    %dma_wait3A_88 = arith.constant 0 : i32
    %dma_wait3A_89 = tpu.memref_slice %arg4[%dma_wait3A_84, %dma_wait3A_86, %dma_wait3A_85, %dma_wait3A_87, %dma_wait3A_88] : memref<200x8x32x8x128xf32, #tpu.memory_space<hbm>> -> memref<1x8x1x8x128xf32, #tpu.memory_space<hbm>>
    %dma_wait3A_90 = tpu.memref_squeeze %dma_wait3A_89 : memref<1x8x1x8x128xf32, #tpu.memory_space<hbm>> -> memref<8x8x128xf32, #tpu.memory_space<hbm>>
    %dma_wait3A_91 = arith.constant 0 : i32
    %dma_wait3A_92 = arith.constant 0 : i32
    %dma_wait3A_93 = arith.constant 0 : i32
    %dma_wait3A_94 = tpu.memref_slice %arg4[%dma_wait3A_84, %dma_wait3A_91, %dma_wait3A_85, %dma_wait3A_92, %dma_wait3A_93] : memref<200x8x32x8x128xf32, #tpu.memory_space<hbm>> -> memref<1x8x1x8x128xf32, #tpu.memory_space<hbm>>
    %dma_wait3A_95 = tpu.memref_squeeze %dma_wait3A_94 : memref<1x8x1x8x128xf32, #tpu.memory_space<hbm>> -> memref<8x8x128xf32, #tpu.memory_space<hbm>>
    tpu.wait_dma2 semaphore(%arg20 : memref<!tpu.dma_semaphore, #tpu.memory_space<semaphore_mem>>) src(%arg12 : memref<8x8x128xf32, #tpu.memory_space<vmem>>) dst(%dma_wait3A_95 : memref<8x8x128xf32, #tpu.memory_space<hbm>>)
    %dma_wait3A_96 = arith.constant 0 : i32
    %dma_wait3A_97 = arith.constant 0 : i32
    %dma_wait3A_98 = arith.constant 0 : i32
    %dma_wait3A_99 = arith.constant 0 : i32
    %dma_wait3A_100 = arith.constant 0 : i32
    %dma_wait3A_101 = tpu.memref_slice %arg4[%dma_wait3A_96, %dma_wait3A_98, %dma_wait3A_97, %dma_wait3A_99, %dma_wait3A_100] : memref<200x8x32x8x128xf32, #tpu.memory_space<hbm>> -> memref<1x8x1x8x128xf32, #tpu.memory_space<hbm>>
    %dma_wait3A_102 = tpu.memref_squeeze %dma_wait3A_101 : memref<1x8x1x8x128xf32, #tpu.memory_space<hbm>> -> memref<8x8x128xf32, #tpu.memory_space<hbm>>
    %dma_wait3A_103 = arith.constant 0 : i32
    %dma_wait3A_104 = arith.constant 0 : i32
    %dma_wait3A_105 = arith.constant 0 : i32
    %dma_wait3A_106 = tpu.memref_slice %arg4[%dma_wait3A_96, %dma_wait3A_103, %dma_wait3A_97, %dma_wait3A_104, %dma_wait3A_105] : memref<200x8x32x8x128xf32, #tpu.memory_space<hbm>> -> memref<1x8x1x8x128xf32, #tpu.memory_space<hbm>>
    %dma_wait3A_107 = tpu.memref_squeeze %dma_wait3A_106 : memref<1x8x1x8x128xf32, #tpu.memory_space<hbm>> -> memref<8x8x128xf32, #tpu.memory_space<hbm>>
    tpu.wait_dma2 semaphore(%arg21 : memref<!tpu.dma_semaphore, #tpu.memory_space<semaphore_mem>>) src(%arg13 : memref<8x8x128xf32, #tpu.memory_space<vmem>>) dst(%dma_wait3A_107 : memref<8x8x128xf32, #tpu.memory_space<hbm>>)
    return
  }
}

</mosaic_0001>

<sc_bundles>
// kernel: kernel.3.cloned.1.call-start
scs
__scs_entry_jumppad:
0x0: {  	(pc) =	sbr.rel $0x88, $3  }
0x1: {  	(tag) =	ssettag $0x0;
	lr =	simm.s32 $0x1  }
0x2: {  	[smem:$0x3F9F] =	sst lr;
	_ =	strace $0xD0000000  }
0x3: {  	_ = 	snop  }
0x4: {  	_ = 	snop  }
0x5: {  	_ = 	snop  }
0x6: {  	_ = 	snop  }
0x7: {  	_ = 	snop  }
__scs_overlays_trampoline_lowered:
0x8: {  	[smem:$0x3FAE] =	sst s0  }
0x9: {  	[smem:$0x3FAF] =	sst s1  }
0xa: {  	[smem:$0x3FB0] =	sst s2  }
0xb: {  	[smem:$0x3FB1] =	sst s3  }
0xc: {  	[smem:$0x3FB2] =	sst s4  }
0xd: {  	[smem:$0x3FB3] =	sst s5  }
0xe: {  	[smem:$0x3FB4] =	sst s6  }
0xf: {  	[smem:$0x3FB5] =	sst s7  }
0x10: {  	[smem:$0x3FB6] =	sst s8  }
0x11: {  	[smem:$0x3FB7] =	sst s9;
	s0 =	simm.s32 @!p0 $0x0  }
0x12: {  	s1 =	sld [smem:$0x3F9D];
	s0 =	simm.s32 @p0 $0x1  }
0x13: {  	[smem:$0x3FB8] =	sst s0;
	s0 =	simm.s32 @!p1 $0x0  }
0x14: {  	s2 =	sld [smem:$0x3F9C];
	s0 =	simm.s32 @p1 $0x1  }
0x15: {  	[smem:$0x3FB9] =	sst s0;
	s0 =	simm.s32 @!p2 $0x0  }
0x16: {  	s3 =	sld [smem:$0x3FDB];
	s0 =	simm.s32 @p2 $0x1  }
0x17: {  	s4 =	simm.s32 $0x1BF5;
	[smem:$0x3FBB] =	sst s0  }
0x18: {  	s0 =	sld [smem:$0x3F9E];
	_ =	swait.ge [sflag:s4], $0x0  }
0x19: {  	s7 =	sld [smem:$0x3F9F]  }
0x1a: {  	s8 =	sadd.s32 $0xFFFFE003, lr  }
0x1b: {  	s9 =	sadd.s32 $0xFFFFFEF7, lr;
	s5 =	simm.s32 $0xFFFFFFFF;
	p2 =	slt.u32 s8, $0xFFFFF086  }
0x1c: {  	p1 =	slt.u32 s9, $0xF7A;
	s5 =	simm.s32 @!p2 $0x0  }
0x1d: {  	s5 =	simm.s32 @p1 $0x1;
	p0 =	seq.s32 s7, s2  }
0x1e: {  	s7 =	smul.u32 @!p0 $0xF7A, s2;
	p2 =	seq.s32 @!p0 s5, $0x0  }
0x1f: {  	s9 =	smul.u32 $0xF7A, s1;
	s8 =	simm.s32 @!p0 $0x1BF5;
	p2 =	por !p2, p0  }
0x20: {  	[sflag:s8] =	ssyncset.s32 @!p0 $0xFFFFF086;
	s6 =	sadd.s32 @!p0 s3, s7;
	s7 =	simm.s32 @!p0 $0x108  }
0x21: {  	s3 =	sadd.s32 s3, s9;
	s6 =	sadd.s32 @!p0 $0x88, s6;
	s7 =	simm.s32 @p2 $0x1082  }
0x22: {  	[simem:s7], [sflag:s8] =	dma.local @!p0 [hbm:s6], $0xF7A  }
0x23: {  	s9 =	sor.u32 $0xD0000000, s2;
	s6 =	simm.s32 $0x108;
	_ =	swait.ge @!p0 [sflag:s8], $0x0  }
0x24: {  	s3 =	sadd.s32 $0x88, s3;
	s6 =	simm.s32 @!p1 $0x1082;
	[sflag:s4] =	ssyncset.s32 $0xFFFFF086  }
0x25: {  	[simem:s6], [sflag:s4] =	dma.local [hbm:s3], $0xF7A  }
0x26: {  	[smem:$0x3F9F] =	sst s1;
	(tag) =	ssettag s2;
	_ =	strace s9  }
0x27: {  	s1 =	sld [smem:$0x3FAF]  }
0x28: {  	s2 =	sld [smem:$0x3FB0]  }
0x29: {  	s4 =	sld [smem:$0x3FB2]  }
0x2a: {  	p0 =	seq.s32 s5, $0x0;
	s5 =	sld [smem:$0x3FB3]  }
0x2b: {  	s6 =	sld [smem:$0x3FB4]  }
0x2c: {  	s7 =	sld [smem:$0x3FB5]  }
0x2d: {  	s3 =	simm.s32 $0x108;
	s8 =	sld [smem:$0x3FB6]  }
0x2e: {  	s3 =	simm.s32 @!p0 $0x1082;
	s9 =	sld [smem:$0x3FB7]  }
0x2f: {  	lr =	sadd.s32 s0, s3;
	s0 =	sld [smem:$0x3FAE]  }
0x30: {  	s3 =	sld [smem:$0x3FB1]  }
0x31: {  	[smem:$0x3FBA] =	sst s10  }
0x32: {  	s10 =	sld [smem:$0x3FB8];
	_ =	sdelay $0x3  }
0x33: {  	p0 =	seq.s32 s10, $0x1;
	s10 =	sld [smem:$0x3FBA];
	_ =	sdelay $0x3  }
0x34: {  	[smem:$0x3FBA] =	sst s10  }
0x35: {  	s10 =	sld [smem:$0x3FB9];
	_ =	sdelay $0x3  }
0x36: {  	p1 =	seq.s32 s10, $0x1;
	s10 =	sld [smem:$0x3FBA];
	_ =	sdelay $0x3  }
0x37: {  	[smem:$0x3FBA] =	sst s10  }
0x38: {  	s10 =	sld [smem:$0x3FBB]  }
0x39: {  	_ = 	snop;
	(pc) =	sbr.ind lr, $3  }
0x3a: {  	_ = 	snop  }
0x3b: {  	_ = 	snop  }
0x3c: {  	p2 =	seq.s32 s10, $0x1;
	s10 =	sld [smem:$0x3FBA]  }
0x3d: {  	_ =	shalt  }
0x3e: {  	_ =	shalt  }
0x3f: {  	_ =	shalt  }
0x40: {  	_ =	shalt  }
0x41: {  	_ =	shalt  }
0x42: {  	_ =	shalt  }
0x43: {  	_ =	shalt  }
0x44: {  	_ =	shalt  }
0x45: {  	_ =	shalt  }
0x46: {  	_ =	shalt  }
0x47: {  	_ =	shalt  }
0x48: {  	_ =	shalt  }
0x49: {  	_ =	shalt  }
0x4a: {  	_ =	shalt  }
0x4b: {  	_ =	shalt  }
0x4c: {  	_ =	shalt  }
0x4d: {  	_ =	shalt  }
0x4e: {  	_ =	shalt  }
0x4f: {  	_ =	shalt  }
0x50: {  	_ =	shalt  }
0x51: {  	_ =	shalt  }
0x52: {  	_ =	shalt  }
0x53: {  	_ =	shalt  }
0x54: {  	_ =	shalt  }
0x55: {  	_ =	shalt  }
0x56: {  	_ =	shalt  }
0x57: {  	_ =	shalt  }
0x58: {  	_ =	shalt  }
0x59: {  	_ =	shalt  }
0x5a: {  	_ =	shalt  }
0x5b: {  	_ =	shalt  }
0x5c: {  	_ =	shalt  }
0x5d: {  	_ =	shalt  }
0x5e: {  	_ =	shalt  }
0x5f: {  	_ =	shalt  }
0x60: {  	_ =	shalt  }
0x61: {  	_ =	shalt  }
0x62: {  	_ =	shalt  }
0x63: {  	_ =	shalt  }
0x64: {  	_ =	shalt  }
0x65: {  	_ =	shalt  }
0x66: {  	_ =	shalt  }
0x67: {  	_ =	shalt  }
0x68: {  	_ =	shalt  }
0x69: {  	_ =	shalt  }
0x6a: {  	_ =	shalt  }
0x6b: {  	_ =	shalt  }
0x6c: {  	_ =	shalt  }
0x6d: {  	_ =	shalt  }
0x6e: {  	_ =	shalt  }
0x6f: {  	_ =	shalt  }
0x70: {  	_ =	shalt  }
0x71: {  	_ =	shalt  }
0x72: {  	_ =	shalt  }
0x73: {  	_ =	shalt  }
0x74: {  	_ =	shalt  }
0x75: {  	_ =	shalt  }
0x76: {  	_ =	shalt  }
0x77: {  	_ =	shalt  }
0x78: {  	_ =	shalt  }
0x79: {  	_ =	shalt  }
0x7a: {  	_ =	shalt  }
0x7b: {  	_ =	shalt  }
0x7c: {  	_ =	shalt  }
0x7d: {  	_ =	shalt  }
0x7e: {  	_ =	shalt  }
0x7f: {  	_ =	shalt  }
0x80: {  	_ =	shalt  }
0x81: {  	_ =	shalt  }
0x82: {  	_ =	shalt  }
0x83: {  	_ =	shalt  }
0x84: {  	_ =	shalt  }
0x85: {  	_ =	shalt  }
0x86: {  	_ =	shalt  }
0x87: {  	_ =	shalt  }
.Lfunc_end0:
.L_simem_size_0:
called_computation_lowered:
.L_overlay_start_0:
0x88: {  	s2 =	sld [smem:$0x3FD9]  }
0x89: {  	s3 =	sld [smem:$0x3FFE];
	_ =	sdelay $0x1  }
0x8a: {  	s1 =	srdreg.scid  }
0x8b: {  	s0 =	sand.u32 $0x1, s1  }
0x8c: {  	s17 =	sshll.u32 s0, $0xA;
	s2 =	sadd.s32 s3, s2  }
0x8d: {  	s2 =	sadd.s32 s2, s17  }
0x8e: {  	[smem:$0x3FC6] =	sst s2  }
0x8f: {  	_ = 	snop  }
0x90: {  	s2 =	sld [smem:$0x3FD0];
	(tm) =	ssettm $0x1  }
0x91: {  	s18 =	sld [smem:$0x3FFB];
	_ =	sdelay $0x3  }
0x92: {  	_ =	strace s18  }
0x93: {  	s3 =	sld [smem:$0x3FFC];
	_ =	sdelay $0x3  }
0x94: {  	_ =	strace s3  }
0x95: {  	s3 =	sld [smem:$0x3FFD];
	_ =	sdelay $0x3  }
0x96: {  	_ =	strace s3  }
0x97: {  	_ =	strace $0x8FFFFFFF  }
0x98: {  	s19 =	sld [smem:$0x3FDB];
	_ =	sdelay $0x1  }
0x99: {  	s4 =	simm.s32 $_scs_section_size  }
0x9a: {  	s5 =	simm.s32 $_size__tile_overlayer_lowered;
	s6 =	simm.s32 $_tile_overlayer_lowered  }
0x9b: {  	s22 =	simm.s32 $0x1BFF;
	s21 =	sshll.u32 s6, $0x1;
	s3 =	sadd.s32 s4, s19  }
0x9c: {  	s7 =	simm.s32 $0x0;
	s20 =	sshll.u32 s5, $0x1;
	s5 =	sadd.s32 s21, s3  }
0x9d: {  	[timem:s7], [sflag:s22] =	dma.local [hbm:s5], s20  }
0x9e: {  	_ =	swait.ge [sflag:s22], s20  }
0x9f: {  	s4 =	ssub.s32 $0x0, s20;
	[sflag:s22] =	ssyncset.done $0x0  }
0xa0: {  	[sflag:s22] =	ssyncadd.s32 s4;
	_ =	sdelay $0x1  }
0xa1: {  	s23 =	simm.s32 $0x1B8B  }
0xa2: {  	_ =	swait.ge [sflag:s23], $0x1  }
0xa3: {  	[sflag:s23] =	ssyncset.done $0x0  }
0xa4: {  	s25 =	simm.s32 $0x1B8E;
	s24 =	sld [smem:$0x3FFE];
	[sflag:s23] =	ssyncadd.s32 $0xFFFFFFFF  }
0xa5: {  	s26 =	simm.s32 $execute0_lowered;
	[smem:$0x3FD2] =	sst s25  }
0xa6: {  	s5 =	sshll.u32 s26, $0x1;
	_ =	strace $0x80000046;
	[dreg:$0x1] =	wrdreg $0xFFFFFFFF  }
0xa7: {  	s28 =	simm.s32 $_size_execute0_lowered;
	s3 =	sadd.s32 s3, s5;
	[dreg:$0x0] =	wrdreg $0x0  }
0xa8: {  	s5 =	sshll.u32 s28, $0x1;
	[dreg:$0x2] =	wrdreg s3  }
0xa9: {  	[dreg:$0x3] =	wrdreg s5  }
0xaa: {  	[dreg:$0x4] =	wrdreg $0xC0  }
0xab: {  	_ =	task [dreg:s7], $0x5FFFF  }
0xac: {  	[dreg:$0x1] =	wrdreg $0xFFFFFFFF  }
0xad: {  	[dreg:$0x0] =	wrdreg $0x60  }
0xae: {  	[dreg:$0x2] =	wrdreg s24  }
0xaf: {  	[dreg:$0x3] =	wrdreg s2  }
0xb0: {  	[dreg:$0x4] =	wrdreg $0x9  }
0xb1: {  	_ =	task.clear_ibuf [dreg:s7], $0x5FFFF;
	_ =	strace $0x90000046  }
0xb2: {  	s29 =	simm.s32 $0x9;
	_ =	strace $0x80000048  }
0xb3: {  	_ =	swait.ge [sflag:s29], $0x1  }
0xb4: {  	[sflag:s29] =	ssyncadd.s32 $0xFFFFFFFF  }
0xb5: {  	_ =	strace $0x90000048  }
0xb6: {  	_ =	sfence  }
0xb7: {  	s30 =	sld [smem:$0x0];
	_ =	sdelay $0x2  }
0xb8: {  	s31 =	sshll.u32 s1, $0xD;
	s1 =	sshrl.u32 s1, $0x2  }
0xb9: {  	s3 =	sand.u32 $0x4000, s31;
	s1 =	sadd.s32 s1, s30  }
0xba: {  	s0 =	sor.u32 s3, s0;
	s1 =	sshll.u32 s1, $0x11  }
0xbb: {  	s0 =	sor.u32 s1, s0  }
0xbc: {  	s0 =	sadd.s32 $0x8F2B, s0  }
0xbd: {  	[sflag:s0] =	ssyncadd.remote.s32 $0x1  }
0xbe: {  	_ =	sfence.sel $0xFFFF  }
0xbf: {  	[dreg:$0x0] =	wrdreg $0xFFFFFFFF;
	(pc) =	sbr.abs _section_cstart, $3  }
0xc0: {  	[dreg:$0x1] =	wrdreg $0xFFFFFFFF  }
0xc1: {  	_ =	task.clear_ibuf [dreg:s7], $0x2FFFF;
	_ =	strace $0x9FFFFFFF  }
0xc2: {  	(tm) =	ssettm $0x7FFFFFFF  }
0xc3: {  	_ =	shalt  }
tec
execute0_lowered:
.L_overlay_start_1:
0x0: {  	(tag) =	ssettag $0x1  }
0x1: {  	s0 =	rddreg [dreg:$0x0]  }
0x2: {  	s6 =	rddreg [dreg:$0x1]  }
0x3: {  	s1 =	srdreg.scid;
	s2 =	stileid.u32  }
0x4: {  	s3 =	simm.s32 $0x0;
	s14 =	simm.s32 $0x6400;
	s15 =	simm.s32 $0x8400  }
0x5: {  	s17 =	simm.s32 $0xA400;
	s1 =	sand.u32 $0x1, s1;
	s2 =	sshll.u32 s2, $0x1  }
0x6: {  	[smem:$0x7FF] =	sst s3;
	s4 =	sadd.s32 $0xF42A00, s0;
	s28 =	sadd.s32 $0x8000, s6  }
0x7: {  	s29 =	sadd.s32 $0x10000, s6;
	_ =	strace $0x80000047;
	[dreg:$0x5] =	wrdreg s28  }
0x8: {  	v0 =	vlaneseq.u32;
	s30 =	sadd.s32 $0x18000, s6;
	s2 =	sor.u32 s1, s2;
	[dreg:$0x6] =	wrdreg s29  }
0x9: {  	v0 =	vmul.u32 $0x40, v0;
	s1 =	ssub.s32 $0x2, s1;
	[dreg:$0x7] =	wrdreg s30;
	s25 =	sshll.u32 s2, $0x4  }
0xa: {  	s5 =	sshrl.u32 s1, $0x1;
	s26 =	sshll.u32 s2, $0x7;
	s0 =	sadd.s32 s25, s0  }
0xb: {  	v1 =	vor.u32 $0x400, v0;
	s1 =	ssub.s32 s1, s5;
	[dreg:$0x4] =	wrdreg s26;
	s0 =	sadd.s32 $0x600, s0  }
0xc: {  	s19 =	simm.s32 $0xC400;
	v2 =	vor.u32 $0x800, v0;
	v3 =	vor.u32 $0xC00, v0;
	v4 =	vor.u32 $0x1000, v0;
	s31 =	smax.u32 s1, $0x1;
	[dreg:$0x3] =	wrdreg s0  }
0xd: {  	s22 =	simm.s32 $0x8000;
	v5 =	vor.u32 $0x1400, v0;
	v6 =	vor.u32 $0x1800, v0;
	v7 =	vor.u32 $0x1C00, v0;
	s2 =	simm.s32 $0x0;
	[dreg:$0x8] =	wrdreg s31  }
.LBB2_1:
0xe: {  	[dreg:$0x9] =	wrdreg s2  }
0xf: {  	s0 =	simm.s32 $0x0;
	s1 =	rddreg [dreg:$0x3]  }
0x10: {  	s28 =	simm.s32 $0x80;
	s3 =	simm.s32 $0x1000;
	s29 =	simm.s32 $0x9  }
0x11: {  	[tilespmem:s0], [sflag:$0x9] =	stream.strided.gather [hbm4b:s1+s28], $0x6400, s3, s28, $0x38;
	[tilespmem:$0x16400] =	vst v63  }
0x12: {  	_ =	swait.ge [sflag:s29], $0x6400  }
0x13: {  	[sflag:s29] =	ssyncset.done $0x0  }
0x14: {  	[sflag:s29] =	ssyncadd.s32 $0xFFFF9C00  }
0x15: {  	[tilespmem:s14], [sflag:$0x1] =	stream.indirect.gather [hbm4b:s4+s28], $0x40, s0, s28, $0xb8;
	[tilespmem:$0x16400] =	vst v63  }
0x16: {  	_ = 	snop  }
0x17: {  	[tilespmem:s15], [sflag:$0x2] =	stream.indirect.gather [hbm4b:s4+s28], $0x40, s28, s28, $0xb8;
	[tilespmem:$0x16400] =	vst v63  }
0x18: {  	s30 =	simm.s32 $0x100  }
0x19: {  	[tilespmem:s17], [sflag:$0x3] =	stream.indirect.gather [hbm4b:s4+s28], $0x40, s30, s28, $0xb8;
	[tilespmem:$0x16400] =	vst v63  }
0x1a: {  	s31 =	simm.s32 $0x180;
	s18 =	simm.s32 $0x0  }
0x1b: {  	[tilespmem:s19], [sflag:$0x4] =	stream.indirect.gather [hbm4b:s4+s28], $0x40, s31, s28, $0xb8;
	[tilespmem:$0x16400] =	vst v63  }
.LBB2_2:
0x1c: {  	s0 =	simm.s32 $0x2  }
0x1d: {  	v8 =	vmov s0  }
0x1e: {  	v8 =	vand.u32 $0x3E, v8  }
0x1f: {  	s24 =	simm.s32 $0x1;
	v21 =	vbroadcast v8, $0x0  }
0x20: {  	_ =	swait.ge [sflag:s24], $0x2000  }
0x21: {  	p0 =	seq.s32 s18, $0x0;
	[sflag:s24] =	ssyncset.done $0x0;
	v8 =	vor.u32 v0, v21  }
0x22: {  	s1 =	simm.s32 $0x0;
	s0 =	simm.s32 @!p0 $0x5;
	[sflag:s24] =	ssyncadd.s32 $0xFFFFE000  }
0x23: {  	v9 =	vmov s1;
	_ =	swait.ge @!p0 [sflag:s0], $0x2000  }
0x24: {  	v9 =	vand.u32 $0x3C, v9;
	[sflag:s0] =	ssyncset.done @!p0 $0x0  }
0x25: {  	v22 =	vbroadcast v9, $0x0;
	[sflag:s0] =	ssyncadd.s32 @!p0 $0xFFFFE000  }
0x26: {  	v8 =	vld.idx.msk [tilespmem:v8+s14+$0x0], $0xffff  }
0x27: {  	v9 =	vor.u32 v0, v22  }
0x28: {  	s25 =	simm.s32 $0x3  }
0x29: {  	s26 =	simm.s32 $0x0;
	v10 =	vmov s25;
	v11 =	vor.u32 v1, v21  }
0x2a: {  	s29 =	simm.s32 $0x100;
	v10 =	vand.u32 $0x3F, v10;
	s0 =	sand.u32 $0x1C00, s26  }
0x2b: {  	s5 =	simm.s32 $0x6;
	s3 =	sand.u32 $0x300, s29;
	v20 =	vbroadcast v10, $0x0;
	s2 =	sadd.s32 $0xE400, s0;
	v8 =	vmul.f32 $8.000000000e+00, v8  }
0x2c: {  	s1 =	sor.u32 s3, s2;
	v12 =	vld.idx.msk [tilespmem:v9+s14+$0x0], $0xffff;
	v9 =	vmov s5  }
0x2d: {  	v10 =	vor.u32 v0, v20;
	v9 =	vand.u32 $0x3E, v9;
	[tilespmem:s1+$0x0] =	vst v8  }
0x2e: {  	s6 =	simm.s32 $0x1;
	v9 =	vbroadcast v9, $0x0;
	v8 =	vld.idx.msk [tilespmem:v11+s14+$0x0], $0xffff  }
0x2f: {  	v13 =	vmov s6;
	v11 =	vor.u32 v1, v22  }
0x30: {  	v13 =	vand.u32 $0x3D, v13;
	v15 =	vor.u32 v0, v9  }
0x31: {  	v24 =	vbroadcast v13, $0x0;
	v14 =	vor.u32 v2, v21;
	v12 =	vmul.f32 $8.000000000e+00, v12  }
0x32: {  	s11 =	simm.s32 $0xE440;
	v10 =	vld.idx.msk [tilespmem:v10+s14+$0x0], $0xffff  }
0x33: {  	s7 =	simm.s32 $0x4;
	v16 =	vor.u32 v0, v24;
	[tilespmem:s11+$0xFFFFFFC0] =	vst v12;
	v8 =	vmul.f32 $8.000000000e+00, v8  }
0x34: {  	v12 =	vmov s7;
	v11 =	vld.idx.msk [tilespmem:v11+s14+$0x0], $0xffff  }
0x35: {  	v13 =	vor.u32 v1, v20;
	v15 =	vld.idx.msk [tilespmem:v15+s14+$0x0], $0xffff;
	[tilespmem:s1+$0x10] =	vst v8;
	v8 =	vand.u32 $0x3C, v12  }
0x36: {  	s8 =	simm.s32 $0x180;
	v17 =	vld.idx.msk [tilespmem:v14+s14+$0x0], $0xffff;
	v12 =	vbroadcast v8, $0x0  }
0x37: {  	s0 =	sand.u32 $0x380, s8;
	s3 =	simm.s32 $0x7;
	v10 =	vmul.f32 $8.000000000e+00, v10;
	v8 =	vor.u32 v2, v22  }
0x38: {  	s9 =	simm.s32 $0x200;
	s16 =	sor.u32 s0, s2;
	v16 =	vld.idx.msk [tilespmem:v16+s14+$0x0], $0xffff;
	v14 =	vmov s3;
	v18 =	vor.u32 v0, v12  }
0x39: {  	s10 =	simm.s32 $0x300;
	s0 =	sand.u32 $0x1C00, s9;
	v19 =	vor.u32 v1, v9;
	[tilespmem:s16+$0x0] =	vst v10;
	v10 =	vand.u32 $0x3F, v14;
	v11 =	vmul.f32 $8.000000000e+00, v11  }
0x3a: {  	s0 =	sadd.s32 $0xE400, s0;
	v15 =	vmul.f32 $8.000000000e+00, v15;
	s3 =	sand.u32 $0x300, s10;
	v14 =	vbroadcast v10, $0x0;
	v10 =	vld.idx.msk [tilespmem:v13+s14+$0x0], $0xffff  }
0x3b: {  	v25 =	vor.u32 v1, v24;
	s3 =	sor.u32 s3, s0;
	[tilespmem:s11+$0xFFFFFFD0] =	vst v11;
	v17 =	vmul.f32 $8.000000000e+00, v17  }
0x3c: {  	s6 =	simm.s32 $0x5;
	s5 =	simm.s32 $0x80;
	[tilespmem:s3+$0x0] =	vst v15;
	v23 =	vor.u32 v0, v14;
	v8 =	vld.idx.msk [tilespmem:v8+s14+$0x0], $0xffff  }
0x3d: {  	s5 =	sand.u32 $0x280, s5;
	v16 =	vmul.f32 $8.000000000e+00, v16;
	v15 =	vmov s6;
	v11 =	vor.u32 v2, v20;
	[tilespmem:s1+$0x20] =	vst v17;
	v17 =	vld.idx.msk [tilespmem:v18+s14+$0x0], $0xffff  }
0x3e: {  	s23 =	sor.u32 s5, s2;
	v13 =	vor.u32 v3, v21;
	v15 =	vand.u32 $0x3D, v15;
	v18 =	vld.idx.msk [tilespmem:v19+s14+$0x0], $0xffff  }
0x3f: {  	[tilespmem:s23+$0x0] =	vst v16;
	v15 =	vbroadcast v15, $0x0;
	v10 =	vmul.f32 $8.000000000e+00, v10  }
0x40: {  	v25 =	vld.idx.msk [tilespmem:v25+s14+$0x0], $0xffff  }
0x41: {  	v26 =	vor.u32 v0, v15;
	[tilespmem:s16+$0x10] =	vst v10;
	v10 =	vld.idx.msk [tilespmem:v23+s14+$0x0], $0xffff  }
0x42: {  	v19 =	vor.u32 v1, v12;
	v11 =	vld.idx.msk [tilespmem:v11+s14+$0x0], $0xffff;
	v8 =	vmul.f32 $8.000000000e+00, v8  }
0x43: {  	v13 =	vld.idx.msk [tilespmem:v13+s14+$0x0], $0xffff;
	v16 =	vmul.f32 $8.000000000e+00, v17;
	v17 =	vor.u32 v2, v9;
	v18 =	vmul.f32 $8.000000000e+00, v18  }
0x44: {  	s12 =	simm.s32 $0xA;
	v28 =	vor.u32 v2, v24;
	v30 =	vor.u32 v3, v20;
	v27 =	vor.u32 v1, v14;
	[tilespmem:s11+$0xFFFFFFE0] =	vst v8  }
0x45: {  	s20 =	simm.s32 $0x380;
	s10 =	simm.s32 $0xE640;
	v23 =	vor.u32 v3, v22;
	v8 =	vmov s12;
	[tilespmem:s3+$0x10] =	vst v18;
	v18 =	vmul.f32 $8.000000000e+00, v25  }
0x46: {  	s21 =	simm.s32 $0xB;
	s5 =	sand.u32 $0x380, s20;
	v8 =	vand.u32 $0x3E, v8;
	[tilespmem:s10+$0xFFFFFFC0] =	vst v16;
	v16 =	vor.u32 v4, v21;
	v10 =	vmul.f32 $8.000000000e+00, v10;
	v25 =	vld.idx.msk [tilespmem:v26+s14+$0x0], $0xffff  }
0x47: {  	s13 =	simm.s32 $0x8;
	s12 =	sor.u32 s5, s0;
	v8 =	vbroadcast v8, $0x0;
	v26 =	vmov s21;
	v19 =	vld.idx.msk [tilespmem:v19+s14+$0x0], $0xffff;
	v29 =	vmul.f32 $8.000000000e+00, v11;
	[tilespmem:s23+$0x10] =	vst v18  }
0x48: {  	v13 =	vmul.f32 $8.000000000e+00, v13;
	v11 =	vmov s13;
	v26 =	vand.u32 $0x3F, v26;
	[tilespmem:s12+$0x0] =	vst v10;
	v17 =	vld.idx.msk [tilespmem:v17+s14+$0x0], $0xffff  }
0x49: {  	v11 =	vand.u32 $0x3C, v11;
	v31 =	vor.u32 v0, v8;
	v10 =	vbroadcast v26, $0x0;
	v26 =	vld.idx.msk [tilespmem:v28+s14+$0x0], $0xffff;
	[tilespmem:s16+$0x20] =	vst v29  }
0x4a: {  	[tilespmem:s1+$0x30] =	vst v13;
	v13 =	vor.u32 v2, v12;
	v11 =	vbroadcast v11, $0x0;
	v29 =	vld.idx.msk [tilespmem:v30+s14+$0x0], $0xffff  }
0x4b: {  	v30 =	vor.u32 v0, v10;
	v16 =	vld.idx.msk [tilespmem:v16+s14+$0x0], $0xffff  }
0x4c: {  	v27 =	vld.idx.msk [tilespmem:v27+s14+$0x0], $0xffff;
	v28 =	vor.u32 v0, v11;
	v19 =	vmul.f32 $8.000000000e+00, v19  }
0x4d: {  	v23 =	vld.idx.msk [tilespmem:v23+s14+$0x0], $0xffff;
	v18 =	vor.u32 v3, v9  }
0x4e: {  	v32 =	vor.u32 v3, v24;
	v31 =	vld.idx.msk [tilespmem:v31+s14+$0x0], $0xffff;
	v17 =	vmul.f32 $8.000000000e+00, v17;
	[tilespmem:s10+$0xFFFFFFD0] =	vst v19  }
0x4f: {  	v33 =	vor.u32 v2, v14;
	v26 =	vmul.f32 $8.000000000e+00, v26;
	v19 =	vld.idx.msk [tilespmem:v13+s14+$0x0], $0xffff  }
0x50: {  	s24 =	simm.s32 $0x9;
	v30 =	vld.idx.msk [tilespmem:v30+s14+$0x0], $0xffff;
	[tilespmem:s3+$0x20] =	vst v17;
	v17 =	vor.u32 v5, v21;
	v16 =	vmul.f32 $8.000000000e+00, v16  }
0x51: {  	s25 =	simm.s32 $0x400;
	v34 =	vor.u32 v4, v20;
	v27 =	vmul.f32 $8.000000000e+00, v27;
	v13 =	vmov s24;
	v28 =	vld.idx.msk [tilespmem:v28+s14+$0x0], $0xffff;
	[tilespmem:s23+$0x20] =	vst v26  }
0x52: {  	s2 =	sand.u32 $0x1C00, s25;
	s7 =	simm.s32 $0x280;
	v35 =	vor.u32 v1, v8;
	v13 =	vand.u32 $0x3D, v13;
	v18 =	vld.idx.msk [tilespmem:v18+s14+$0x0], $0xffff;
	[tilespmem:s1+$0x40] =	vst v16;
	v16 =	vmul.f32 $8.000000000e+00, v29  }
0x53: {  	s26 =	simm.s32 $0x500;
	s29 =	sadd.s32 $0xE400, s2;
	s2 =	sand.u32 $0x280, s7;
	v61 =	vor.u32 v1, v15;
	v25 =	vmul.f32 $8.000000000e+00, v25;
	[tilespmem:s12+$0x10] =	vst v27;
	v13 =	vbroadcast v13, $0x0;
	v29 =	vld.idx.msk [tilespmem:v32+s14+$0x0], $0xffff  }
0x54: {  	s2 =	sor.u32 s2, s0;
	s5 =	sand.u32 $0x300, s26;
	v26 =	vor.u32 v3, v12;
	v27 =	vmul.f32 $8.000000000e+00, v31;
	[tilespmem:s16+$0x30] =	vst v16;
	v16 =	vmul.f32 $8.000000000e+00, v19;
	v19 =	vld.idx.msk [tilespmem:v33+s14+$0x0], $0xffff  }
0x55: {  	s5 =	sor.u32 s5, s29;
	[tilespmem:s2+$0x0] =	vst v25;
	v31 =	vor.u32 v4, v22;
	v17 =	vld.idx.msk [tilespmem:v17+s14+$0x0], $0xffff  }
0x56: {  	v58 =	vor.u32 v0, v13;
	[tilespmem:s5+$0x0] =	vst v27;
	v59 =	vld.idx.msk [tilespmem:v34+s14+$0x0], $0xffff  }
0x57: {  	v23 =	vmul.f32 $8.000000000e+00, v23;
	v60 =	vor.u32 v1, v11;
	[tilespmem:s10+$0xFFFFFFE0] =	vst v16;
	v16 =	vld.idx.msk [tilespmem:v35+s14+$0x0], $0xffff  }
0x58: {  	v62 =	vor.u32 v4, v9;
	v35 =	vld.idx.msk [tilespmem:v61+s14+$0x0], $0xffff  }
0x59: {  	[tilespmem:s11+$0xFFFFFFF0] =	vst v23;
	v27 =	vor.u32 v4, v24;
	v23 =	vmul.f32 $8.000000000e+00, v28;
	v26 =	vld.idx.msk [tilespmem:v26+s14+$0x0], $0xffff  }
0x5a: {  	v63 =	vor.u32 v3, v14;
	s13 =	simm.s32 $0xE840;
	v18 =	vmul.f32 $8.000000000e+00, v18;
	v31 =	vld.idx.msk [tilespmem:v31+s14+$0x0], $0xffff  }
0x5b: {  	v37 =	vor.u32 v6, v21;
	v29 =	vmul.f32 $8.000000000e+00, v29;
	[tilespmem:s13+$0xFFFFFFC0] =	vst v23;
	v28 =	vld.idx.msk [tilespmem:v58+s14+$0x0], $0xffff  }
0x5c: {  	v36 =	vor.u32 v2, v8;
	v25 =	vmul.f32 $8.000000000e+00, v30;
	v30 =	vld.idx.msk [tilespmem:v60+s14+$0x0], $0xffff;
	[tilespmem:s3+$0x30] =	vst v18;
	v18 =	vmul.f32 $8.000000000e+00, v19  }
0x5d: {  	v38 =	vor.u32 v5, v24;
	s8 =	simm.s32 $0x580;
	s9 =	simm.s32 $0xF;
	[tilespmem:s23+$0x30] =	vst v29;
	v29 =	vor.u32 v1, v10;
	v32 =	vld.idx.msk [tilespmem:v62+s14+$0x0], $0xffff;
	v17 =	vmul.f32 $8.000000000e+00, v17  }
0x5e: {  	v44 =	vmov s9;
	s0 =	sand.u32 $0x380, s8;
	s8 =	simm.s32 $0xE;
	v23 =	vld.idx.msk [tilespmem:v27+s14+$0x0], $0xffff;
	v27 =	vor.u32 v5, v20;
	v16 =	vmul.f32 $8.000000000e+00, v16;
	[tilespmem:s12+$0x20] =	vst v18  }
0x5f: {  	v39 =	vor.u32 v2, v15;
	v45 =	vmov s8;
	v19 =	vor.u32 v5, v22;
	v34 =	vld.idx.msk [tilespmem:v63+s14+$0x0], $0xffff;
	[tilespmem:s1+$0x50] =	vst v17  }
0x60: {  	s0 =	sor.u32 s0, s29;
	v46 =	vand.u32 $0x3E, v45;
	v33 =	vmul.f32 $8.000000000e+00, v59;
	v18 =	vand.u32 $0x3F, v44;
	[tilespmem:s5+$0x10] =	vst v16;
	v37 =	vld.idx.msk [tilespmem:v37+s14+$0x0], $0xffff  }
0x61: {  	s7 =	simm.s32 $0xC;
	v40 =	vor.u32 v2, v11;
	[tilespmem:s0+$0x0] =	vst v25;
	v31 =	vmul.f32 $8.000000000e+00, v31;
	v18 =	vbroadcast v18, $0x0;
	v25 =	vld.idx.msk [tilespmem:v36+s14+$0x0], $0xffff  }
0x62: {  	v35 =	vmul.f32 $8.000000000e+00, v35;
	[tilespmem:s16+$0x40] =	vst v33;
	v17 =	vbroadcast v46, $0x0;
	v16 =	vmov s7;
	v29 =	vld.idx.msk [tilespmem:v29+s14+$0x0], $0xffff  }
0x63: {  	v30 =	vmul.f32 $8.000000000e+00, v30;
	v16 =	vand.u32 $0x3C, v16;
	[tilespmem:s11+$0x0] =	vst v31;
	v48 =	vor.u32 v0, v18;
	v27 =	vld.idx.msk [tilespmem:v27+s14+$0x0], $0xffff  }
0x64: {  	[tilespmem:s2+$0x10] =	vst v35;
	v49 =	vor.u32 v0, v17;
	v23 =	vmul.f32 $8.000000000e+00, v23;
	v16 =	vbroadcast v16, $0x0;
	v19 =	vld.idx.msk [tilespmem:v19+s14+$0x0], $0xffff  }
0x65: {  	s21 =	simm.s32 $0x480;
	v47 =	vor.u32 v3, v8;
	v26 =	vmul.f32 $8.000000000e+00, v26;
	[tilespmem:s13+$0xFFFFFFD0] =	vst v30;
	v30 =	vld.idx.msk [tilespmem:v39+s14+$0x0], $0xffff  }
0x66: {  	v28 =	vmul.f32 $8.000000000e+00, v28;
	s7 =	sand.u32 $0x280, s21;
	v50 =	vld.idx.msk [tilespmem:v40+s14+$0x0], $0xffff;
	[tilespmem:s23+$0x40] =	vst v23;
	v23 =	vor.u32 v0, v16  }
0x67: {  	v53 =	vor.u32 v6, v22;
	[tilespmem:s10+$0xFFFFFFF0] =	vst v26;
	s25 =	sor.u32 s7, s29;
	v31 =	vld.idx.msk [tilespmem:v38+s14+$0x0], $0xffff;
	v25 =	vmul.f32 $8.000000000e+00, v25  }
0x68: {  	v54 =	vor.u32 v3, v15;
	[tilespmem:s25+$0x0] =	vst v28;
	v33 =	vld.idx.msk [tilespmem:v48+s14+$0x0], $0xffff;
	v27 =	vmul.f32 $8.000000000e+00, v27  }
0x69: {  	v41 =	vor.u32 v2, v10;
	v55 =	vld.idx.msk [tilespmem:v49+s14+$0x0], $0xffff;
	v26 =	vmul.f32 $8.000000000e+00, v19;
	[tilespmem:s5+$0x20] =	vst v25  }
0x6a: {  	v30 =	vmul.f32 $8.000000000e+00, v30;
	v25 =	vmul.f32 $8.000000000e+00, v29;
	v29 =	vor.u32 v5, v9;
	v36 =	vld.idx.msk [tilespmem:v47+s14+$0x0], $0xffff;
	[tilespmem:s16+$0x50] =	vst v27  }
0x6b: {  	v52 =	vor.u32 v6, v20;
	v23 =	vld.idx.msk [tilespmem:v23+s14+$0x0], $0xffff;
	[tilespmem:s11+$0x10] =	vst v26  }
0x6c: {  	v56 =	vor.u32 v6, v24;
	s20 =	simm.s32 $0xD;
	v32 =	vmul.f32 $8.000000000e+00, v32;
	[tilespmem:s2+$0x20] =	vst v30;
	v30 =	vld.idx.msk [tilespmem:v53+s14+$0x0], $0xffff  }
0x6d: {  	v27 =	vor.u32 v4, v14;
	[tilespmem:s0+$0x10] =	vst v25;
	v25 =	vmov s20;
	v26 =	vmul.f32 $8.000000000e+00, v31;
	v40 =	vld.idx.msk [tilespmem:v54+s14+$0x0], $0xffff  }
0x6e: {  	s24 =	simm.s32 $0x600;
	[tilespmem:s3+$0x40] =	vst v32;
	v51 =	vmul.f32 $8.000000000e+00, v34;
	v31 =	vor.u32 v3, v11;
	v19 =	vand.u32 $0x3D, v25;
	v60 =	vld.idx.msk [tilespmem:v41+s14+$0x0], $0xffff  }
0x6f: {  	s26 =	simm.s32 $0x700;
	s6 =	sand.u32 $0x1C00, s24;
	v38 =	vmul.f32 $8.000000000e+00, v50;
	v19 =	vbroadcast v19, $0x0;
	[tilespmem:s23+$0x50] =	vst v26;
	v26 =	vor.u32 v1, v17;
	v25 =	vld.idx.msk [tilespmem:v29+s14+$0x0], $0xffff  }
0x70: {  	v43 =	vor.u32 v7, v21;
	s6 =	sadd.s32 $0xE400, s6;
	v62 =	vor.u32 v7, v22;
	s7 =	sand.u32 $0x300, s26;
	[tilespmem:s12+$0x30] =	vst v51;
	v32 =	vmul.f32 $8.000000000e+00, v55;
	v29 =	vld.idx.msk [tilespmem:v52+s14+$0x0], $0xffff  }
0x71: {  	v45 =	vor.u32 v4, v12;
	s30 =	sor.u32 s7, s6;
	[tilespmem:s13+$0xFFFFFFE0] =	vst v38;
	v28 =	vld.idx.msk [tilespmem:v56+s14+$0x0], $0xffff;
	v57 =	vor.u32 v0, v19;
	v58 =	vmul.f32 $8.000000000e+00, v23  }
0x72: {  	s31 =	simm.s32 $0xEA40;
	v61 =	vor.u32 v7, v20;
	v22 =	vor.u32 v1, v13;
	[tilespmem:s30+$0x0] =	vst v32;
	v27 =	vld.idx.msk [tilespmem:v27+s14+$0x0], $0xffff;
	v30 =	vmul.f32 $8.000000000e+00, v30  }
0x73: {  	v20 =	vor.u32 v5, v10;
	v63 =	vor.u32 v7, v24;
	v59 =	vmul.f32 $8.000000000e+00, v36;
	v42 =	vld.idx.msk [tilespmem:v31+s14+$0x0], $0xffff;
	[tilespmem:s31+$0xFFFFFFC0] =	vst v58  }
0x74: {  	v21 =	vor.u32 v5, v18;
	v47 =	vor.u32 v4, v15;
	v31 =	vmul.f32 $8.000000000e+00, v37;
	v44 =	vld.idx.msk [tilespmem:v26+s14+$0x0], $0xffff;
	[tilespmem:s11+$0x20] =	vst v30  }
0x75: {  	v24 =	vor.u32 v1, v18;
	v39 =	vor.u32 v4, v8;
	[tilespmem:s5+$0x30] =	vst v59;
	v29 =	vmul.f32 $8.000000000e+00, v29;
	v35 =	vld.idx.msk [tilespmem:v62+s14+$0x0], $0xffff  }
0x76: {  	v38 =	vor.u32 v1, v16;
	v32 =	vor.u32 v2, v13;
	v46 =	vmul.f32 $8.000000000e+00, v40;
	[tilespmem:s1+$0x60] =	vst v31;
	v34 =	vld.idx.msk [tilespmem:v57+s14+$0x0], $0xffff  }
0x77: {  	v23 =	vor.u32 v5, v14;
	v36 =	vmul.f32 $8.000000000e+00, v33;
	v26 =	vmul.f32 $8.000000000e+00, v28;
	v40 =	vld.idx.msk [tilespmem:v43+s14+$0x0], $0xffff;
	[tilespmem:s16+$0x60] =	vst v29  }
0x78: {  	v33 =	vor.u32 v3, v10;
	v31 =	vor.u32 v1, v19;
	[tilespmem:s2+$0x30] =	vst v46;
	v28 =	vmul.f32 $8.000000000e+00, v60;
	v37 =	vld.idx.msk [tilespmem:v61+s14+$0x0], $0xffff  }
0x79: {  	s8 =	simm.s32 $0x780;
	s29 =	simm.s32 $0x680;
	v30 =	vor.u32 v5, v15;
	v48 =	vmul.f32 $8.000000000e+00, v27;
	[tilespmem:s23+$0x60] =	vst v26;
	v27 =	vmul.f32 $8.000000000e+00, v42;
	v42 =	vld.idx.msk [tilespmem:v47+s14+$0x0], $0xffff  }
0x7a: {  	s28 =	sshll.u32 s18, $0x11;
	s9 =	sand.u32 $0x380, s8;
	s24 =	sand.u32 $0x280, s29;
	v43 =	vor.u32 v2, v17;
	v29 =	vor.u32 v5, v12;
	[tilespmem:s0+$0x20] =	vst v28;
	v41 =	vld.idx.msk [tilespmem:v63+s14+$0x0], $0xffff  }
0x7b: {  	s7 =	sor.u32 s9, s6;
	s6 =	sor.u32 s24, s6;
	s20 =	simm.s32 $0x10;
	v28 =	vor.u32 v6, v9;
	[tilespmem:s12+$0x40] =	vst v48;
	v44 =	vmul.f32 $8.000000000e+00, v44;
	v26 =	vmul.f32 $8.000000000e+00, v34;
	v34 =	vld.idx.msk [tilespmem:v45+s14+$0x0], $0xffff  }
.LBB2_3:
0x7c: {  	s24 =	sadd.s32 $0x1, s20  }
0x7d: {  	v45 =	vmov s20;
	s26 =	sadd.s32 $0x3, s20;
	v38 =	vld.idx.msk [tilespmem:v38+s14+$0x0], $0xffff;
	v46 =	vor.u32 v2, v16;
	[tilespmem:s7+$0x0] =	vst v36;
	v36 =	vmul.f32 $8.000000000e+00, v37;
	s29 =	smov.u32 s20;
	s9 =	sadd.s32 $0x4, s20  }
0x7e: {  	p1 =	slt.u32 s20, $0x3C;
	v35 =	vmul.f32 $8.000000000e+00, v35;
	v37 =	vmov s24;
	s24 =	sadd.s32 $0x2, s29;
	v47 =	vmov s26;
	[tilespmem:s30+$0x10] =	vst v44;
	v44 =	vld.idx.msk [tilespmem:v22+s14+$0x0], $0xffff;
	v22 =	vmovc v31  }
0x7f: {  	v40 =	vmul.f32 $8.000000000e+00, v40;
	v31 =	vmov s24;
	v47 =	vand.u32 $0x3F, v47;
	v39 =	vld.idx.msk [tilespmem:v39+s14+$0x0], $0xffff;
	[tilespmem:s16+$0x70] =	vst v36;
	s16 =	smov.u32 s12;
	s12 =	smov.u32 s0;
	s0 =	smov.u32 s7  }
0x80: {  	v31 =	vand.u32 $0x3E, v31;
	v36 =	vbroadcast v47, $0x0;
	v43 =	vld.idx.msk [tilespmem:v43+s14+$0x0], $0xffff;
	[tilespmem:s11+$0x30] =	vst v35;
	v35 =	vmul.f32 $8.000000000e+00, v41;
	s11 =	smov.u32 s10;
	s10 =	smov.u32 s13;
	s13 =	smov.u32 s31  }
0x81: {  	v25 =	vmul.f32 $8.000000000e+00, v25;
	v37 =	vand.u32 $0x3D, v37;
	v41 =	vbroadcast v31, $0x0;
	v24 =	vld.idx.msk [tilespmem:v24+s14+$0x0], $0xffff;
	[tilespmem:s1+$0x70] =	vst v40;
	s1 =	smov.u32 s3;
	s3 =	smov.u32 s5;
	s5 =	smov.u32 s30  }
0x82: {  	v34 =	vmul.f32 $8.000000000e+00, v34;
	v31 =	vand.u32 $0x3C, v45;
	v40 =	vmul.f32 $8.000000000e+00, v42;
	v42 =	vld.idx.msk [tilespmem:v23+s14+$0x0], $0xffff;
	[tilespmem:s23+$0x70] =	vst v35;
	v23 =	vmovc v20;
	v20 =	vmovc v21;
	s23 =	smov.u32 s2;
	s2 =	smov.u32 s25;
	s25 =	smov.u32 s6  }
0x83: {  	v35 =	vbroadcast v31, $0x0;
	v31 =	vbroadcast v37, $0x0;
	v37 =	vor.u32 v0, v41;
	v33 =	vld.idx.msk [tilespmem:v33+s14+$0x0], $0xffff;
	[tilespmem:s1+$0x50] =	vst v25  }
0x84: {  	v45 =	vor.u32 v3, v17;
	v25 =	vor.u32 v0, v36;
	v44 =	vmul.f32 $8.000000000e+00, v44;
	[tilespmem:s23+$0x40] =	vst v40;
	v28 =	vld.idx.msk [tilespmem:v28+s14+$0x0], $0xffff  }
0x85: {  	v21 =	vor.u32 v5, v36;
	v38 =	vmul.f32 $8.000000000e+00, v38;
	v40 =	vor.u32 v0, v35;
	[tilespmem:s11+$0x0] =	vst v34;
	v30 =	vld.idx.msk [tilespmem:v30+s14+$0x0], $0xffff  }
0x86: {  	v34 =	vmul.f32 $8.000000000e+00, v43;
	[tilespmem:s2+$0x10] =	vst v44;
	v29 =	vld.idx.msk [tilespmem:v29+s14+$0x0], $0xffff  }
0x87: {  	[tilespmem:s31+$0xFFFFFFD0] =	vst v38;
	v32 =	vld.idx.msk [tilespmem:v32+s14+$0x0], $0xffff;
	v38 =	vmul.f32 $8.000000000e+00, v39  }
0x88: {  	v24 =	vmul.f32 $8.000000000e+00, v24;
	v39 =	vld.idx.msk [tilespmem:v46+s14+$0x0], $0xffff;
	[tilespmem:s5+$0x20] =	vst v34;
	v34 =	vor.u32 v5, v8  }
0x89: {  	v33 =	vmul.f32 $8.000000000e+00, v33;
	v43 =	vld.idx.msk [tilespmem:v45+s14+$0x0], $0xffff;
	[tilespmem:s3+$0x40] =	vst v38;
	v38 =	vor.u32 v6, v14  }
0x8a: {  	s8 =	sadd.s32 $0x200, s8;
	v44 =	vor.u32 v0, v31;
	v45 =	vor.u32 v6, v12;
	v40 =	vld.idx.msk [tilespmem:v40+s14+$0x0], $0xffff;
	[tilespmem:s0+$0x10] =	vst v24  }
0x8b: {  	v47 =	vor.u32 v3, v13;
	v46 =	vld.idx.msk [tilespmem:v25+s14+$0x0], $0xffff;
	[tilespmem:s12+$0x30] =	vst v33;
	v33 =	vmul.f32 $8.000000000e+00, v42  }
0x8c: {  	v42 =	vor.u32 v1, v41;
	v37 =	vld.idx.msk [tilespmem:v37+s14+$0x0], $0xffff;
	[tilespmem:s10+$0xFFFFFFF0] =	vst v27;
	v27 =	vmul.f32 $8.000000000e+00, v29;
	v29 =	vor.u32 v6, v15  }
0x8d: {  	v48 =	vor.u32 v2, v18;
	s31 =	sadd.s32 $0x200, s31;
	v24 =	vor.u32 v1, v36;
	v32 =	vmul.f32 $8.000000000e+00, v32;
	v25 =	vld.idx.msk [tilespmem:v34+s14+$0x0], $0xffff;
	[tilespmem:s16+$0x50] =	vst v33  }
0x8e: {  	s6 =	sadd.s32 $0xFFFFFE80, s8;
	v33 =	vor.u32 v4, v10;
	[tilespmem:s11+$0x10] =	vst v27;
	v27 =	vmul.f32 $8.000000000e+00, v30;
	v30 =	vld.idx.msk [tilespmem:v38+s14+$0x0], $0xffff  }
0x8f: {  	s7 =	sadd.s32 $0xFFFFFF80, s8;
	s6 =	sand.u32 $0x1C00, s6;
	v34 =	vor.u32 v3, v16;
	[tilespmem:s2+$0x20] =	vst v32;
	v32 =	vld.idx.msk [tilespmem:v45+s14+$0x0], $0xffff  }
0x90: {  	s7 =	sand.u32 $0x300, s7;
	s6 =	sadd.s32 $0xE400, s6;
	v38 =	vmul.f32 $8.000000000e+00, v40;
	v40 =	vld.idx.msk [tilespmem:v47+s14+$0x0], $0xffff;
	[tilespmem:s23+$0x50] =	vst v27  }
0x91: {  	s30 =	sor.u32 s7, s6;
	v27 =	vmul.f32 $8.000000000e+00, v39;
	[tilespmem:s25+$0x0] =	vst v26;
	v26 =	vld.idx.msk [tilespmem:v29+s14+$0x0], $0xffff  }
0x92: {  	v29 =	vmul.f32 $8.000000000e+00, v43;
	[tilespmem:s31+$0xFFFFFFC0] =	vst v38;
	v39 =	vld.idx.msk [tilespmem:v48+s14+$0x0], $0xffff;
	v38 =	vor.u32 v7, v14;
	v14 =	vmovc v10;
	v10 =	vmov v18  }
0x93: {  	v37 =	vmul.f32 $8.000000000e+00, v37;
	v18 =	vmovc v36;
	[tilespmem:s13+$0xFFFFFFE0] =	vst v27;
	v27 =	vld.idx.msk [tilespmem:v33+s14+$0x0], $0xffff;
	v33 =	vor.u32 v7, v12;
	v12 =	vmov v11  }
0x94: {  	v43 =	vor.u32 v7, v9;
	v9 =	vmovc v8;
	v8 =	vmov v17;
	v36 =	vmul.f32 $8.000000000e+00, v30;
	v34 =	vld.idx.msk [tilespmem:v34+s14+$0x0], $0xffff;
	[tilespmem:s5+$0x30] =	vst v29  }
0x95: {  	v28 =	vmul.f32 $8.000000000e+00, v28;
	v17 =	vmovc v41;
	v29 =	vmul.f32 $8.000000000e+00, v32;
	v32 =	vor.u32 v7, v15;
	v30 =	vld.idx.msk [tilespmem:v44+s14+$0x0], $0xffff;
	[tilespmem:s30+$0x0] =	vst v37  }
0x96: {  	v11 =	vmovc v16;
	v16 =	vmov v35;
	v44 =	vor.u32 v4, v12;
	v45 =	vmul.f32 $8.000000000e+00, v40;
	v42 =	vld.idx.msk [tilespmem:v42+s14+$0x0], $0xffff;
	[tilespmem:s16+$0x60] =	vst v36  }
0x97: {  	v15 =	vmovc v13;
	v36 =	vmul.f32 $8.000000000e+00, v46;
	v46 =	vor.u32 v4, v13;
	v26 =	vmul.f32 $8.000000000e+00, v26;
	[tilespmem:s11+$0x20] =	vst v29;
	v37 =	vld.idx.msk [tilespmem:v38+s14+$0x0], $0xffff  }
.Ltmp0:
0x98: {  	s7 =	sand.u32 $0x380, s8;
	v13 =	vmovc v19;
	v19 =	vmov v31;
	v38 =	vor.u32 v1, v16;
	v41 =	vmul.f32 $8.000000000e+00, v39;
	v35 =	vld.idx.msk [tilespmem:v33+s14+$0x0], $0xffff;
	[tilespmem:s1+$0x60] =	vst v28;
	(pc) =	sbr.rel @p1 .LBB2_3-.Ltmp0, $4  }
0x99: {  	s7 =	sor.u32 s7, s6;
	v31 =	vor.u32 v1, v19;
	v29 =	vor.u32 v5, v12;
	v47 =	vmul.f32 $8.000000000e+00, v27;
	[tilespmem:s23+$0x60] =	vst v26;
	v40 =	vld.idx.msk [tilespmem:v43+s14+$0x0], $0xffff  }
0x9a: {  	s20 =	sadd.s32 $0xFFFFFF00, s8;
	v39 =	vor.u32 v4, v8;
	v28 =	vor.u32 v6, v9;
	v27 =	vmul.f32 $8.000000000e+00, v34;
	[tilespmem:s0+$0x20] =	vst v41;
	v41 =	vld.idx.msk [tilespmem:v32+s14+$0x0], $0xffff  }
0x9b: {  	s20 =	sand.u32 $0x280, s20;
	v43 =	vor.u32 v2, v17;
	v26 =	vmul.f32 $8.000000000e+00, v30;
	v30 =	vor.u32 v5, v15;
	v34 =	vld.idx.msk [tilespmem:v44+s14+$0x0], $0xffff;
	[tilespmem:s2+$0x30] =	vst v45  }
0x9c: {  	s6 =	sor.u32 s20, s6;
	s20 =	smov.u32 s9;
	v33 =	vor.u32 v3, v10;
	v32 =	vor.u32 v2, v13;
	v44 =	vmul.f32 $8.000000000e+00, v42;
	v42 =	vld.idx.msk [tilespmem:v46+s14+$0x0], $0xffff;
	[tilespmem:s12+$0x40] =	vst v47  }
0x9d: {  	_ = 	snop  }
0x9e: {  	[tilespmem:s7+$0x0] =	vst v36  }
0x9f: {  	[tilespmem:s6+$0x0] =	vst v26  }
0xa0: {  	v59 =	vmul.f32 $8.000000000e+00, v37;
	[tilespmem:s13+$0xFFFFFFF0] =	vst v27  }
0xa1: {  	v35 =	vmul.f32 $8.000000000e+00, v35;
	v22 =	vld.idx.msk [tilespmem:v22+s14+$0x0], $0xffff;
	[tilespmem:s30+$0x10] =	vst v44  }
0xa2: {  	v25 =	vmul.f32 $8.000000000e+00, v25;
	[tilespmem:s16+$0x70] =	vst v59  }
0xa3: {  	v61 =	vld.idx.msk [tilespmem:v38+s14+$0x0], $0xffff;
	v60 =	vmul.f32 $8.000000000e+00, v40;
	[tilespmem:s11+$0x30] =	vst v35  }
0xa4: {  	v23 =	vld.idx.msk [tilespmem:v23+s14+$0x0], $0xffff;
	v62 =	vmul.f32 $8.000000000e+00, v41;
	[tilespmem:s3+$0x50] =	vst v25  }
0xa5: {  	v24 =	vld.idx.msk [tilespmem:v24+s14+$0x0], $0xffff;
	[tilespmem:s1+$0x70] =	vst v60;
	v34 =	vmul.f32 $8.000000000e+00, v34  }
0xa6: {  	v63 =	vld.idx.msk [tilespmem:v43+s14+$0x0], $0xffff;
	[tilespmem:s23+$0x70] =	vst v62;
	v22 =	vmul.f32 $8.000000000e+00, v22  }
0xa7: {  	v25 =	vld.idx.msk [tilespmem:v33+s14+$0x0], $0xffff;
	v40 =	vmul.f32 $8.000000000e+00, v42;
	[tilespmem:s10+$0x0] =	vst v34  }
0xa8: {  	v41 =	vld.idx.msk [tilespmem:v39+s14+$0x0], $0xffff;
	v42 =	vmul.f32 $8.000000000e+00, v61;
	[tilespmem:s25+$0x10] =	vst v22;
	v22 =	vor.u32 v2, v16  }
0xa9: {  	v44 =	vor.u32 v3, v17;
	v23 =	vmul.f32 $8.000000000e+00, v23;
	[tilespmem:s2+$0x40] =	vst v40;
	v29 =	vld.idx.msk [tilespmem:v29+s14+$0x0], $0xffff  }
0xaa: {  	v45 =	vor.u32 v6, v14;
	v24 =	vmul.f32 $8.000000000e+00, v24;
	[tilespmem:s31+$0xFFFFFFD0] =	vst v42;
	v30 =	vld.idx.msk [tilespmem:v30+s14+$0x0], $0xffff  }
0xab: {  	v26 =	vor.u32 v2, v18;
	v31 =	vld.idx.msk [tilespmem:v31+s14+$0x0], $0xffff;
	v43 =	vmul.f32 $8.000000000e+00, v63;
	[tilespmem:s12+$0x50] =	vst v23  }
0xac: {  	v25 =	vmul.f32 $8.000000000e+00, v25;
	v32 =	vld.idx.msk [tilespmem:v32+s14+$0x0], $0xffff;
	[tilespmem:s7+$0x10] =	vst v24;
	v24 =	vor.u32 v6, v12  }
0xad: {  	v35 =	vmul.f32 $8.000000000e+00, v41;
	[tilespmem:s30+$0x20] =	vst v43;
	v22 =	vld.idx.msk [tilespmem:v22+s14+$0x0], $0xffff  }
0xae: {  	v23 =	vor.u32 v2, v19;
	[tilespmem:s0+$0x30] =	vst v25;
	v25 =	vld.idx.msk [tilespmem:v44+s14+$0x0], $0xffff;
	v29 =	vmul.f32 $8.000000000e+00, v29  }
0xaf: {  	v27 =	vor.u32 v6, v15;
	v46 =	vld.idx.msk [tilespmem:v45+s14+$0x0], $0xffff;
	[tilespmem:s5+$0x40] =	vst v35;
	v30 =	vmul.f32 $8.000000000e+00, v30  }
0xb0: {  	v47 =	vor.u32 v3, v13;
	v26 =	vld.idx.msk [tilespmem:v26+s14+$0x0], $0xffff;
	[tilespmem:s10+$0x10] =	vst v29;
	v29 =	vmul.f32 $8.000000000e+00, v31  }
0xb1: {  	v32 =	vmul.f32 $8.000000000e+00, v32;
	v31 =	vor.u32 v4, v10;
	v24 =	vld.idx.msk [tilespmem:v24+s14+$0x0], $0xffff;
	[tilespmem:s2+$0x50] =	vst v30  }
0xb2: {  	v14 =	vor.u32 v7, v14;
	v28 =	vld.idx.msk [tilespmem:v28+s14+$0x0], $0xffff;
	[tilespmem:s6+$0x10] =	vst v29;
	v22 =	vmul.f32 $8.000000000e+00, v22  }
0xb3: {  	[tilespmem:s25+$0x20] =	vst v32;
	v25 =	vmul.f32 $8.000000000e+00, v25;
	v29 =	vor.u32 v3, v18;
	v23 =	vld.idx.msk [tilespmem:v23+s14+$0x0], $0xffff  }
0xb4: {  	v30 =	vor.u32 v3, v16;
	v27 =	vld.idx.msk [tilespmem:v27+s14+$0x0], $0xffff;
	[tilespmem:s31+$0xFFFFFFE0] =	vst v22;
	v22 =	vmul.f32 $8.000000000e+00, v46  }
0xb5: {  	v12 =	vor.u32 v7, v12;
	v32 =	vld.idx.msk [tilespmem:v47+s14+$0x0], $0xffff;
	[tilespmem:s30+$0x30] =	vst v25;
	v25 =	vmul.f32 $8.000000000e+00, v26  }
0xb6: {  	v26 =	vld.idx.msk [tilespmem:v31+s14+$0x0], $0xffff;
	v24 =	vmul.f32 $8.000000000e+00, v24;
	[tilespmem:s12+$0x60] =	vst v22;
	v22 =	vor.u32 v3, v19  }
0xb7: {  	v9 =	vor.u32 v7, v9;
	v28 =	vmul.f32 $8.000000000e+00, v28;
	[tilespmem:s7+$0x20] =	vst v25;
	v14 =	vld.idx.msk [tilespmem:v14+s14+$0x0], $0xffff  }
0xb8: {  	v25 =	vor.u32 v4, v11;
	[tilespmem:s10+$0x20] =	vst v24;
	v24 =	vld.idx.msk [tilespmem:v29+s14+$0x0], $0xffff;
	v23 =	vmul.f32 $8.000000000e+00, v23  }
0xb9: {  	v15 =	vor.u32 v7, v15;
	[tilespmem:s3+$0x60] =	vst v28;
	v27 =	vmul.f32 $8.000000000e+00, v27;
	v29 =	vld.idx.msk [tilespmem:v30+s14+$0x0], $0xffff  }
0xba: {  	v28 =	vmul.f32 $8.000000000e+00, v32;
	v30 =	vor.u32 v4, v13;
	v12 =	vld.idx.msk [tilespmem:v12+s14+$0x0], $0xffff;
	[tilespmem:s6+$0x20] =	vst v23  }
0xbb: {  	[tilespmem:s2+$0x60] =	vst v27;
	v23 =	vmul.f32 $8.000000000e+00, v26;
	v26 =	vor.u32 v4, v18;
	v22 =	vld.idx.msk [tilespmem:v22+s14+$0x0], $0xffff  }
0xbc: {  	v9 =	vld.idx.msk [tilespmem:v9+s14+$0x0], $0xffff;
	v27 =	vor.u32 v4, v16;
	[tilespmem:s25+$0x30] =	vst v28;
	v14 =	vmul.f32 $8.000000000e+00, v14  }
0xbd: {  	v28 =	vor.u32 v4, v17;
	v25 =	vld.idx.msk [tilespmem:v25+s14+$0x0], $0xffff;
	[tilespmem:s0+$0x40] =	vst v23;
	v23 =	vmul.f32 $8.000000000e+00, v24  }
0xbe: {  	v15 =	vld.idx.msk [tilespmem:v15+s14+$0x0], $0xffff;
	v24 =	vmul.f32 $8.000000000e+00, v29;
	[tilespmem:s12+$0x70] =	vst v14;
	v14 =	vor.u32 v4, v19  }
0xbf: {  	v29 =	vld.idx.msk [tilespmem:v30+s14+$0x0], $0xffff;
	v12 =	vmul.f32 $8.000000000e+00, v12;
	[tilespmem:s7+$0x30] =	vst v23  }
0xc0: {  	v23 =	vor.u32 v5, v11;
	[tilespmem:s31+$0xFFFFFFF0] =	vst v24;
	v24 =	vld.idx.msk [tilespmem:v26+s14+$0x0], $0xffff;
	v22 =	vmul.f32 $8.000000000e+00, v22  }
0xc1: {  	v9 =	vmul.f32 $8.000000000e+00, v9;
	v26 =	vor.u32 v5, v8;
	[tilespmem:s10+$0x30] =	vst v12;
	v12 =	vld.idx.msk [tilespmem:v27+s14+$0x0], $0xffff  }
0xc2: {  	v28 =	vld.idx.msk [tilespmem:v28+s14+$0x0], $0xffff;
	v27 =	vor.u32 v5, v13;
	v25 =	vmul.f32 $8.000000000e+00, v25;
	[tilespmem:s6+$0x30] =	vst v22  }
0xc3: {  	[tilespmem:s3+$0x70] =	vst v9;
	v15 =	vmul.f32 $8.000000000e+00, v15;
	v9 =	vld.idx.msk [tilespmem:v14+s14+$0x0], $0xffff  }
0xc4: {  	v20 =	vld.idx.msk [tilespmem:v20+s14+$0x0], $0xffff;
	[tilespmem:s13+$0x0] =	vst v25;
	v22 =	vor.u32 v5, v16;
	v14 =	vmul.f32 $8.000000000e+00, v29  }
0xc5: {  	[tilespmem:s2+$0x70] =	vst v15;
	v15 =	vld.idx.msk [tilespmem:v23+s14+$0x0], $0xffff;
	v23 =	vor.u32 v5, v17;
	v24 =	vmul.f32 $8.000000000e+00, v24  }
0xc6: {  	v25 =	vld.idx.msk [tilespmem:v26+s14+$0x0], $0xffff;
	v12 =	vmul.f32 $8.000000000e+00, v12;
	[tilespmem:s25+$0x40] =	vst v14;
	v14 =	vor.u32 v5, v19  }
0xc7: {  	[tilespmem:s7+$0x40] =	vst v24;
	v26 =	vld.idx.msk [tilespmem:v27+s14+$0x0], $0xffff;
	v27 =	vmul.f32 $8.000000000e+00, v28;
	v28 =	vor.u32 v6, v10  }
0xc8: {  	v24 =	vor.u32 v6, v11;
	[tilespmem:s31+$0x0] =	vst v12;
	v21 =	vld.idx.msk [tilespmem:v21+s14+$0x0], $0xffff;
	v9 =	vmul.f32 $8.000000000e+00, v9  }
0xc9: {  	v20 =	vmul.f32 $8.000000000e+00, v20;
	v12 =	vor.u32 v6, v8;
	v22 =	vld.idx.msk [tilespmem:v22+s14+$0x0], $0xffff;
	[tilespmem:s30+$0x40] =	vst v27  }
0xca: {  	v15 =	vmul.f32 $8.000000000e+00, v15;
	v27 =	vor.u32 v6, v13;
	v23 =	vld.idx.msk [tilespmem:v23+s14+$0x0], $0xffff;
	[tilespmem:s6+$0x40] =	vst v9  }
0xcb: {  	[tilespmem:s0+$0x50] =	vst v20;
	v20 =	vor.u32 v6, v18;
	v9 =	vmul.f32 $8.000000000e+00, v25;
	v14 =	vld.idx.msk [tilespmem:v14+s14+$0x0], $0xffff  }
0xcc: {  	[tilespmem:s13+$0x10] =	vst v15;
	v15 =	vmul.f32 $8.000000000e+00, v26;
	v25 =	vld.idx.msk [tilespmem:v28+s14+$0x0], $0xffff;
	v26 =	vor.u32 v6, v16  }
0xcd: {  	v21 =	vmul.f32 $8.000000000e+00, v21;
	[tilespmem:s5+$0x50] =	vst v9;
	v9 =	vld.idx.msk [tilespmem:v24+s14+$0x0], $0xffff;
	v24 =	vor.u32 v6, v17  }
0xce: {  	v12 =	vld.idx.msk [tilespmem:v12+s14+$0x0], $0xffff;
	[tilespmem:s25+$0x50] =	vst v15;
	v15 =	vmul.f32 $8.000000000e+00, v22;
	v22 =	vor.u32 v6, v19  }
0xcf: {  	v10 =	vor.u32 v7, v10;
	[tilespmem:s7+$0x50] =	vst v21;
	v27 =	vld.idx.msk [tilespmem:v27+s14+$0x0], $0xffff;
	v23 =	vmul.f32 $8.000000000e+00, v23  }
0xd0: {  	v11 =	vor.u32 v7, v11;
	[tilespmem:s31+$0x10] =	vst v15;
	v15 =	vld.idx.msk [tilespmem:v20+s14+$0x0], $0xffff;
	v14 =	vmul.f32 $8.000000000e+00, v14  }
0xd1: {  	v8 =	vor.u32 v7, v8;
	v20 =	vmul.f32 $8.000000000e+00, v25;
	[tilespmem:s30+$0x50] =	vst v23;
	v21 =	vld.idx.msk [tilespmem:v26+s14+$0x0], $0xffff  }
0xd2: {  	v13 =	vor.u32 v7, v13;
	v9 =	vmul.f32 $8.000000000e+00, v9;
	v23 =	vld.idx.msk [tilespmem:v24+s14+$0x0], $0xffff;
	[tilespmem:s6+$0x50] =	vst v14  }
0xd3: {  	v18 =	vor.u32 v7, v18;
	v12 =	vmul.f32 $8.000000000e+00, v12;
	[tilespmem:s0+$0x60] =	vst v20;
	v14 =	vld.idx.msk [tilespmem:v22+s14+$0x0], $0xffff  }
0xd4: {  	v16 =	vor.u32 v7, v16;
	[tilespmem:s13+$0x20] =	vst v9;
	v9 =	vmul.f32 $8.000000000e+00, v27;
	v10 =	vld.idx.msk [tilespmem:v10+s14+$0x0], $0xffff  }
0xd5: {  	v11 =	vld.idx.msk [tilespmem:v11+s14+$0x0], $0xffff;
	[tilespmem:s5+$0x60] =	vst v12;
	v12 =	vor.u32 v7, v17;
	v15 =	vmul.f32 $8.000000000e+00, v15  }
0xd6: {  	v17 =	vor.u32 v7, v19;
	[tilespmem:s25+$0x60] =	vst v9;
	v8 =	vld.idx.msk [tilespmem:v8+s14+$0x0], $0xffff;
	v9 =	vmul.f32 $8.000000000e+00, v21  }
0xd7: {  	v13 =	vld.idx.msk [tilespmem:v13+s14+$0x0], $0xffff;
	v19 =	vmul.f32 $8.000000000e+00, v23;
	[tilespmem:s7+$0x60] =	vst v15  }
0xd8: {  	[tilespmem:s31+$0x20] =	vst v9;
	v9 =	vmul.f32 $8.000000000e+00, v14;
	v14 =	vld.idx.msk [tilespmem:v18+s14+$0x0], $0xffff  }
0xd9: {  	v10 =	vmul.f32 $8.000000000e+00, v10;
	v15 =	vld.idx.msk [tilespmem:v16+s14+$0x0], $0xffff;
	[tilespmem:s30+$0x60] =	vst v19  }
0xda: {  	v11 =	vmul.f32 $8.000000000e+00, v11;
	[tilespmem:s6+$0x60] =	vst v9;
	v9 =	vld.idx.msk [tilespmem:v12+s14+$0x0], $0xffff  }
0xdb: {  	v8 =	vmul.f32 $8.000000000e+00, v8;
	[tilespmem:s0+$0x70] =	vst v10;
	v10 =	vld.idx.msk [tilespmem:v17+s14+$0x0], $0xffff  }
0xdc: {  	[tilespmem:s13+$0x30] =	vst v11;
	v11 =	vmul.f32 $8.000000000e+00, v13  }
0xdd: {  	[tilespmem:s5+$0x70] =	vst v8;
	v8 =	vmul.f32 $8.000000000e+00, v14  }
0xde: {  	[tilespmem:s25+$0x70] =	vst v11;
	v11 =	vmul.f32 $8.000000000e+00, v15  }
0xdf: {  	p1 =	seq.s32 s18, $0x31;
	v9 =	vmul.f32 $8.000000000e+00, v9;
	[tilespmem:s7+$0x70] =	vst v8  }
0xe0: {  	s0 =	sshll.u32 @!p1 s18, $0x9;
	[tilespmem:s31+$0x30] =	vst v11;
	v8 =	vmul.f32 $8.000000000e+00, v10  }
0xe1: {  	s3 =	sand.u32 @!p1 $0x3FFFFE00, s0;
	[tilespmem:s30+$0x70] =	vst v9  }
0xe2: {  	s1 =	simm.s32 @!p1 $0x80;
	s2 =	simm.s32 @!p1 $0x6400;
	s0 =	sadd.s32 @!p1 $0x200, s3;
	[tilespmem:s6+$0x70] =	vst v8  }
0xe3: {  	[tilespmem:s2], [sflag:$0x1] =	stream.indirect.gather @!p1 [hbm4b:s4+s1], $0x40, s0, s1, $0xb8;
	[tilespmem:$0x16400] =	vst v63  }
0xe4: {  	s20 =	simm.s32 $0x2;
	s21 =	rddreg [dreg:$0x4]  }
0xe5: {  	s24 =	simm.s32 $0x400;
	s23 =	rddreg [dreg:$0x1];
	v8 =	vmov s20;
	s5 =	sor.u32 s21, s28  }
0xe6: {  	s26 =	simm.s32 $0x2;
	s25 =	simm.s32 $0xE400;
	v8 =	vand.u32 $0x3E, v8;
	s0 =	sadd.s32 s23, s5  }
0xe7: {  	v21 =	vbroadcast v8, $0x0;
	[hbm4b:s0+s24] =	stream.strided.scatter [tilespmem:s25], [sflag:$0x5], $0x2000, s22, s24, $0x38;
	[tilespmem:$0x16400] =	vst v63  }
0xe8: {  	_ =	swait.ge [sflag:s26], $0x2000  }
0xe9: {  	v8 =	vor.u32 v0, v21;
	[sflag:s26] =	ssyncset.done $0x0  }
0xea: {  	s29 =	simm.s32 $0x0;
	s0 =	simm.s32 @!p0 $0x6;
	[sflag:s26] =	ssyncadd.s32 $0xFFFFE000  }
0xeb: {  	v9 =	vmov s29;
	_ =	swait.ge @!p0 [sflag:s0], $0x2000  }
0xec: {  	v9 =	vand.u32 $0x3C, v9;
	[sflag:s0] =	ssyncset.done @!p0 $0x0  }
0xed: {  	v22 =	vbroadcast v9, $0x0;
	[sflag:s0] =	ssyncadd.s32 @!p0 $0xFFFFE000  }
0xee: {  	v8 =	vld.idx.msk [tilespmem:v8+s15+$0x0], $0xffff  }
0xef: {  	s1 =	simm.s32 $0x3;
	v9 =	vor.u32 v0, v22  }
0xf0: {  	v10 =	vmov s1  }
0xf1: {  	s2 =	simm.s32 $0x0;
	v10 =	vand.u32 $0x3F, v10;
	v11 =	vor.u32 v1, v21  }
0xf2: {  	s6 =	simm.s32 $0x100;
	v20 =	vbroadcast v10, $0x0;
	s0 =	sand.u32 $0x1C00, s2  }
0xf3: {  	s7 =	simm.s32 $0x6;
	s1 =	sand.u32 $0x300, s6;
	s0 =	sadd.s32 $0x10400, s0;
	v8 =	vmul.f32 $8.000000000e+00, v8  }
0xf4: {  	v10 =	vor.u32 v0, v20;
	v12 =	vld.idx.msk [tilespmem:v9+s15+$0x0], $0xffff;
	v9 =	vmov s7;
	s12 =	sor.u32 s1, s0  }
0xf5: {  	s8 =	simm.s32 $0x1;
	v9 =	vand.u32 $0x3E, v9;
	[tilespmem:s12+$0x0] =	vst v8  }
0xf6: {  	v13 =	vmov s8;
	v9 =	vbroadcast v9, $0x0;
	v8 =	vld.idx.msk [tilespmem:v11+s15+$0x0], $0xffff  }
0xf7: {  	v13 =	vand.u32 $0x3D, v13;
	v11 =	vor.u32 v1, v22  }
0xf8: {  	v24 =	vbroadcast v13, $0x0;
	v15 =	vor.u32 v0, v9  }
0xf9: {  	v14 =	vor.u32 v2, v21;
	v10 =	vld.idx.msk [tilespmem:v10+s15+$0x0], $0xffff;
	v12 =	vmul.f32 $8.000000000e+00, v12  }
0xfa: {  	s16 =	simm.s32 $0x10440;
	v16 =	vor.u32 v0, v24  }
0xfb: {  	s9 =	simm.s32 $0x4;
	[tilespmem:s16+$0xFFFFFFC0] =	vst v12;
	v8 =	vmul.f32 $8.000000000e+00, v8  }
0xfc: {  	v13 =	vor.u32 v1, v20;
	v12 =	vmov s9;
	v11 =	vld.idx.msk [tilespmem:v11+s15+$0x0], $0xffff  }
0xfd: {  	s10 =	simm.s32 $0x180;
	v15 =	vld.idx.msk [tilespmem:v15+s15+$0x0], $0xffff;
	[tilespmem:s12+$0x10] =	vst v8;
	v8 =	vand.u32 $0x3C, v12  }
0xfe: {  	s11 =	simm.s32 $0x7;
	s1 =	sand.u32 $0x380, s10;
	v10 =	vmul.f32 $8.000000000e+00, v10;
	v17 =	vld.idx.msk [tilespmem:v14+s15+$0x0], $0xffff;
	v12 =	vbroadcast v8, $0x0  }
0xff: {  	v16 =	vld.idx.msk [tilespmem:v16+s15+$0x0], $0xffff;
	s2 =	sor.u32 s1, s0;
	v8 =	vor.u32 v2, v22;
	v14 =	vmov s11  }
0x100: {  	s13 =	simm.s32 $0x200;
	[tilespmem:s2+$0x0] =	vst v10;
	v10 =	vand.u32 $0x3F, v14;
	v18 =	vor.u32 v0, v12  }
0x101: {  	s20 =	simm.s32 $0x300;
	s1 =	sand.u32 $0x1C00, s13;
	v19 =	vor.u32 v1, v9;
	v14 =	vbroadcast v10, $0x0;
	v10 =	vld.idx.msk [tilespmem:v13+s15+$0x0], $0xffff;
	v11 =	vmul.f32 $8.000000000e+00, v11  }
0x102: {  	v25 =	vor.u32 v1, v24;
	s6 =	sand.u32 $0x300, s20;
	s1 =	sadd.s32 $0x10400, s1;
	v15 =	vmul.f32 $8.000000000e+00, v15  }
0x103: {  	s21 =	simm.s32 $0x80;
	s10 =	sor.u32 s6, s1;
	v23 =	vor.u32 v0, v14;
	[tilespmem:s16+$0xFFFFFFD0] =	vst v11;
	v17 =	vmul.f32 $8.000000000e+00, v17  }
0x104: {  	s23 =	simm.s32 $0x5;
	s6 =	sand.u32 $0x280, s21;
	v16 =	vmul.f32 $8.000000000e+00, v16;
	[tilespmem:s10+$0x0] =	vst v15;
	v13 =	vor.u32 v3, v21;
	v8 =	vld.idx.msk [tilespmem:v8+s15+$0x0], $0xffff  }
0x105: {  	s25 =	sor.u32 s6, s0;
	v15 =	vmov s23;
	v11 =	vor.u32 v2, v20;
	[tilespmem:s12+$0x20] =	vst v17;
	v17 =	vld.idx.msk [tilespmem:v18+s15+$0x0], $0xffff  }
0x106: {  	[tilespmem:s25+$0x0] =	vst v16;
	v15 =	vand.u32 $0x3D, v15;
	v10 =	vmul.f32 $8.000000000e+00, v10;
	v18 =	vld.idx.msk [tilespmem:v19+s15+$0x0], $0xffff  }
0x107: {  	v25 =	vld.idx.msk [tilespmem:v25+s15+$0x0], $0xffff;
	v15 =	vbroadcast v15, $0x0  }
0x108: {  	[tilespmem:s2+$0x10] =	vst v10;
	v10 =	vld.idx.msk [tilespmem:v23+s15+$0x0], $0xffff;
	v23 =	vor.u32 v3, v22  }
0x109: {  	v26 =	vor.u32 v0, v15;
	v13 =	vld.idx.msk [tilespmem:v13+s15+$0x0], $0xffff  }
0x10a: {  	v19 =	vor.u32 v1, v12;
	v11 =	vld.idx.msk [tilespmem:v11+s15+$0x0], $0xffff;
	v8 =	vmul.f32 $8.000000000e+00, v8  }
0x10b: {  	s24 =	simm.s32 $0xA;
	v16 =	vmul.f32 $8.000000000e+00, v17;
	v17 =	vor.u32 v2, v9;
	v18 =	vmul.f32 $8.000000000e+00, v18  }
0x10c: {  	v28 =	vor.u32 v2, v24;
	v30 =	vor.u32 v3, v20;
	[tilespmem:s16+$0xFFFFFFE0] =	vst v8;
	v8 =	vmov s24  }
0x10d: {  	s31 =	simm.s32 $0x10640;
	s29 =	simm.s32 $0x380;
	v27 =	vor.u32 v1, v14;
	v8 =	vand.u32 $0x3E, v8;
	v23 =	vld.idx.msk [tilespmem:v23+s15+$0x0], $0xffff;
	[tilespmem:s10+$0x10] =	vst v18;
	v18 =	vmul.f32 $8.000000000e+00, v25  }
0x10e: {  	s7 =	simm.s32 $0xB;
	s6 =	sand.u32 $0x380, s29;
	[tilespmem:s31+$0xFFFFFFC0] =	vst v16;
	v16 =	vor.u32 v4, v21;
	v10 =	vmul.f32 $8.000000000e+00, v10;
	v8 =	vbroadcast v8, $0x0;
	v25 =	vld.idx.msk [tilespmem:v26+s15+$0x0], $0xffff  }
0x10f: {  	s26 =	simm.s32 $0x8;
	s11 =	sor.u32 s6, s1;
	v13 =	vmul.f32 $8.000000000e+00, v13;
	v26 =	vmov s7;
	v19 =	vld.idx.msk [tilespmem:v19+s15+$0x0], $0xffff;
	v29 =	vmul.f32 $8.000000000e+00, v11;
	[tilespmem:s25+$0x10] =	vst v18  }
0x110: {  	v11 =	vmov s26;
	v26 =	vand.u32 $0x3F, v26;
	v31 =	vor.u32 v0, v8;
	[tilespmem:s11+$0x0] =	vst v10;
	v17 =	vld.idx.msk [tilespmem:v17+s15+$0x0], $0xffff  }
0x111: {  	v55 =	vor.u32 v1, v15;
	v11 =	vand.u32 $0x3C, v11;
	v10 =	vbroadcast v26, $0x0;
	v26 =	vld.idx.msk [tilespmem:v28+s15+$0x0], $0xffff;
	[tilespmem:s2+$0x20] =	vst v29  }
0x112: {  	s21 =	simm.s32 $0x280;
	[tilespmem:s12+$0x30] =	vst v13;
	v13 =	vor.u32 v2, v12;
	v11 =	vbroadcast v11, $0x0;
	v29 =	vld.idx.msk [tilespmem:v30+s15+$0x0], $0xffff  }
0x113: {  	s23 =	sand.u32 $0x280, s21;
	v30 =	vor.u32 v0, v10;
	v16 =	vld.idx.msk [tilespmem:v16+s15+$0x0], $0xffff;
	v25 =	vmul.f32 $8.000000000e+00, v25  }
0x114: {  	s23 =	sor.u32 s23, s1;
	v27 =	vld.idx.msk [tilespmem:v27+s15+$0x0], $0xffff;
	v28 =	vor.u32 v0, v11;
	v19 =	vmul.f32 $8.000000000e+00, v19  }
0x115: {  	v18 =	vor.u32 v3, v9;
	v31 =	vld.idx.msk [tilespmem:v31+s15+$0x0], $0xffff;
	[tilespmem:s23+$0x0] =	vst v25  }
0x116: {  	v48 =	vor.u32 v3, v24;
	v17 =	vmul.f32 $8.000000000e+00, v17;
	[tilespmem:s31+$0xFFFFFFD0] =	vst v19;
	v35 =	vld.idx.msk [tilespmem:v55+s15+$0x0], $0xffff  }
0x117: {  	v49 =	vor.u32 v2, v14;
	v26 =	vmul.f32 $8.000000000e+00, v26;
	v19 =	vld.idx.msk [tilespmem:v13+s15+$0x0], $0xffff  }
0x118: {  	s8 =	simm.s32 $0x9;
	v30 =	vld.idx.msk [tilespmem:v30+s15+$0x0], $0xffff;
	[tilespmem:s10+$0x20] =	vst v17;
	v17 =	vor.u32 v5, v21;
	v16 =	vmul.f32 $8.000000000e+00, v16  }
0x119: {  	v50 =	vor.u32 v4, v20;
	v27 =	vmul.f32 $8.000000000e+00, v27;
	v13 =	vmov s8;
	v28 =	vld.idx.msk [tilespmem:v28+s15+$0x0], $0xffff;
	[tilespmem:s25+$0x20] =	vst v26  }
0x11a: {  	s9 =	simm.s32 $0x400;
	v51 =	vor.u32 v1, v8;
	v13 =	vand.u32 $0x3D, v13;
	v18 =	vld.idx.msk [tilespmem:v18+s15+$0x0], $0xffff;
	[tilespmem:s12+$0x40] =	vst v16;
	v16 =	vmul.f32 $8.000000000e+00, v29  }
0x11b: {  	s13 =	simm.s32 $0x500;
	s0 =	sand.u32 $0x1C00, s9;
	v26 =	vor.u32 v3, v12;
	[tilespmem:s11+$0x10] =	vst v27;
	v13 =	vbroadcast v13, $0x0;
	v29 =	vld.idx.msk [tilespmem:v48+s15+$0x0], $0xffff  }
0x11c: {  	s20 =	sand.u32 $0x300, s13;
	s6 =	sadd.s32 $0x10400, s0;
	v27 =	vmul.f32 $8.000000000e+00, v31;
	v31 =	vor.u32 v4, v22;
	[tilespmem:s2+$0x30] =	vst v16;
	v16 =	vmul.f32 $8.000000000e+00, v19;
	v19 =	vld.idx.msk [tilespmem:v49+s15+$0x0], $0xffff  }
0x11d: {  	s13 =	sor.u32 s20, s6;
	v52 =	vor.u32 v0, v13;
	v17 =	vld.idx.msk [tilespmem:v17+s15+$0x0], $0xffff  }
0x11e: {  	v23 =	vmul.f32 $8.000000000e+00, v23;
	v54 =	vor.u32 v1, v11;
	[tilespmem:s13+$0x0] =	vst v27;
	v53 =	vld.idx.msk [tilespmem:v50+s15+$0x0], $0xffff  }
0x11f: {  	v56 =	vor.u32 v4, v9;
	[tilespmem:s31+$0xFFFFFFE0] =	vst v16;
	v16 =	vld.idx.msk [tilespmem:v51+s15+$0x0], $0xffff  }
0x120: {  	[tilespmem:s16+$0xFFFFFFF0] =	vst v23;
	v27 =	vor.u32 v4, v24;
	v23 =	vmul.f32 $8.000000000e+00, v28;
	v26 =	vld.idx.msk [tilespmem:v26+s15+$0x0], $0xffff  }
0x121: {  	s0 =	simm.s32 $0x10840;
	v58 =	vor.u32 v3, v14;
	v18 =	vmul.f32 $8.000000000e+00, v18;
	v31 =	vld.idx.msk [tilespmem:v31+s15+$0x0], $0xffff  }
0x122: {  	v59 =	vor.u32 v6, v21;
	v29 =	vmul.f32 $8.000000000e+00, v29;
	[tilespmem:s0+$0xFFFFFFC0] =	vst v23;
	v28 =	vld.idx.msk [tilespmem:v52+s15+$0x0], $0xffff  }
0x123: {  	v57 =	vor.u32 v2, v8;
	v25 =	vmul.f32 $8.000000000e+00, v30;
	v30 =	vld.idx.msk [tilespmem:v54+s15+$0x0], $0xffff;
	[tilespmem:s10+$0x30] =	vst v18;
	v18 =	vmul.f32 $8.000000000e+00, v19  }
0x124: {  	v60 =	vor.u32 v5, v24;
	[tilespmem:s25+$0x30] =	vst v29;
	v29 =	vor.u32 v1, v10;
	v32 =	vld.idx.msk [tilespmem:v56+s15+$0x0], $0xffff;
	v17 =	vmul.f32 $8.000000000e+00, v17  }
0x125: {  	s29 =	simm.s32 $0xF;
	v61 =	vor.u32 v2, v15;
	s24 =	simm.s32 $0x580;
	v23 =	vld.idx.msk [tilespmem:v27+s15+$0x0], $0xffff;
	v27 =	vor.u32 v5, v20;
	v16 =	vmul.f32 $8.000000000e+00, v16;
	[tilespmem:s11+$0x20] =	vst v18  }
0x126: {  	v63 =	vmov s29;
	s1 =	sand.u32 $0x380, s24;
	v62 =	vor.u32 v2, v11;
	s8 =	simm.s32 $0xE;
	v19 =	vor.u32 v5, v22;
	v34 =	vld.idx.msk [tilespmem:v58+s15+$0x0], $0xffff;
	[tilespmem:s12+$0x50] =	vst v17  }
0x127: {  	s1 =	sor.u32 s1, s6;
	v41 =	vmov s8;
	v33 =	vmul.f32 $8.000000000e+00, v53;
	v18 =	vand.u32 $0x3F, v63;
	[tilespmem:s13+$0x10] =	vst v16;
	v37 =	vld.idx.msk [tilespmem:v59+s15+$0x0], $0xffff  }
0x128: {  	s26 =	simm.s32 $0xC;
	v42 =	vand.u32 $0x3E, v41;
	[tilespmem:s1+$0x0] =	vst v25;
	v31 =	vmul.f32 $8.000000000e+00, v31;
	v18 =	vbroadcast v18, $0x0;
	v25 =	vld.idx.msk [tilespmem:v57+s15+$0x0], $0xffff  }
0x129: {  	v35 =	vmul.f32 $8.000000000e+00, v35;
	[tilespmem:s2+$0x40] =	vst v33;
	v17 =	vbroadcast v42, $0x0;
	v16 =	vmov s26;
	v29 =	vld.idx.msk [tilespmem:v29+s15+$0x0], $0xffff  }
0x12a: {  	v30 =	vmul.f32 $8.000000000e+00, v30;
	v16 =	vand.u32 $0x3C, v16;
	[tilespmem:s16+$0x0] =	vst v31;
	v44 =	vor.u32 v0, v18;
	v27 =	vld.idx.msk [tilespmem:v27+s15+$0x0], $0xffff  }
0x12b: {  	[tilespmem:s23+$0x10] =	vst v35;
	v45 =	vor.u32 v0, v17;
	v23 =	vmul.f32 $8.000000000e+00, v23;
	v16 =	vbroadcast v16, $0x0;
	v19 =	vld.idx.msk [tilespmem:v19+s15+$0x0], $0xffff  }
0x12c: {  	s9 =	simm.s32 $0x480;
	v43 =	vor.u32 v3, v8;
	v26 =	vmul.f32 $8.000000000e+00, v26;
	[tilespmem:s0+$0xFFFFFFD0] =	vst v30;
	v30 =	vld.idx.msk [tilespmem:v61+s15+$0x0], $0xffff  }
0x12d: {  	s7 =	sand.u32 $0x280, s9;
	v28 =	vmul.f32 $8.000000000e+00, v28;
	v46 =	vld.idx.msk [tilespmem:v62+s15+$0x0], $0xffff;
	[tilespmem:s25+$0x40] =	vst v23;
	v23 =	vor.u32 v0, v16  }
0x12e: {  	s28 =	sor.u32 s7, s6;
	v49 =	vor.u32 v6, v22;
	[tilespmem:s31+$0xFFFFFFF0] =	vst v26;
	v31 =	vld.idx.msk [tilespmem:v60+s15+$0x0], $0xffff;
	v25 =	vmul.f32 $8.000000000e+00, v25  }
0x12f: {  	v50 =	vor.u32 v3, v15;
	[tilespmem:s28+$0x0] =	vst v28;
	v33 =	vld.idx.msk [tilespmem:v44+s15+$0x0], $0xffff;
	v27 =	vmul.f32 $8.000000000e+00, v27  }
0x130: {  	v53 =	vor.u32 v2, v10;
	v51 =	vld.idx.msk [tilespmem:v45+s15+$0x0], $0xffff;
	v26 =	vmul.f32 $8.000000000e+00, v19;
	[tilespmem:s13+$0x20] =	vst v25  }
0x131: {  	v30 =	vmul.f32 $8.000000000e+00, v30;
	v25 =	vmul.f32 $8.000000000e+00, v29;
	v29 =	vor.u32 v5, v9;
	v36 =	vld.idx.msk [tilespmem:v43+s15+$0x0], $0xffff;
	[tilespmem:s2+$0x50] =	vst v27  }
0x132: {  	v48 =	vor.u32 v6, v20;
	v23 =	vld.idx.msk [tilespmem:v23+s15+$0x0], $0xffff;
	[tilespmem:s16+$0x10] =	vst v26  }
0x133: {  	s8 =	simm.s32 $0xD;
	v52 =	vor.u32 v6, v24;
	v32 =	vmul.f32 $8.000000000e+00, v32;
	[tilespmem:s23+$0x20] =	vst v30;
	v30 =	vld.idx.msk [tilespmem:v49+s15+$0x0], $0xffff  }
0x134: {  	v27 =	vor.u32 v4, v14;
	[tilespmem:s1+$0x10] =	vst v25;
	v25 =	vmov s8;
	v26 =	vmul.f32 $8.000000000e+00, v31;
	v40 =	vld.idx.msk [tilespmem:v50+s15+$0x0], $0xffff  }
0x135: {  	s20 =	simm.s32 $0x600;
	[tilespmem:s10+$0x40] =	vst v32;
	v47 =	vmul.f32 $8.000000000e+00, v34;
	v31 =	vor.u32 v3, v11;
	v19 =	vand.u32 $0x3D, v25;
	v57 =	vld.idx.msk [tilespmem:v53+s15+$0x0], $0xffff  }
0x136: {  	s21 =	simm.s32 $0x700;
	s6 =	sand.u32 $0x1C00, s20;
	v38 =	vmul.f32 $8.000000000e+00, v46;
	v19 =	vbroadcast v19, $0x0;
	[tilespmem:s25+$0x50] =	vst v26;
	v26 =	vor.u32 v1, v17;
	v25 =	vld.idx.msk [tilespmem:v29+s15+$0x0], $0xffff  }
0x137: {  	s24 =	sand.u32 $0x300, s21;
	s20 =	sadd.s32 $0x10400, s6;
	v59 =	vor.u32 v7, v22;
	[tilespmem:s11+$0x30] =	vst v47;
	v32 =	vmul.f32 $8.000000000e+00, v51;
	v29 =	vld.idx.msk [tilespmem:v48+s15+$0x0], $0xffff  }
0x138: {  	v39 =	vor.u32 v4, v8;
	s6 =	sor.u32 s24, s20;
	[tilespmem:s0+$0xFFFFFFE0] =	vst v38;
	v28 =	vld.idx.msk [tilespmem:v52+s15+$0x0], $0xffff;
	v54 =	vor.u32 v0, v19;
	v55 =	vmul.f32 $8.000000000e+00, v23  }
0x139: {  	s30 =	simm.s32 $0x10A40;
	v58 =	vor.u32 v7, v20;
	v61 =	vor.u32 v7, v21;
	[tilespmem:s6+$0x0] =	vst v32;
	v27 =	vld.idx.msk [tilespmem:v27+s15+$0x0], $0xffff;
	v30 =	vmul.f32 $8.000000000e+00, v30  }
0x13a: {  	v20 =	vor.u32 v5, v10;
	v22 =	vor.u32 v1, v13;
	v56 =	vmul.f32 $8.000000000e+00, v36;
	v60 =	vld.idx.msk [tilespmem:v31+s15+$0x0], $0xffff;
	[tilespmem:s30+$0xFFFFFFC0] =	vst v55  }
0x13b: {  	v21 =	vor.u32 v5, v18;
	v47 =	vor.u32 v4, v15;
	v31 =	vmul.f32 $8.000000000e+00, v37;
	v63 =	vld.idx.msk [tilespmem:v26+s15+$0x0], $0xffff;
	[tilespmem:s16+$0x20] =	vst v30  }
0x13c: {  	v62 =	vor.u32 v7, v24;
	v24 =	vor.u32 v1, v18;
	[tilespmem:s13+$0x30] =	vst v56;
	v29 =	vmul.f32 $8.000000000e+00, v29;
	v35 =	vld.idx.msk [tilespmem:v59+s15+$0x0], $0xffff  }
0x13d: {  	v45 =	vor.u32 v4, v12;
	v43 =	vor.u32 v2, v17;
	v46 =	vmul.f32 $8.000000000e+00, v40;
	[tilespmem:s12+$0x60] =	vst v31;
	v34 =	vld.idx.msk [tilespmem:v54+s15+$0x0], $0xffff  }
0x13e: {  	v38 =	vor.u32 v1, v16;
	v32 =	vor.u32 v2, v13;
	v26 =	vmul.f32 $8.000000000e+00, v28;
	v40 =	vld.idx.msk [tilespmem:v61+s15+$0x0], $0xffff;
	[tilespmem:s2+$0x60] =	vst v29  }
0x13f: {  	v23 =	vor.u32 v5, v14;
	v36 =	vmul.f32 $8.000000000e+00, v33;
	[tilespmem:s23+$0x30] =	vst v46;
	v28 =	vmul.f32 $8.000000000e+00, v57;
	v37 =	vld.idx.msk [tilespmem:v58+s15+$0x0], $0xffff  }
0x140: {  	s9 =	simm.s32 $0x780;
	s26 =	simm.s32 $0x680;
	v33 =	vor.u32 v3, v10;
	v31 =	vor.u32 v1, v19;
	v42 =	vld.idx.msk [tilespmem:v47+s15+$0x0], $0xffff;
	v48 =	vmul.f32 $8.000000000e+00, v27;
	[tilespmem:s25+$0x60] =	vst v26  }
0x141: {  	s29 =	sand.u32 $0x380, s9;
	s7 =	sand.u32 $0x280, s26;
	v30 =	vor.u32 v5, v15;
	v29 =	vor.u32 v5, v12;
	v27 =	vmul.f32 $8.000000000e+00, v60;
	[tilespmem:s1+$0x20] =	vst v28;
	v41 =	vld.idx.msk [tilespmem:v62+s15+$0x0], $0xffff  }
0x142: {  	s7 =	sor.u32 s7, s20;
	s8 =	sor.u32 s29, s20;
	s20 =	simm.s32 $0x10;
	v28 =	vor.u32 v6, v9;
	[tilespmem:s11+$0x40] =	vst v48;
	v44 =	vmul.f32 $8.000000000e+00, v63;
	v26 =	vmul.f32 $8.000000000e+00, v34;
	v34 =	vld.idx.msk [tilespmem:v45+s15+$0x0], $0xffff  }
.LBB2_5:
0x143: {  	s26 =	sadd.s32 $0x1, s20  }
0x144: {  	v45 =	vmov s20;
	s29 =	sadd.s32 $0x3, s20;
	v38 =	vld.idx.msk [tilespmem:v38+s15+$0x0], $0xffff;
	v46 =	vor.u32 v2, v16;
	[tilespmem:s8+$0x0] =	vst v36;
	v36 =	vmul.f32 $8.000000000e+00, v37;
	s21 =	smov.u32 s20;
	s24 =	sadd.s32 $0x4, s20  }
0x145: {  	p2 =	slt.u32 s20, $0x3C;
	v35 =	vmul.f32 $8.000000000e+00, v35;
	v37 =	vmov s26;
	s21 =	sadd.s32 $0x2, s21;
	v47 =	vmov s29;
	[tilespmem:s6+$0x10] =	vst v44;
	v44 =	vld.idx.msk [tilespmem:v22+s15+$0x0], $0xffff;
	v22 =	vmovc v31  }
0x146: {  	v40 =	vmul.f32 $8.000000000e+00, v40;
	v31 =	vmov s21;
	v47 =	vand.u32 $0x3F, v47;
	v39 =	vld.idx.msk [tilespmem:v39+s15+$0x0], $0xffff;
	[tilespmem:s2+$0x70] =	vst v36;
	s2 =	smov.u32 s11;
	s11 =	smov.u32 s1;
	s1 =	smov.u32 s8  }
0x147: {  	v31 =	vand.u32 $0x3E, v31;
	v36 =	vbroadcast v47, $0x0;
	v43 =	vld.idx.msk [tilespmem:v43+s15+$0x0], $0xffff;
	[tilespmem:s16+$0x30] =	vst v35;
	v35 =	vmul.f32 $8.000000000e+00, v41;
	s16 =	smov.u32 s31;
	s31 =	smov.u32 s0;
	s0 =	smov.u32 s30  }
0x148: {  	v25 =	vmul.f32 $8.000000000e+00, v25;
	v37 =	vand.u32 $0x3D, v37;
	v41 =	vbroadcast v31, $0x0;
	v24 =	vld.idx.msk [tilespmem:v24+s15+$0x0], $0xffff;
	[tilespmem:s12+$0x70] =	vst v40;
	s12 =	smov.u32 s10;
	s10 =	smov.u32 s13;
	s13 =	smov.u32 s6  }
0x149: {  	v34 =	vmul.f32 $8.000000000e+00, v34;
	v31 =	vand.u32 $0x3C, v45;
	v40 =	vmul.f32 $8.000000000e+00, v42;
	v42 =	vld.idx.msk [tilespmem:v23+s15+$0x0], $0xffff;
	[tilespmem:s25+$0x70] =	vst v35;
	v23 =	vmovc v20;
	v20 =	vmovc v21;
	s25 =	smov.u32 s23;
	s23 =	smov.u32 s28;
	s28 =	smov.u32 s7  }
0x14a: {  	v35 =	vbroadcast v31, $0x0;
	v31 =	vbroadcast v37, $0x0;
	v37 =	vor.u32 v0, v41;
	v33 =	vld.idx.msk [tilespmem:v33+s15+$0x0], $0xffff;
	[tilespmem:s12+$0x50] =	vst v25  }
0x14b: {  	v45 =	vor.u32 v3, v17;
	v25 =	vor.u32 v0, v36;
	v44 =	vmul.f32 $8.000000000e+00, v44;
	[tilespmem:s25+$0x40] =	vst v40;
	v28 =	vld.idx.msk [tilespmem:v28+s15+$0x0], $0xffff  }
0x14c: {  	v21 =	vor.u32 v5, v36;
	v38 =	vmul.f32 $8.000000000e+00, v38;
	v40 =	vor.u32 v0, v35;
	[tilespmem:s16+$0x0] =	vst v34;
	v30 =	vld.idx.msk [tilespmem:v30+s15+$0x0], $0xffff  }
0x14d: {  	v34 =	vmul.f32 $8.000000000e+00, v43;
	[tilespmem:s23+$0x10] =	vst v44;
	v29 =	vld.idx.msk [tilespmem:v29+s15+$0x0], $0xffff  }
0x14e: {  	[tilespmem:s30+$0xFFFFFFD0] =	vst v38;
	v32 =	vld.idx.msk [tilespmem:v32+s15+$0x0], $0xffff;
	v38 =	vmul.f32 $8.000000000e+00, v39  }
0x14f: {  	v24 =	vmul.f32 $8.000000000e+00, v24;
	v39 =	vld.idx.msk [tilespmem:v46+s15+$0x0], $0xffff;
	[tilespmem:s13+$0x20] =	vst v34;
	v34 =	vor.u32 v5, v8  }
0x150: {  	v33 =	vmul.f32 $8.000000000e+00, v33;
	v43 =	vld.idx.msk [tilespmem:v45+s15+$0x0], $0xffff;
	[tilespmem:s10+$0x40] =	vst v38;
	v38 =	vor.u32 v6, v14  }
0x151: {  	s9 =	sadd.s32 $0x200, s9;
	v44 =	vor.u32 v0, v31;
	v45 =	vor.u32 v6, v12;
	v40 =	vld.idx.msk [tilespmem:v40+s15+$0x0], $0xffff;
	[tilespmem:s1+$0x10] =	vst v24  }
0x152: {  	v47 =	vor.u32 v3, v13;
	v46 =	vld.idx.msk [tilespmem:v25+s15+$0x0], $0xffff;
	[tilespmem:s11+$0x30] =	vst v33;
	v33 =	vmul.f32 $8.000000000e+00, v42  }
0x153: {  	v42 =	vor.u32 v1, v41;
	v37 =	vld.idx.msk [tilespmem:v37+s15+$0x0], $0xffff;
	[tilespmem:s31+$0xFFFFFFF0] =	vst v27;
	v27 =	vmul.f32 $8.000000000e+00, v29;
	v29 =	vor.u32 v6, v15  }
0x154: {  	v48 =	vor.u32 v2, v18;
	s30 =	sadd.s32 $0x200, s30;
	v24 =	vor.u32 v1, v36;
	v32 =	vmul.f32 $8.000000000e+00, v32;
	v25 =	vld.idx.msk [tilespmem:v34+s15+$0x0], $0xffff;
	[tilespmem:s2+$0x50] =	vst v33  }
0x155: {  	s6 =	sadd.s32 $0xFFFFFE80, s9;
	v33 =	vor.u32 v4, v10;
	[tilespmem:s16+$0x10] =	vst v27;
	v27 =	vmul.f32 $8.000000000e+00, v30;
	v30 =	vld.idx.msk [tilespmem:v38+s15+$0x0], $0xffff  }
0x156: {  	s8 =	sadd.s32 $0xFFFFFF80, s9;
	s6 =	sand.u32 $0x1C00, s6;
	v34 =	vor.u32 v3, v16;
	[tilespmem:s23+$0x20] =	vst v32;
	v32 =	vld.idx.msk [tilespmem:v45+s15+$0x0], $0xffff  }
0x157: {  	s7 =	sadd.s32 $0x10400, s6;
	s6 =	sand.u32 $0x300, s8;
	v38 =	vmul.f32 $8.000000000e+00, v40;
	v40 =	vld.idx.msk [tilespmem:v47+s15+$0x0], $0xffff;
	[tilespmem:s25+$0x50] =	vst v27  }
0x158: {  	s6 =	sor.u32 s6, s7;
	v27 =	vmul.f32 $8.000000000e+00, v39;
	[tilespmem:s28+$0x0] =	vst v26;
	v26 =	vld.idx.msk [tilespmem:v29+s15+$0x0], $0xffff  }
0x159: {  	v29 =	vmul.f32 $8.000000000e+00, v43;
	[tilespmem:s30+$0xFFFFFFC0] =	vst v38;
	v39 =	vld.idx.msk [tilespmem:v48+s15+$0x0], $0xffff;
	v38 =	vor.u32 v7, v14;
	v14 =	vmovc v10;
	v10 =	vmov v18  }
0x15a: {  	v37 =	vmul.f32 $8.000000000e+00, v37;
	v18 =	vmovc v36;
	[tilespmem:s0+$0xFFFFFFE0] =	vst v27;
	v27 =	vld.idx.msk [tilespmem:v33+s15+$0x0], $0xffff;
	v33 =	vor.u32 v7, v12;
	v12 =	vmov v11  }
0x15b: {  	v43 =	vor.u32 v7, v9;
	v9 =	vmovc v8;
	v8 =	vmov v17;
	v36 =	vmul.f32 $8.000000000e+00, v30;
	v34 =	vld.idx.msk [tilespmem:v34+s15+$0x0], $0xffff;
	[tilespmem:s13+$0x30] =	vst v29  }
0x15c: {  	v28 =	vmul.f32 $8.000000000e+00, v28;
	v17 =	vmovc v41;
	v29 =	vmul.f32 $8.000000000e+00, v32;
	v32 =	vor.u32 v7, v15;
	v30 =	vld.idx.msk [tilespmem:v44+s15+$0x0], $0xffff;
	[tilespmem:s6+$0x0] =	vst v37  }
0x15d: {  	v11 =	vmovc v16;
	v16 =	vmov v35;
	v44 =	vor.u32 v4, v12;
	v45 =	vmul.f32 $8.000000000e+00, v40;
	v42 =	vld.idx.msk [tilespmem:v42+s15+$0x0], $0xffff;
	[tilespmem:s2+$0x60] =	vst v36  }
0x15e: {  	v15 =	vmovc v13;
	v36 =	vmul.f32 $8.000000000e+00, v46;
	v46 =	vor.u32 v4, v13;
	v26 =	vmul.f32 $8.000000000e+00, v26;
	[tilespmem:s16+$0x20] =	vst v29;
	v37 =	vld.idx.msk [tilespmem:v38+s15+$0x0], $0xffff  }
.Ltmp1:
0x15f: {  	s8 =	sand.u32 $0x380, s9;
	v13 =	vmovc v19;
	v19 =	vmov v31;
	v38 =	vor.u32 v1, v16;
	v41 =	vmul.f32 $8.000000000e+00, v39;
	v35 =	vld.idx.msk [tilespmem:v33+s15+$0x0], $0xffff;
	[tilespmem:s12+$0x60] =	vst v28;
	(pc) =	sbr.rel @p2 .LBB2_5-.Ltmp1, $4  }
0x160: {  	s8 =	sor.u32 s8, s7;
	v31 =	vor.u32 v1, v19;
	v29 =	vor.u32 v5, v12;
	v47 =	vmul.f32 $8.000000000e+00, v27;
	[tilespmem:s25+$0x60] =	vst v26;
	v40 =	vld.idx.msk [tilespmem:v43+s15+$0x0], $0xffff  }
0x161: {  	s20 =	sadd.s32 $0xFFFFFF00, s9;
	v39 =	vor.u32 v4, v8;
	v28 =	vor.u32 v6, v9;
	v27 =	vmul.f32 $8.000000000e+00, v34;
	[tilespmem:s1+$0x20] =	vst v41;
	v41 =	vld.idx.msk [tilespmem:v32+s15+$0x0], $0xffff  }
0x162: {  	s20 =	sand.u32 $0x280, s20;
	v43 =	vor.u32 v2, v17;
	v26 =	vmul.f32 $8.000000000e+00, v30;
	v30 =	vor.u32 v5, v15;
	v34 =	vld.idx.msk [tilespmem:v44+s15+$0x0], $0xffff;
	[tilespmem:s23+$0x30] =	vst v45  }
0x163: {  	s7 =	sor.u32 s20, s7;
	s20 =	smov.u32 s24;
	v33 =	vor.u32 v3, v10;
	v32 =	vor.u32 v2, v13;
	v44 =	vmul.f32 $8.000000000e+00, v42;
	v42 =	vld.idx.msk [tilespmem:v46+s15+$0x0], $0xffff;
	[tilespmem:s11+$0x40] =	vst v47  }
0x164: {  	_ = 	snop  }
0x165: {  	[tilespmem:s8+$0x0] =	vst v36  }
0x166: {  	[tilespmem:s7+$0x0] =	vst v26  }
0x167: {  	v59 =	vmul.f32 $8.000000000e+00, v37;
	[tilespmem:s0+$0xFFFFFFF0] =	vst v27  }
0x168: {  	v35 =	vmul.f32 $8.000000000e+00, v35;
	v22 =	vld.idx.msk [tilespmem:v22+s15+$0x0], $0xffff;
	[tilespmem:s6+$0x10] =	vst v44  }
0x169: {  	v25 =	vmul.f32 $8.000000000e+00, v25;
	[tilespmem:s2+$0x70] =	vst v59  }
0x16a: {  	v61 =	vld.idx.msk [tilespmem:v38+s15+$0x0], $0xffff;
	v60 =	vmul.f32 $8.000000000e+00, v40;
	[tilespmem:s16+$0x30] =	vst v35  }
0x16b: {  	v23 =	vld.idx.msk [tilespmem:v23+s15+$0x0], $0xffff;
	v62 =	vmul.f32 $8.000000000e+00, v41;
	[tilespmem:s10+$0x50] =	vst v25  }
0x16c: {  	v24 =	vld.idx.msk [tilespmem:v24+s15+$0x0], $0xffff;
	[tilespmem:s12+$0x70] =	vst v60;
	v34 =	vmul.f32 $8.000000000e+00, v34  }
0x16d: {  	v63 =	vld.idx.msk [tilespmem:v43+s15+$0x0], $0xffff;
	[tilespmem:s25+$0x70] =	vst v62;
	v22 =	vmul.f32 $8.000000000e+00, v22  }
0x16e: {  	v25 =	vld.idx.msk [tilespmem:v33+s15+$0x0], $0xffff;
	v40 =	vmul.f32 $8.000000000e+00, v42;
	[tilespmem:s31+$0x0] =	vst v34  }
0x16f: {  	v41 =	vld.idx.msk [tilespmem:v39+s15+$0x0], $0xffff;
	v42 =	vmul.f32 $8.000000000e+00, v61;
	[tilespmem:s28+$0x10] =	vst v22;
	v22 =	vor.u32 v2, v16  }
0x170: {  	v44 =	vor.u32 v3, v17;
	v23 =	vmul.f32 $8.000000000e+00, v23;
	[tilespmem:s23+$0x40] =	vst v40;
	v29 =	vld.idx.msk [tilespmem:v29+s15+$0x0], $0xffff  }
0x171: {  	v45 =	vor.u32 v6, v14;
	v24 =	vmul.f32 $8.000000000e+00, v24;
	[tilespmem:s30+$0xFFFFFFD0] =	vst v42;
	v30 =	vld.idx.msk [tilespmem:v30+s15+$0x0], $0xffff  }
0x172: {  	v26 =	vor.u32 v2, v18;
	v31 =	vld.idx.msk [tilespmem:v31+s15+$0x0], $0xffff;
	v43 =	vmul.f32 $8.000000000e+00, v63;
	[tilespmem:s11+$0x50] =	vst v23  }
0x173: {  	v25 =	vmul.f32 $8.000000000e+00, v25;
	v32 =	vld.idx.msk [tilespmem:v32+s15+$0x0], $0xffff;
	[tilespmem:s8+$0x10] =	vst v24;
	v24 =	vor.u32 v6, v12  }
0x174: {  	v35 =	vmul.f32 $8.000000000e+00, v41;
	[tilespmem:s6+$0x20] =	vst v43;
	v22 =	vld.idx.msk [tilespmem:v22+s15+$0x0], $0xffff  }
0x175: {  	v23 =	vor.u32 v2, v19;
	[tilespmem:s1+$0x30] =	vst v25;
	v25 =	vld.idx.msk [tilespmem:v44+s15+$0x0], $0xffff;
	v29 =	vmul.f32 $8.000000000e+00, v29  }
0x176: {  	v27 =	vor.u32 v6, v15;
	v46 =	vld.idx.msk [tilespmem:v45+s15+$0x0], $0xffff;
	[tilespmem:s13+$0x40] =	vst v35;
	v30 =	vmul.f32 $8.000000000e+00, v30  }
0x177: {  	v47 =	vor.u32 v3, v13;
	v26 =	vld.idx.msk [tilespmem:v26+s15+$0x0], $0xffff;
	[tilespmem:s31+$0x10] =	vst v29;
	v29 =	vmul.f32 $8.000000000e+00, v31  }
0x178: {  	v32 =	vmul.f32 $8.000000000e+00, v32;
	v31 =	vor.u32 v4, v10;
	v24 =	vld.idx.msk [tilespmem:v24+s15+$0x0], $0xffff;
	[tilespmem:s23+$0x50] =	vst v30  }
0x179: {  	v14 =	vor.u32 v7, v14;
	v28 =	vld.idx.msk [tilespmem:v28+s15+$0x0], $0xffff;
	[tilespmem:s7+$0x10] =	vst v29;
	v22 =	vmul.f32 $8.000000000e+00, v22  }
0x17a: {  	[tilespmem:s28+$0x20] =	vst v32;
	v25 =	vmul.f32 $8.000000000e+00, v25;
	v29 =	vor.u32 v3, v18;
	v23 =	vld.idx.msk [tilespmem:v23+s15+$0x0], $0xffff  }
0x17b: {  	v30 =	vor.u32 v3, v16;
	v27 =	vld.idx.msk [tilespmem:v27+s15+$0x0], $0xffff;
	[tilespmem:s30+$0xFFFFFFE0] =	vst v22;
	v22 =	vmul.f32 $8.000000000e+00, v46  }
0x17c: {  	v12 =	vor.u32 v7, v12;
	v32 =	vld.idx.msk [tilespmem:v47+s15+$0x0], $0xffff;
	[tilespmem:s6+$0x30] =	vst v25;
	v25 =	vmul.f32 $8.000000000e+00, v26  }
0x17d: {  	v26 =	vld.idx.msk [tilespmem:v31+s15+$0x0], $0xffff;
	v24 =	vmul.f32 $8.000000000e+00, v24;
	[tilespmem:s11+$0x60] =	vst v22;
	v22 =	vor.u32 v3, v19  }
0x17e: {  	v9 =	vor.u32 v7, v9;
	v28 =	vmul.f32 $8.000000000e+00, v28;
	[tilespmem:s8+$0x20] =	vst v25;
	v14 =	vld.idx.msk [tilespmem:v14+s15+$0x0], $0xffff  }
0x17f: {  	v25 =	vor.u32 v4, v11;
	[tilespmem:s31+$0x20] =	vst v24;
	v24 =	vld.idx.msk [tilespmem:v29+s15+$0x0], $0xffff;
	v23 =	vmul.f32 $8.000000000e+00, v23  }
0x180: {  	v15 =	vor.u32 v7, v15;
	[tilespmem:s10+$0x60] =	vst v28;
	v27 =	vmul.f32 $8.000000000e+00, v27;
	v29 =	vld.idx.msk [tilespmem:v30+s15+$0x0], $0xffff  }
0x181: {  	v28 =	vmul.f32 $8.000000000e+00, v32;
	v30 =	vor.u32 v4, v13;
	v12 =	vld.idx.msk [tilespmem:v12+s15+$0x0], $0xffff;
	[tilespmem:s7+$0x20] =	vst v23  }
0x182: {  	[tilespmem:s23+$0x60] =	vst v27;
	v23 =	vmul.f32 $8.000000000e+00, v26;
	v26 =	vor.u32 v4, v18;
	v22 =	vld.idx.msk [tilespmem:v22+s15+$0x0], $0xffff  }
0x183: {  	v9 =	vld.idx.msk [tilespmem:v9+s15+$0x0], $0xffff;
	v27 =	vor.u32 v4, v16;
	[tilespmem:s28+$0x30] =	vst v28;
	v14 =	vmul.f32 $8.000000000e+00, v14  }
0x184: {  	v28 =	vor.u32 v4, v17;
	v25 =	vld.idx.msk [tilespmem:v25+s15+$0x0], $0xffff;
	[tilespmem:s1+$0x40] =	vst v23;
	v23 =	vmul.f32 $8.000000000e+00, v24  }
0x185: {  	v15 =	vld.idx.msk [tilespmem:v15+s15+$0x0], $0xffff;
	v24 =	vmul.f32 $8.000000000e+00, v29;
	[tilespmem:s11+$0x70] =	vst v14;
	v14 =	vor.u32 v4, v19  }
0x186: {  	v29 =	vld.idx.msk [tilespmem:v30+s15+$0x0], $0xffff;
	v12 =	vmul.f32 $8.000000000e+00, v12;
	[tilespmem:s8+$0x30] =	vst v23  }
0x187: {  	v23 =	vor.u32 v5, v11;
	[tilespmem:s30+$0xFFFFFFF0] =	vst v24;
	v24 =	vld.idx.msk [tilespmem:v26+s15+$0x0], $0xffff;
	v22 =	vmul.f32 $8.000000000e+00, v22  }
0x188: {  	v9 =	vmul.f32 $8.000000000e+00, v9;
	v26 =	vor.u32 v5, v8;
	[tilespmem:s31+$0x30] =	vst v12;
	v12 =	vld.idx.msk [tilespmem:v27+s15+$0x0], $0xffff  }
0x189: {  	v28 =	vld.idx.msk [tilespmem:v28+s15+$0x0], $0xffff;
	v27 =	vor.u32 v5, v13;
	v25 =	vmul.f32 $8.000000000e+00, v25;
	[tilespmem:s7+$0x30] =	vst v22  }
0x18a: {  	[tilespmem:s10+$0x70] =	vst v9;
	v15 =	vmul.f32 $8.000000000e+00, v15;
	v9 =	vld.idx.msk [tilespmem:v14+s15+$0x0], $0xffff  }
0x18b: {  	v20 =	vld.idx.msk [tilespmem:v20+s15+$0x0], $0xffff;
	[tilespmem:s0+$0x0] =	vst v25;
	v22 =	vor.u32 v5, v16;
	v14 =	vmul.f32 $8.000000000e+00, v29  }
0x18c: {  	[tilespmem:s23+$0x70] =	vst v15;
	v15 =	vld.idx.msk [tilespmem:v23+s15+$0x0], $0xffff;
	v23 =	vor.u32 v5, v17;
	v24 =	vmul.f32 $8.000000000e+00, v24  }
0x18d: {  	v25 =	vld.idx.msk [tilespmem:v26+s15+$0x0], $0xffff;
	v12 =	vmul.f32 $8.000000000e+00, v12;
	[tilespmem:s28+$0x40] =	vst v14;
	v14 =	vor.u32 v5, v19  }
0x18e: {  	[tilespmem:s8+$0x40] =	vst v24;
	v26 =	vld.idx.msk [tilespmem:v27+s15+$0x0], $0xffff;
	v27 =	vmul.f32 $8.000000000e+00, v28;
	v28 =	vor.u32 v6, v10  }
0x18f: {  	v24 =	vor.u32 v6, v11;
	[tilespmem:s30+$0x0] =	vst v12;
	v21 =	vld.idx.msk [tilespmem:v21+s15+$0x0], $0xffff;
	v9 =	vmul.f32 $8.000000000e+00, v9  }
0x190: {  	v20 =	vmul.f32 $8.000000000e+00, v20;
	v12 =	vor.u32 v6, v8;
	v22 =	vld.idx.msk [tilespmem:v22+s15+$0x0], $0xffff;
	[tilespmem:s6+$0x40] =	vst v27  }
0x191: {  	v15 =	vmul.f32 $8.000000000e+00, v15;
	v27 =	vor.u32 v6, v13;
	v23 =	vld.idx.msk [tilespmem:v23+s15+$0x0], $0xffff;
	[tilespmem:s7+$0x40] =	vst v9  }
0x192: {  	[tilespmem:s1+$0x50] =	vst v20;
	v20 =	vor.u32 v6, v18;
	v9 =	vmul.f32 $8.000000000e+00, v25;
	v14 =	vld.idx.msk [tilespmem:v14+s15+$0x0], $0xffff  }
0x193: {  	[tilespmem:s0+$0x10] =	vst v15;
	v15 =	vmul.f32 $8.000000000e+00, v26;
	v25 =	vld.idx.msk [tilespmem:v28+s15+$0x0], $0xffff;
	v26 =	vor.u32 v6, v16  }
0x194: {  	v21 =	vmul.f32 $8.000000000e+00, v21;
	[tilespmem:s13+$0x50] =	vst v9;
	v9 =	vld.idx.msk [tilespmem:v24+s15+$0x0], $0xffff;
	v24 =	vor.u32 v6, v17  }
0x195: {  	v12 =	vld.idx.msk [tilespmem:v12+s15+$0x0], $0xffff;
	[tilespmem:s28+$0x50] =	vst v15;
	v15 =	vmul.f32 $8.000000000e+00, v22;
	v22 =	vor.u32 v6, v19  }
0x196: {  	v10 =	vor.u32 v7, v10;
	[tilespmem:s8+$0x50] =	vst v21;
	v27 =	vld.idx.msk [tilespmem:v27+s15+$0x0], $0xffff;
	v23 =	vmul.f32 $8.000000000e+00, v23  }
0x197: {  	v11 =	vor.u32 v7, v11;
	[tilespmem:s30+$0x10] =	vst v15;
	v15 =	vld.idx.msk [tilespmem:v20+s15+$0x0], $0xffff;
	v14 =	vmul.f32 $8.000000000e+00, v14  }
0x198: {  	v8 =	vor.u32 v7, v8;
	v20 =	vmul.f32 $8.000000000e+00, v25;
	[tilespmem:s6+$0x50] =	vst v23;
	v21 =	vld.idx.msk [tilespmem:v26+s15+$0x0], $0xffff  }
0x199: {  	v13 =	vor.u32 v7, v13;
	v9 =	vmul.f32 $8.000000000e+00, v9;
	v23 =	vld.idx.msk [tilespmem:v24+s15+$0x0], $0xffff;
	[tilespmem:s7+$0x50] =	vst v14  }
0x19a: {  	v18 =	vor.u32 v7, v18;
	v12 =	vmul.f32 $8.000000000e+00, v12;
	[tilespmem:s1+$0x60] =	vst v20;
	v14 =	vld.idx.msk [tilespmem:v22+s15+$0x0], $0xffff  }
0x19b: {  	v16 =	vor.u32 v7, v16;
	[tilespmem:s0+$0x20] =	vst v9;
	v9 =	vmul.f32 $8.000000000e+00, v27;
	v10 =	vld.idx.msk [tilespmem:v10+s15+$0x0], $0xffff  }
0x19c: {  	v11 =	vld.idx.msk [tilespmem:v11+s15+$0x0], $0xffff;
	[tilespmem:s13+$0x60] =	vst v12;
	v12 =	vor.u32 v7, v17;
	v15 =	vmul.f32 $8.000000000e+00, v15  }
0x19d: {  	v17 =	vor.u32 v7, v19;
	[tilespmem:s28+$0x60] =	vst v9;
	v8 =	vld.idx.msk [tilespmem:v8+s15+$0x0], $0xffff;
	v9 =	vmul.f32 $8.000000000e+00, v21  }
0x19e: {  	v13 =	vld.idx.msk [tilespmem:v13+s15+$0x0], $0xffff;
	v19 =	vmul.f32 $8.000000000e+00, v23;
	[tilespmem:s8+$0x60] =	vst v15  }
0x19f: {  	[tilespmem:s30+$0x20] =	vst v9;
	v9 =	vmul.f32 $8.000000000e+00, v14;
	v14 =	vld.idx.msk [tilespmem:v18+s15+$0x0], $0xffff  }
0x1a0: {  	v10 =	vmul.f32 $8.000000000e+00, v10;
	v15 =	vld.idx.msk [tilespmem:v16+s15+$0x0], $0xffff;
	[tilespmem:s6+$0x60] =	vst v19  }
0x1a1: {  	v11 =	vmul.f32 $8.000000000e+00, v11;
	[tilespmem:s7+$0x60] =	vst v9;
	v9 =	vld.idx.msk [tilespmem:v12+s15+$0x0], $0xffff  }
0x1a2: {  	v8 =	vmul.f32 $8.000000000e+00, v8;
	[tilespmem:s1+$0x70] =	vst v10;
	v10 =	vld.idx.msk [tilespmem:v17+s15+$0x0], $0xffff  }
0x1a3: {  	[tilespmem:s0+$0x30] =	vst v11;
	v11 =	vmul.f32 $8.000000000e+00, v13  }
0x1a4: {  	[tilespmem:s13+$0x70] =	vst v8;
	v8 =	vmul.f32 $8.000000000e+00, v14  }
0x1a5: {  	[tilespmem:s28+$0x70] =	vst v11;
	v11 =	vmul.f32 $8.000000000e+00, v15  }
0x1a6: {  	v9 =	vmul.f32 $8.000000000e+00, v9;
	[tilespmem:s8+$0x70] =	vst v8  }
0x1a7: {  	[tilespmem:s30+$0x30] =	vst v11;
	v8 =	vmul.f32 $8.000000000e+00, v10  }
0x1a8: {  	s2 =	simm.s32 @!p1 $0x8400;
	[tilespmem:s6+$0x70] =	vst v9  }
0x1a9: {  	s1 =	simm.s32 @!p1 $0x80;
	s0 =	sadd.s32 @!p1 $0x280, s3;
	s8 =	simm.s32 $0x2;
	[tilespmem:s7+$0x70] =	vst v8  }
0x1aa: {  	[tilespmem:s2], [sflag:$0x2] =	stream.indirect.gather @!p1 [hbm4b:s4+s1], $0x40, s0, s1, $0xb8;
	[tilespmem:$0x16400] =	vst v63  }
0x1ab: {  	s12 =	simm.s32 $0x3;
	v8 =	vmov s8;
	s9 =	rddreg [dreg:$0x5]  }
0x1ac: {  	s10 =	simm.s32 $0x400;
	s11 =	simm.s32 $0x10400;
	v8 =	vand.u32 $0x3E, v8;
	s0 =	sadd.s32 s5, s9  }
0x1ad: {  	v21 =	vbroadcast v8, $0x0;
	[hbm4b:s0+s10] =	stream.strided.scatter [tilespmem:s11], [sflag:$0x6], $0x2000, s22, s10, $0x38;
	[tilespmem:$0x16400] =	vst v63  }
0x1ae: {  	_ =	swait.ge [sflag:s12], $0x2000  }
0x1af: {  	v8 =	vor.u32 v0, v21;
	[sflag:s12] =	ssyncset.done $0x0  }
0x1b0: {  	s13 =	simm.s32 $0x0;
	s0 =	simm.s32 @!p0 $0x7;
	[sflag:s12] =	ssyncadd.s32 $0xFFFFE000  }
0x1b1: {  	v9 =	vmov s13;
	_ =	swait.ge @!p0 [sflag:s0], $0x2000  }
0x1b2: {  	v9 =	vand.u32 $0x3C, v9;
	[sflag:s0] =	ssyncset.done @!p0 $0x0  }
0x1b3: {  	v22 =	vbroadcast v9, $0x0;
	[sflag:s0] =	ssyncadd.s32 @!p0 $0xFFFFE000  }
0x1b4: {  	v8 =	vld.idx.msk [tilespmem:v8+s17+$0x0], $0xffff  }
0x1b5: {  	s16 =	simm.s32 $0x3;
	v9 =	vor.u32 v0, v22  }
0x1b6: {  	v10 =	vmov s16  }
0x1b7: {  	s20 =	simm.s32 $0x0;
	v10 =	vand.u32 $0x3F, v10;
	v11 =	vor.u32 v1, v21  }
0x1b8: {  	s21 =	simm.s32 $0x100;
	v20 =	vbroadcast v10, $0x0;
	s0 =	sand.u32 $0x1C00, s20  }
0x1b9: {  	s23 =	simm.s32 $0x6;
	s1 =	sand.u32 $0x300, s21;
	s0 =	sadd.s32 $0x12400, s0;
	v8 =	vmul.f32 $8.000000000e+00, v8  }
0x1ba: {  	v10 =	vor.u32 v0, v20;
	v12 =	vld.idx.msk [tilespmem:v9+s17+$0x0], $0xffff;
	v9 =	vmov s23;
	s12 =	sor.u32 s1, s0  }
0x1bb: {  	s24 =	simm.s32 $0x1;
	v9 =	vand.u32 $0x3E, v9;
	[tilespmem:s12+$0x0] =	vst v8  }
0x1bc: {  	v13 =	vmov s24;
	v9 =	vbroadcast v9, $0x0;
	v8 =	vld.idx.msk [tilespmem:v11+s17+$0x0], $0xffff  }
0x1bd: {  	v13 =	vand.u32 $0x3D, v13;
	v11 =	vor.u32 v1, v22  }
0x1be: {  	v24 =	vbroadcast v13, $0x0;
	v15 =	vor.u32 v0, v9  }
0x1bf: {  	v14 =	vor.u32 v2, v21;
	v10 =	vld.idx.msk [tilespmem:v10+s17+$0x0], $0xffff;
	v12 =	vmul.f32 $8.000000000e+00, v12  }
0x1c0: {  	v16 =	vor.u32 v0, v24;
	s16 =	simm.s32 $0x12440  }
0x1c1: {  	s25 =	simm.s32 $0x4;
	[tilespmem:s16+$0xFFFFFFC0] =	vst v12;
	v8 =	vmul.f32 $8.000000000e+00, v8  }
0x1c2: {  	v13 =	vor.u32 v1, v20;
	v12 =	vmov s25;
	v11 =	vld.idx.msk [tilespmem:v11+s17+$0x0], $0xffff  }
0x1c3: {  	s26 =	simm.s32 $0x180;
	v15 =	vld.idx.msk [tilespmem:v15+s17+$0x0], $0xffff;
	[tilespmem:s12+$0x10] =	vst v8;
	v8 =	vand.u32 $0x3C, v12  }
0x1c4: {  	s29 =	simm.s32 $0x7;
	s1 =	sand.u32 $0x380, s26;
	v10 =	vmul.f32 $8.000000000e+00, v10;
	v17 =	vld.idx.msk [tilespmem:v14+s17+$0x0], $0xffff;
	v12 =	vbroadcast v8, $0x0  }
0x1c5: {  	v16 =	vld.idx.msk [tilespmem:v16+s17+$0x0], $0xffff;
	s2 =	sor.u32 s1, s0;
	v8 =	vor.u32 v2, v22;
	v14 =	vmov s29  }
0x1c6: {  	s7 =	simm.s32 $0x200;
	[tilespmem:s2+$0x0] =	vst v10;
	v10 =	vand.u32 $0x3F, v14;
	v18 =	vor.u32 v0, v12  }
0x1c7: {  	s8 =	simm.s32 $0x300;
	s1 =	sand.u32 $0x1C00, s7;
	v19 =	vor.u32 v1, v9;
	v14 =	vbroadcast v10, $0x0;
	v10 =	vld.idx.msk [tilespmem:v13+s17+$0x0], $0xffff;
	v11 =	vmul.f32 $8.000000000e+00, v11  }
0x1c8: {  	v25 =	vor.u32 v1, v24;
	s6 =	sand.u32 $0x300, s8;
	s1 =	sadd.s32 $0x12400, s1;
	v15 =	vmul.f32 $8.000000000e+00, v15  }
0x1c9: {  	s9 =	simm.s32 $0x80;
	s10 =	sor.u32 s6, s1;
	v23 =	vor.u32 v0, v14;
	[tilespmem:s16+$0xFFFFFFD0] =	vst v11;
	v17 =	vmul.f32 $8.000000000e+00, v17  }
0x1ca: {  	s11 =	simm.s32 $0x5;
	s6 =	sand.u32 $0x280, s9;
	v16 =	vmul.f32 $8.000000000e+00, v16;
	[tilespmem:s10+$0x0] =	vst v15;
	v13 =	vor.u32 v3, v21;
	v8 =	vld.idx.msk [tilespmem:v8+s17+$0x0], $0xffff  }
0x1cb: {  	s25 =	sor.u32 s6, s0;
	v15 =	vmov s11;
	v11 =	vor.u32 v2, v20;
	[tilespmem:s12+$0x20] =	vst v17;
	v17 =	vld.idx.msk [tilespmem:v18+s17+$0x0], $0xffff  }
0x1cc: {  	[tilespmem:s25+$0x0] =	vst v16;
	v15 =	vand.u32 $0x3D, v15;
	v10 =	vmul.f32 $8.000000000e+00, v10;
	v18 =	vld.idx.msk [tilespmem:v19+s17+$0x0], $0xffff  }
0x1cd: {  	v25 =	vld.idx.msk [tilespmem:v25+s17+$0x0], $0xffff;
	v15 =	vbroadcast v15, $0x0  }
0x1ce: {  	[tilespmem:s2+$0x10] =	vst v10;
	v10 =	vld.idx.msk [tilespmem:v23+s17+$0x0], $0xffff;
	v23 =	vor.u32 v3, v22  }
0x1cf: {  	v26 =	vor.u32 v0, v15;
	v13 =	vld.idx.msk [tilespmem:v13+s17+$0x0], $0xffff  }
0x1d0: {  	v19 =	vor.u32 v1, v12;
	v11 =	vld.idx.msk [tilespmem:v11+s17+$0x0], $0xffff;
	v8 =	vmul.f32 $8.000000000e+00, v8  }
0x1d1: {  	s13 =	simm.s32 $0xA;
	v16 =	vmul.f32 $8.000000000e+00, v17;
	v17 =	vor.u32 v2, v9;
	v18 =	vmul.f32 $8.000000000e+00, v18  }
0x1d2: {  	v28 =	vor.u32 v2, v24;
	v30 =	vor.u32 v3, v20;
	[tilespmem:s16+$0xFFFFFFE0] =	vst v8;
	v8 =	vmov s13  }
0x1d3: {  	s31 =	simm.s32 $0x12640;
	s21 =	simm.s32 $0x380;
	v27 =	vor.u32 v1, v14;
	v8 =	vand.u32 $0x3E, v8;
	v23 =	vld.idx.msk [tilespmem:v23+s17+$0x0], $0xffff;
	[tilespmem:s10+$0x10] =	vst v18;
	v18 =	vmul.f32 $8.000000000e+00, v25  }
0x1d4: {  	s23 =	simm.s32 $0xB;
	s6 =	sand.u32 $0x380, s21;
	[tilespmem:s31+$0xFFFFFFC0] =	vst v16;
	v16 =	vor.u32 v4, v21;
	v10 =	vmul.f32 $8.000000000e+00, v10;
	v8 =	vbroadcast v8, $0x0;
	v25 =	vld.idx.msk [tilespmem:v26+s17+$0x0], $0xffff  }
0x1d5: {  	s20 =	simm.s32 $0x8;
	s11 =	sor.u32 s6, s1;
	v13 =	vmul.f32 $8.000000000e+00, v13;
	v26 =	vmov s23;
	v19 =	vld.idx.msk [tilespmem:v19+s17+$0x0], $0xffff;
	v29 =	vmul.f32 $8.000000000e+00, v11;
	[tilespmem:s25+$0x10] =	vst v18  }
0x1d6: {  	v11 =	vmov s20;
	v26 =	vand.u32 $0x3F, v26;
	v31 =	vor.u32 v0, v8;
	[tilespmem:s11+$0x0] =	vst v10;
	v17 =	vld.idx.msk [tilespmem:v17+s17+$0x0], $0xffff  }
0x1d7: {  	v55 =	vor.u32 v1, v15;
	v11 =	vand.u32 $0x3C, v11;
	v10 =	vbroadcast v26, $0x0;
	v26 =	vld.idx.msk [tilespmem:v28+s17+$0x0], $0xffff;
	[tilespmem:s2+$0x20] =	vst v29  }
0x1d8: {  	s9 =	simm.s32 $0x280;
	[tilespmem:s12+$0x30] =	vst v13;
	v13 =	vor.u32 v2, v12;
	v11 =	vbroadcast v11, $0x0;
	v29 =	vld.idx.msk [tilespmem:v30+s17+$0x0], $0xffff  }
0x1d9: {  	s20 =	sand.u32 $0x280, s9;
	v30 =	vor.u32 v0, v10;
	v16 =	vld.idx.msk [tilespmem:v16+s17+$0x0], $0xffff;
	v25 =	vmul.f32 $8.000000000e+00, v25  }
0x1da: {  	s23 =	sor.u32 s20, s1;
	v27 =	vld.idx.msk [tilespmem:v27+s17+$0x0], $0xffff;
	v28 =	vor.u32 v0, v11;
	v19 =	vmul.f32 $8.000000000e+00, v19  }
0x1db: {  	v18 =	vor.u32 v3, v9;
	v31 =	vld.idx.msk [tilespmem:v31+s17+$0x0], $0xffff;
	[tilespmem:s23+$0x0] =	vst v25  }
0x1dc: {  	v48 =	vor.u32 v3, v24;
	v17 =	vmul.f32 $8.000000000e+00, v17;
	[tilespmem:s31+$0xFFFFFFD0] =	vst v19;
	v35 =	vld.idx.msk [tilespmem:v55+s17+$0x0], $0xffff  }
0x1dd: {  	v49 =	vor.u32 v2, v14;
	v26 =	vmul.f32 $8.000000000e+00, v26;
	v19 =	vld.idx.msk [tilespmem:v13+s17+$0x0], $0xffff  }
0x1de: {  	s24 =	simm.s32 $0x9;
	v30 =	vld.idx.msk [tilespmem:v30+s17+$0x0], $0xffff;
	[tilespmem:s10+$0x20] =	vst v17;
	v17 =	vor.u32 v5, v21;
	v16 =	vmul.f32 $8.000000000e+00, v16  }
0x1df: {  	v50 =	vor.u32 v4, v20;
	v27 =	vmul.f32 $8.000000000e+00, v27;
	v13 =	vmov s24;
	v28 =	vld.idx.msk [tilespmem:v28+s17+$0x0], $0xffff;
	[tilespmem:s25+$0x20] =	vst v26  }
0x1e0: {  	s26 =	simm.s32 $0x400;
	v51 =	vor.u32 v1, v8;
	v13 =	vand.u32 $0x3D, v13;
	v18 =	vld.idx.msk [tilespmem:v18+s17+$0x0], $0xffff;
	[tilespmem:s12+$0x40] =	vst v16;
	v16 =	vmul.f32 $8.000000000e+00, v29  }
0x1e1: {  	s0 =	sand.u32 $0x1C00, s26;
	s29 =	simm.s32 $0x500;
	v26 =	vor.u32 v3, v12;
	[tilespmem:s11+$0x10] =	vst v27;
	v13 =	vbroadcast v13, $0x0;
	v29 =	vld.idx.msk [tilespmem:v48+s17+$0x0], $0xffff  }
0x1e2: {  	s6 =	sadd.s32 $0x12400, s0;
	s8 =	sand.u32 $0x300, s29;
	v27 =	vmul.f32 $8.000000000e+00, v31;
	v31 =	vor.u32 v4, v22;
	[tilespmem:s2+$0x30] =	vst v16;
	v16 =	vmul.f32 $8.000000000e+00, v19;
	v19 =	vld.idx.msk [tilespmem:v49+s17+$0x0], $0xffff  }
0x1e3: {  	s13 =	sor.u32 s8, s6;
	v52 =	vor.u32 v0, v13;
	v17 =	vld.idx.msk [tilespmem:v17+s17+$0x0], $0xffff  }
0x1e4: {  	v23 =	vmul.f32 $8.000000000e+00, v23;
	v54 =	vor.u32 v1, v11;
	[tilespmem:s13+$0x0] =	vst v27;
	v53 =	vld.idx.msk [tilespmem:v50+s17+$0x0], $0xffff  }
0x1e5: {  	v56 =	vor.u32 v4, v9;
	[tilespmem:s31+$0xFFFFFFE0] =	vst v16;
	v16 =	vld.idx.msk [tilespmem:v51+s17+$0x0], $0xffff  }
0x1e6: {  	[tilespmem:s16+$0xFFFFFFF0] =	vst v23;
	v27 =	vor.u32 v4, v24;
	v23 =	vmul.f32 $8.000000000e+00, v28;
	v26 =	vld.idx.msk [tilespmem:v26+s17+$0x0], $0xffff  }
0x1e7: {  	s0 =	simm.s32 $0x12840;
	v58 =	vor.u32 v3, v14;
	v18 =	vmul.f32 $8.000000000e+00, v18;
	v31 =	vld.idx.msk [tilespmem:v31+s17+$0x0], $0xffff  }
0x1e8: {  	v59 =	vor.u32 v6, v21;
	v29 =	vmul.f32 $8.000000000e+00, v29;
	[tilespmem:s0+$0xFFFFFFC0] =	vst v23;
	v28 =	vld.idx.msk [tilespmem:v52+s17+$0x0], $0xffff  }
0x1e9: {  	v57 =	vor.u32 v2, v8;
	v25 =	vmul.f32 $8.000000000e+00, v30;
	v30 =	vld.idx.msk [tilespmem:v54+s17+$0x0], $0xffff;
	[tilespmem:s10+$0x30] =	vst v18;
	v18 =	vmul.f32 $8.000000000e+00, v19  }
0x1ea: {  	v60 =	vor.u32 v5, v24;
	s29 =	simm.s32 $0xE;
	[tilespmem:s25+$0x30] =	vst v29;
	v29 =	vor.u32 v1, v10;
	v32 =	vld.idx.msk [tilespmem:v56+s17+$0x0], $0xffff;
	v17 =	vmul.f32 $8.000000000e+00, v17  }
0x1eb: {  	s21 =	simm.s32 $0x580;
	s26 =	simm.s32 $0xF;
	v41 =	vmov s29;
	v23 =	vld.idx.msk [tilespmem:v27+s17+$0x0], $0xffff;
	v27 =	vor.u32 v5, v20;
	v16 =	vmul.f32 $8.000000000e+00, v16;
	[tilespmem:s11+$0x20] =	vst v18  }
0x1ec: {  	v63 =	vmov s26;
	v42 =	vand.u32 $0x3E, v41;
	s1 =	sand.u32 $0x380, s21;
	v19 =	vor.u32 v5, v22;
	v34 =	vld.idx.msk [tilespmem:v58+s17+$0x0], $0xffff;
	[tilespmem:s12+$0x50] =	vst v17  }
0x1ed: {  	v61 =	vor.u32 v2, v15;
	s1 =	sor.u32 s1, s6;
	v33 =	vmul.f32 $8.000000000e+00, v53;
	v18 =	vand.u32 $0x3F, v63;
	[tilespmem:s13+$0x10] =	vst v16;
	v37 =	vld.idx.msk [tilespmem:v59+s17+$0x0], $0xffff  }
0x1ee: {  	v62 =	vor.u32 v2, v11;
	s24 =	simm.s32 $0xC;
	[tilespmem:s1+$0x0] =	vst v25;
	v31 =	vmul.f32 $8.000000000e+00, v31;
	v18 =	vbroadcast v18, $0x0;
	v25 =	vld.idx.msk [tilespmem:v57+s17+$0x0], $0xffff  }
0x1ef: {  	v35 =	vmul.f32 $8.000000000e+00, v35;
	[tilespmem:s2+$0x40] =	vst v33;
	v17 =	vbroadcast v42, $0x0;
	v16 =	vmov s24;
	v29 =	vld.idx.msk [tilespmem:v29+s17+$0x0], $0xffff  }
0x1f0: {  	v30 =	vmul.f32 $8.000000000e+00, v30;
	v16 =	vand.u32 $0x3C, v16;
	[tilespmem:s16+$0x0] =	vst v31;
	v44 =	vor.u32 v0, v18;
	v27 =	vld.idx.msk [tilespmem:v27+s17+$0x0], $0xffff  }
0x1f1: {  	[tilespmem:s23+$0x10] =	vst v35;
	v45 =	vor.u32 v0, v17;
	v23 =	vmul.f32 $8.000000000e+00, v23;
	v16 =	vbroadcast v16, $0x0;
	v19 =	vld.idx.msk [tilespmem:v19+s17+$0x0], $0xffff  }
0x1f2: {  	s9 =	simm.s32 $0x480;
	v43 =	vor.u32 v3, v8;
	v26 =	vmul.f32 $8.000000000e+00, v26;
	[tilespmem:s0+$0xFFFFFFD0] =	vst v30;
	v30 =	vld.idx.msk [tilespmem:v61+s17+$0x0], $0xffff  }
0x1f3: {  	s7 =	sand.u32 $0x280, s9;
	v28 =	vmul.f32 $8.000000000e+00, v28;
	v46 =	vld.idx.msk [tilespmem:v62+s17+$0x0], $0xffff;
	[tilespmem:s25+$0x40] =	vst v23;
	v23 =	vor.u32 v0, v16  }
0x1f4: {  	s28 =	sor.u32 s7, s6;
	v49 =	vor.u32 v6, v22;
	[tilespmem:s31+$0xFFFFFFF0] =	vst v26;
	v31 =	vld.idx.msk [tilespmem:v60+s17+$0x0], $0xffff;
	v25 =	vmul.f32 $8.000000000e+00, v25  }
0x1f5: {  	v50 =	vor.u32 v3, v15;
	[tilespmem:s28+$0x0] =	vst v28;
	v33 =	vld.idx.msk [tilespmem:v44+s17+$0x0], $0xffff;
	v27 =	vmul.f32 $8.000000000e+00, v27  }
0x1f6: {  	v53 =	vor.u32 v2, v10;
	v51 =	vld.idx.msk [tilespmem:v45+s17+$0x0], $0xffff;
	v26 =	vmul.f32 $8.000000000e+00, v19;
	[tilespmem:s13+$0x20] =	vst v25  }
0x1f7: {  	v30 =	vmul.f32 $8.000000000e+00, v30;
	v25 =	vmul.f32 $8.000000000e+00, v29;
	v29 =	vor.u32 v5, v9;
	v36 =	vld.idx.msk [tilespmem:v43+s17+$0x0], $0xffff;
	[tilespmem:s2+$0x50] =	vst v27  }
0x1f8: {  	v48 =	vor.u32 v6, v20;
	v23 =	vld.idx.msk [tilespmem:v23+s17+$0x0], $0xffff;
	[tilespmem:s16+$0x10] =	vst v26  }
0x1f9: {  	s8 =	simm.s32 $0xD;
	v52 =	vor.u32 v6, v24;
	v32 =	vmul.f32 $8.000000000e+00, v32;
	[tilespmem:s23+$0x20] =	vst v30;
	v30 =	vld.idx.msk [tilespmem:v49+s17+$0x0], $0xffff  }
0x1fa: {  	v27 =	vor.u32 v4, v14;
	[tilespmem:s1+$0x10] =	vst v25;
	v25 =	vmov s8;
	v26 =	vmul.f32 $8.000000000e+00, v31;
	v40 =	vld.idx.msk [tilespmem:v50+s17+$0x0], $0xffff  }
0x1fb: {  	s20 =	simm.s32 $0x600;
	[tilespmem:s10+$0x40] =	vst v32;
	v47 =	vmul.f32 $8.000000000e+00, v34;
	v31 =	vor.u32 v3, v11;
	v19 =	vand.u32 $0x3D, v25;
	v57 =	vld.idx.msk [tilespmem:v53+s17+$0x0], $0xffff  }
0x1fc: {  	s21 =	simm.s32 $0x700;
	s6 =	sand.u32 $0x1C00, s20;
	v38 =	vmul.f32 $8.000000000e+00, v46;
	v19 =	vbroadcast v19, $0x0;
	[tilespmem:s25+$0x50] =	vst v26;
	v26 =	vor.u32 v1, v17;
	v25 =	vld.idx.msk [tilespmem:v29+s17+$0x0], $0xffff  }
0x1fd: {  	s20 =	sadd.s32 $0x12400, s6;
	s24 =	sand.u32 $0x300, s21;
	v59 =	vor.u32 v7, v22;
	[tilespmem:s11+$0x30] =	vst v47;
	v32 =	vmul.f32 $8.000000000e+00, v51;
	v29 =	vld.idx.msk [tilespmem:v48+s17+$0x0], $0xffff  }
0x1fe: {  	v39 =	vor.u32 v4, v8;
	s6 =	sor.u32 s24, s20;
	[tilespmem:s0+$0xFFFFFFE0] =	vst v38;
	v28 =	vld.idx.msk [tilespmem:v52+s17+$0x0], $0xffff;
	v54 =	vor.u32 v0, v19;
	v55 =	vmul.f32 $8.000000000e+00, v23  }
0x1ff: {  	s30 =	simm.s32 $0x12A40;
	v58 =	vor.u32 v7, v20;
	v61 =	vor.u32 v7, v21;
	[tilespmem:s6+$0x0] =	vst v32;
	v27 =	vld.idx.msk [tilespmem:v27+s17+$0x0], $0xffff;
	v30 =	vmul.f32 $8.000000000e+00, v30  }
0x200: {  	v20 =	vor.u32 v5, v10;
	v22 =	vor.u32 v1, v13;
	v56 =	vmul.f32 $8.000000000e+00, v36;
	v60 =	vld.idx.msk [tilespmem:v31+s17+$0x0], $0xffff;
	[tilespmem:s30+$0xFFFFFFC0] =	vst v55  }
0x201: {  	v21 =	vor.u32 v5, v18;
	v47 =	vor.u32 v4, v15;
	v31 =	vmul.f32 $8.000000000e+00, v37;
	v63 =	vld.idx.msk [tilespmem:v26+s17+$0x0], $0xffff;
	[tilespmem:s16+$0x20] =	vst v30  }
0x202: {  	v62 =	vor.u32 v7, v24;
	v24 =	vor.u32 v1, v18;
	[tilespmem:s13+$0x30] =	vst v56;
	v29 =	vmul.f32 $8.000000000e+00, v29;
	v35 =	vld.idx.msk [tilespmem:v59+s17+$0x0], $0xffff  }
0x203: {  	v45 =	vor.u32 v4, v12;
	v43 =	vor.u32 v2, v17;
	v46 =	vmul.f32 $8.000000000e+00, v40;
	[tilespmem:s12+$0x60] =	vst v31;
	v34 =	vld.idx.msk [tilespmem:v54+s17+$0x0], $0xffff  }
0x204: {  	v38 =	vor.u32 v1, v16;
	v32 =	vor.u32 v2, v13;
	v26 =	vmul.f32 $8.000000000e+00, v28;
	v40 =	vld.idx.msk [tilespmem:v61+s17+$0x0], $0xffff;
	[tilespmem:s2+$0x60] =	vst v29  }
0x205: {  	v23 =	vor.u32 v5, v14;
	v36 =	vmul.f32 $8.000000000e+00, v33;
	[tilespmem:s23+$0x30] =	vst v46;
	v28 =	vmul.f32 $8.000000000e+00, v57;
	v37 =	vld.idx.msk [tilespmem:v58+s17+$0x0], $0xffff  }
0x206: {  	s26 =	simm.s32 $0x680;
	s9 =	simm.s32 $0x780;
	v33 =	vor.u32 v3, v10;
	v31 =	vor.u32 v1, v19;
	v42 =	vld.idx.msk [tilespmem:v47+s17+$0x0], $0xffff;
	v48 =	vmul.f32 $8.000000000e+00, v27;
	[tilespmem:s25+$0x60] =	vst v26  }
0x207: {  	s29 =	sand.u32 $0x380, s9;
	s7 =	sand.u32 $0x280, s26;
	v30 =	vor.u32 v5, v15;
	v29 =	vor.u32 v5, v12;
	v27 =	vmul.f32 $8.000000000e+00, v60;
	[tilespmem:s1+$0x20] =	vst v28;
	v41 =	vld.idx.msk [tilespmem:v62+s17+$0x0], $0xffff  }
0x208: {  	s7 =	sor.u32 s7, s20;
	s24 =	simm.s32 $0x10;
	s8 =	sor.u32 s29, s20;
	v28 =	vor.u32 v6, v9;
	[tilespmem:s11+$0x40] =	vst v48;
	v44 =	vmul.f32 $8.000000000e+00, v63;
	v26 =	vmul.f32 $8.000000000e+00, v34;
	v34 =	vld.idx.msk [tilespmem:v45+s17+$0x0], $0xffff  }
.LBB2_7:
0x209: {  	s21 =	sadd.s32 $0x1, s24  }
0x20a: {  	v45 =	vmov s24;
	s26 =	sadd.s32 $0x3, s24;
	v38 =	vld.idx.msk [tilespmem:v38+s17+$0x0], $0xffff;
	v46 =	vor.u32 v2, v16;
	[tilespmem:s8+$0x0] =	vst v36;
	v36 =	vmul.f32 $8.000000000e+00, v37;
	s29 =	smov.u32 s24;
	s20 =	sadd.s32 $0x4, s24  }
0x20b: {  	p2 =	slt.u32 s24, $0x3C;
	v35 =	vmul.f32 $8.000000000e+00, v35;
	v37 =	vmov s21;
	s21 =	sadd.s32 $0x2, s29;
	v47 =	vmov s26;
	[tilespmem:s6+$0x10] =	vst v44;
	v44 =	vld.idx.msk [tilespmem:v22+s17+$0x0], $0xffff;
	v22 =	vmovc v31  }
0x20c: {  	v40 =	vmul.f32 $8.000000000e+00, v40;
	v31 =	vmov s21;
	v47 =	vand.u32 $0x3F, v47;
	v39 =	vld.idx.msk [tilespmem:v39+s17+$0x0], $0xffff;
	[tilespmem:s2+$0x70] =	vst v36;
	s2 =	smov.u32 s11;
	s11 =	smov.u32 s1;
	s1 =	smov.u32 s8  }
0x20d: {  	v31 =	vand.u32 $0x3E, v31;
	v36 =	vbroadcast v47, $0x0;
	v43 =	vld.idx.msk [tilespmem:v43+s17+$0x0], $0xffff;
	[tilespmem:s16+$0x30] =	vst v35;
	v35 =	vmul.f32 $8.000000000e+00, v41;
	s16 =	smov.u32 s31;
	s31 =	smov.u32 s0;
	s0 =	smov.u32 s30  }
0x20e: {  	v25 =	vmul.f32 $8.000000000e+00, v25;
	v37 =	vand.u32 $0x3D, v37;
	v41 =	vbroadcast v31, $0x0;
	v24 =	vld.idx.msk [tilespmem:v24+s17+$0x0], $0xffff;
	[tilespmem:s12+$0x70] =	vst v40;
	s12 =	smov.u32 s10;
	s10 =	smov.u32 s13;
	s13 =	smov.u32 s6  }
0x20f: {  	v34 =	vmul.f32 $8.000000000e+00, v34;
	v31 =	vand.u32 $0x3C, v45;
	v40 =	vmul.f32 $8.000000000e+00, v42;
	v42 =	vld.idx.msk [tilespmem:v23+s17+$0x0], $0xffff;
	[tilespmem:s25+$0x70] =	vst v35;
	v23 =	vmovc v20;
	v20 =	vmovc v21;
	s25 =	smov.u32 s23;
	s23 =	smov.u32 s28;
	s28 =	smov.u32 s7  }
0x210: {  	v35 =	vbroadcast v31, $0x0;
	v31 =	vbroadcast v37, $0x0;
	v37 =	vor.u32 v0, v41;
	v33 =	vld.idx.msk [tilespmem:v33+s17+$0x0], $0xffff;
	[tilespmem:s12+$0x50] =	vst v25  }
0x211: {  	v45 =	vor.u32 v3, v17;
	v25 =	vor.u32 v0, v36;
	v44 =	vmul.f32 $8.000000000e+00, v44;
	[tilespmem:s25+$0x40] =	vst v40;
	v28 =	vld.idx.msk [tilespmem:v28+s17+$0x0], $0xffff  }
0x212: {  	v21 =	vor.u32 v5, v36;
	v38 =	vmul.f32 $8.000000000e+00, v38;
	v40 =	vor.u32 v0, v35;
	[tilespmem:s16+$0x0] =	vst v34;
	v30 =	vld.idx.msk [tilespmem:v30+s17+$0x0], $0xffff  }
0x213: {  	v34 =	vmul.f32 $8.000000000e+00, v43;
	[tilespmem:s23+$0x10] =	vst v44;
	v29 =	vld.idx.msk [tilespmem:v29+s17+$0x0], $0xffff  }
0x214: {  	[tilespmem:s30+$0xFFFFFFD0] =	vst v38;
	v32 =	vld.idx.msk [tilespmem:v32+s17+$0x0], $0xffff;
	v38 =	vmul.f32 $8.000000000e+00, v39  }
0x215: {  	v24 =	vmul.f32 $8.000000000e+00, v24;
	v39 =	vld.idx.msk [tilespmem:v46+s17+$0x0], $0xffff;
	[tilespmem:s13+$0x20] =	vst v34;
	v34 =	vor.u32 v5, v8  }
0x216: {  	v33 =	vmul.f32 $8.000000000e+00, v33;
	v43 =	vld.idx.msk [tilespmem:v45+s17+$0x0], $0xffff;
	[tilespmem:s10+$0x40] =	vst v38;
	v38 =	vor.u32 v6, v14  }
0x217: {  	s9 =	sadd.s32 $0x200, s9;
	v44 =	vor.u32 v0, v31;
	v45 =	vor.u32 v6, v12;
	v40 =	vld.idx.msk [tilespmem:v40+s17+$0x0], $0xffff;
	[tilespmem:s1+$0x10] =	vst v24  }
0x218: {  	v47 =	vor.u32 v3, v13;
	v46 =	vld.idx.msk [tilespmem:v25+s17+$0x0], $0xffff;
	[tilespmem:s11+$0x30] =	vst v33;
	v33 =	vmul.f32 $8.000000000e+00, v42  }
0x219: {  	v42 =	vor.u32 v1, v41;
	v37 =	vld.idx.msk [tilespmem:v37+s17+$0x0], $0xffff;
	[tilespmem:s31+$0xFFFFFFF0] =	vst v27;
	v27 =	vmul.f32 $8.000000000e+00, v29;
	v29 =	vor.u32 v6, v15  }
0x21a: {  	v48 =	vor.u32 v2, v18;
	s30 =	sadd.s32 $0x200, s30;
	v24 =	vor.u32 v1, v36;
	v32 =	vmul.f32 $8.000000000e+00, v32;
	v25 =	vld.idx.msk [tilespmem:v34+s17+$0x0], $0xffff;
	[tilespmem:s2+$0x50] =	vst v33  }
0x21b: {  	s6 =	sadd.s32 $0xFFFFFE80, s9;
	v33 =	vor.u32 v4, v10;
	[tilespmem:s16+$0x10] =	vst v27;
	v27 =	vmul.f32 $8.000000000e+00, v30;
	v30 =	vld.idx.msk [tilespmem:v38+s17+$0x0], $0xffff  }
0x21c: {  	s8 =	sadd.s32 $0xFFFFFF80, s9;
	s6 =	sand.u32 $0x1C00, s6;
	v34 =	vor.u32 v3, v16;
	[tilespmem:s23+$0x20] =	vst v32;
	v32 =	vld.idx.msk [tilespmem:v45+s17+$0x0], $0xffff  }
0x21d: {  	s7 =	sadd.s32 $0x12400, s6;
	s6 =	sand.u32 $0x300, s8;
	v38 =	vmul.f32 $8.000000000e+00, v40;
	v40 =	vld.idx.msk [tilespmem:v47+s17+$0x0], $0xffff;
	[tilespmem:s25+$0x50] =	vst v27  }
0x21e: {  	s6 =	sor.u32 s6, s7;
	v27 =	vmul.f32 $8.000000000e+00, v39;
	[tilespmem:s28+$0x0] =	vst v26;
	v26 =	vld.idx.msk [tilespmem:v29+s17+$0x0], $0xffff  }
0x21f: {  	v29 =	vmul.f32 $8.000000000e+00, v43;
	[tilespmem:s30+$0xFFFFFFC0] =	vst v38;
	v39 =	vld.idx.msk [tilespmem:v48+s17+$0x0], $0xffff;
	v38 =	vor.u32 v7, v14;
	v14 =	vmovc v10;
	v10 =	vmov v18  }
0x220: {  	v37 =	vmul.f32 $8.000000000e+00, v37;
	v18 =	vmovc v36;
	[tilespmem:s0+$0xFFFFFFE0] =	vst v27;
	v27 =	vld.idx.msk [tilespmem:v33+s17+$0x0], $0xffff;
	v33 =	vor.u32 v7, v12;
	v12 =	vmov v11  }
0x221: {  	v43 =	vor.u32 v7, v9;
	v9 =	vmovc v8;
	v8 =	vmov v17;
	v36 =	vmul.f32 $8.000000000e+00, v30;
	v34 =	vld.idx.msk [tilespmem:v34+s17+$0x0], $0xffff;
	[tilespmem:s13+$0x30] =	vst v29  }
0x222: {  	v28 =	vmul.f32 $8.000000000e+00, v28;
	v17 =	vmovc v41;
	v29 =	vmul.f32 $8.000000000e+00, v32;
	v32 =	vor.u32 v7, v15;
	v30 =	vld.idx.msk [tilespmem:v44+s17+$0x0], $0xffff;
	[tilespmem:s6+$0x0] =	vst v37  }
0x223: {  	v11 =	vmovc v16;
	v16 =	vmov v35;
	v44 =	vor.u32 v4, v12;
	v45 =	vmul.f32 $8.000000000e+00, v40;
	v42 =	vld.idx.msk [tilespmem:v42+s17+$0x0], $0xffff;
	[tilespmem:s2+$0x60] =	vst v36  }
0x224: {  	v15 =	vmovc v13;
	v36 =	vmul.f32 $8.000000000e+00, v46;
	v46 =	vor.u32 v4, v13;
	v26 =	vmul.f32 $8.000000000e+00, v26;
	[tilespmem:s16+$0x20] =	vst v29;
	v37 =	vld.idx.msk [tilespmem:v38+s17+$0x0], $0xffff  }
.Ltmp2:
0x225: {  	s8 =	sand.u32 $0x380, s9;
	v13 =	vmovc v19;
	v19 =	vmov v31;
	v38 =	vor.u32 v1, v16;
	v41 =	vmul.f32 $8.000000000e+00, v39;
	v35 =	vld.idx.msk [tilespmem:v33+s17+$0x0], $0xffff;
	[tilespmem:s12+$0x60] =	vst v28;
	(pc) =	sbr.rel @p2 .LBB2_7-.Ltmp2, $4  }
0x226: {  	s8 =	sor.u32 s8, s7;
	v31 =	vor.u32 v1, v19;
	v29 =	vor.u32 v5, v12;
	v47 =	vmul.f32 $8.000000000e+00, v27;
	[tilespmem:s25+$0x60] =	vst v26;
	v40 =	vld.idx.msk [tilespmem:v43+s17+$0x0], $0xffff  }
0x227: {  	s21 =	sadd.s32 $0xFFFFFF00, s9;
	v39 =	vor.u32 v4, v8;
	v28 =	vor.u32 v6, v9;
	v27 =	vmul.f32 $8.000000000e+00, v34;
	[tilespmem:s1+$0x20] =	vst v41;
	v41 =	vld.idx.msk [tilespmem:v32+s17+$0x0], $0xffff  }
0x228: {  	s21 =	sand.u32 $0x280, s21;
	v43 =	vor.u32 v2, v17;
	v26 =	vmul.f32 $8.000000000e+00, v30;
	v30 =	vor.u32 v5, v15;
	v34 =	vld.idx.msk [tilespmem:v44+s17+$0x0], $0xffff;
	[tilespmem:s23+$0x30] =	vst v45  }
0x229: {  	s24 =	smov.u32 s20;
	s7 =	sor.u32 s21, s7;
	v33 =	vor.u32 v3, v10;
	v32 =	vor.u32 v2, v13;
	v44 =	vmul.f32 $8.000000000e+00, v42;
	v42 =	vld.idx.msk [tilespmem:v46+s17+$0x0], $0xffff;
	[tilespmem:s11+$0x40] =	vst v47  }
0x22a: {  	_ = 	snop  }
0x22b: {  	[tilespmem:s8+$0x0] =	vst v36  }
0x22c: {  	[tilespmem:s7+$0x0] =	vst v26  }
0x22d: {  	v59 =	vmul.f32 $8.000000000e+00, v37;
	[tilespmem:s0+$0xFFFFFFF0] =	vst v27  }
0x22e: {  	v35 =	vmul.f32 $8.000000000e+00, v35;
	v22 =	vld.idx.msk [tilespmem:v22+s17+$0x0], $0xffff;
	[tilespmem:s6+$0x10] =	vst v44  }
0x22f: {  	v25 =	vmul.f32 $8.000000000e+00, v25;
	[tilespmem:s2+$0x70] =	vst v59  }
0x230: {  	v61 =	vld.idx.msk [tilespmem:v38+s17+$0x0], $0xffff;
	v60 =	vmul.f32 $8.000000000e+00, v40;
	[tilespmem:s16+$0x30] =	vst v35  }
0x231: {  	v23 =	vld.idx.msk [tilespmem:v23+s17+$0x0], $0xffff;
	v62 =	vmul.f32 $8.000000000e+00, v41;
	[tilespmem:s10+$0x50] =	vst v25  }
0x232: {  	v24 =	vld.idx.msk [tilespmem:v24+s17+$0x0], $0xffff;
	[tilespmem:s12+$0x70] =	vst v60;
	v34 =	vmul.f32 $8.000000000e+00, v34  }
0x233: {  	v63 =	vld.idx.msk [tilespmem:v43+s17+$0x0], $0xffff;
	[tilespmem:s25+$0x70] =	vst v62;
	v22 =	vmul.f32 $8.000000000e+00, v22  }
0x234: {  	v25 =	vld.idx.msk [tilespmem:v33+s17+$0x0], $0xffff;
	v40 =	vmul.f32 $8.000000000e+00, v42;
	[tilespmem:s31+$0x0] =	vst v34  }
0x235: {  	v41 =	vld.idx.msk [tilespmem:v39+s17+$0x0], $0xffff;
	v42 =	vmul.f32 $8.000000000e+00, v61;
	[tilespmem:s28+$0x10] =	vst v22;
	v22 =	vor.u32 v2, v16  }
0x236: {  	v44 =	vor.u32 v3, v17;
	v23 =	vmul.f32 $8.000000000e+00, v23;
	[tilespmem:s23+$0x40] =	vst v40;
	v29 =	vld.idx.msk [tilespmem:v29+s17+$0x0], $0xffff  }
0x237: {  	v45 =	vor.u32 v6, v14;
	v24 =	vmul.f32 $8.000000000e+00, v24;
	[tilespmem:s30+$0xFFFFFFD0] =	vst v42;
	v30 =	vld.idx.msk [tilespmem:v30+s17+$0x0], $0xffff  }
0x238: {  	v26 =	vor.u32 v2, v18;
	v31 =	vld.idx.msk [tilespmem:v31+s17+$0x0], $0xffff;
	v43 =	vmul.f32 $8.000000000e+00, v63;
	[tilespmem:s11+$0x50] =	vst v23  }
0x239: {  	v25 =	vmul.f32 $8.000000000e+00, v25;
	v32 =	vld.idx.msk [tilespmem:v32+s17+$0x0], $0xffff;
	[tilespmem:s8+$0x10] =	vst v24;
	v24 =	vor.u32 v6, v12  }
0x23a: {  	v35 =	vmul.f32 $8.000000000e+00, v41;
	[tilespmem:s6+$0x20] =	vst v43;
	v22 =	vld.idx.msk [tilespmem:v22+s17+$0x0], $0xffff  }
0x23b: {  	v23 =	vor.u32 v2, v19;
	[tilespmem:s1+$0x30] =	vst v25;
	v25 =	vld.idx.msk [tilespmem:v44+s17+$0x0], $0xffff;
	v29 =	vmul.f32 $8.000000000e+00, v29  }
0x23c: {  	v27 =	vor.u32 v6, v15;
	v46 =	vld.idx.msk [tilespmem:v45+s17+$0x0], $0xffff;
	[tilespmem:s13+$0x40] =	vst v35;
	v30 =	vmul.f32 $8.000000000e+00, v30  }
0x23d: {  	v47 =	vor.u32 v3, v13;
	v26 =	vld.idx.msk [tilespmem:v26+s17+$0x0], $0xffff;
	[tilespmem:s31+$0x10] =	vst v29;
	v29 =	vmul.f32 $8.000000000e+00, v31  }
0x23e: {  	v32 =	vmul.f32 $8.000000000e+00, v32;
	v31 =	vor.u32 v4, v10;
	v24 =	vld.idx.msk [tilespmem:v24+s17+$0x0], $0xffff;
	[tilespmem:s23+$0x50] =	vst v30  }
0x23f: {  	v14 =	vor.u32 v7, v14;
	v28 =	vld.idx.msk [tilespmem:v28+s17+$0x0], $0xffff;
	[tilespmem:s7+$0x10] =	vst v29;
	v22 =	vmul.f32 $8.000000000e+00, v22  }
0x240: {  	[tilespmem:s28+$0x20] =	vst v32;
	v25 =	vmul.f32 $8.000000000e+00, v25;
	v29 =	vor.u32 v3, v18;
	v23 =	vld.idx.msk [tilespmem:v23+s17+$0x0], $0xffff  }
0x241: {  	v30 =	vor.u32 v3, v16;
	v27 =	vld.idx.msk [tilespmem:v27+s17+$0x0], $0xffff;
	[tilespmem:s30+$0xFFFFFFE0] =	vst v22;
	v22 =	vmul.f32 $8.000000000e+00, v46  }
0x242: {  	v12 =	vor.u32 v7, v12;
	v32 =	vld.idx.msk [tilespmem:v47+s17+$0x0], $0xffff;
	[tilespmem:s6+$0x30] =	vst v25;
	v25 =	vmul.f32 $8.000000000e+00, v26  }
0x243: {  	v26 =	vld.idx.msk [tilespmem:v31+s17+$0x0], $0xffff;
	v24 =	vmul.f32 $8.000000000e+00, v24;
	[tilespmem:s11+$0x60] =	vst v22;
	v22 =	vor.u32 v3, v19  }
0x244: {  	v9 =	vor.u32 v7, v9;
	v28 =	vmul.f32 $8.000000000e+00, v28;
	[tilespmem:s8+$0x20] =	vst v25;
	v14 =	vld.idx.msk [tilespmem:v14+s17+$0x0], $0xffff  }
0x245: {  	v25 =	vor.u32 v4, v11;
	[tilespmem:s31+$0x20] =	vst v24;
	v24 =	vld.idx.msk [tilespmem:v29+s17+$0x0], $0xffff;
	v23 =	vmul.f32 $8.000000000e+00, v23  }
0x246: {  	v15 =	vor.u32 v7, v15;
	[tilespmem:s10+$0x60] =	vst v28;
	v27 =	vmul.f32 $8.000000000e+00, v27;
	v29 =	vld.idx.msk [tilespmem:v30+s17+$0x0], $0xffff  }
0x247: {  	v28 =	vmul.f32 $8.000000000e+00, v32;
	v30 =	vor.u32 v4, v13;
	v12 =	vld.idx.msk [tilespmem:v12+s17+$0x0], $0xffff;
	[tilespmem:s7+$0x20] =	vst v23  }
0x248: {  	[tilespmem:s23+$0x60] =	vst v27;
	v23 =	vmul.f32 $8.000000000e+00, v26;
	v26 =	vor.u32 v4, v18;
	v22 =	vld.idx.msk [tilespmem:v22+s17+$0x0], $0xffff  }
0x249: {  	v9 =	vld.idx.msk [tilespmem:v9+s17+$0x0], $0xffff;
	v27 =	vor.u32 v4, v16;
	[tilespmem:s28+$0x30] =	vst v28;
	v14 =	vmul.f32 $8.000000000e+00, v14  }
0x24a: {  	v28 =	vor.u32 v4, v17;
	v25 =	vld.idx.msk [tilespmem:v25+s17+$0x0], $0xffff;
	[tilespmem:s1+$0x40] =	vst v23;
	v23 =	vmul.f32 $8.000000000e+00, v24  }
0x24b: {  	v15 =	vld.idx.msk [tilespmem:v15+s17+$0x0], $0xffff;
	v24 =	vmul.f32 $8.000000000e+00, v29;
	[tilespmem:s11+$0x70] =	vst v14;
	v14 =	vor.u32 v4, v19  }
0x24c: {  	v29 =	vld.idx.msk [tilespmem:v30+s17+$0x0], $0xffff;
	v12 =	vmul.f32 $8.000000000e+00, v12;
	[tilespmem:s8+$0x30] =	vst v23  }
0x24d: {  	v23 =	vor.u32 v5, v11;
	[tilespmem:s30+$0xFFFFFFF0] =	vst v24;
	v24 =	vld.idx.msk [tilespmem:v26+s17+$0x0], $0xffff;
	v22 =	vmul.f32 $8.000000000e+00, v22  }
0x24e: {  	v9 =	vmul.f32 $8.000000000e+00, v9;
	v26 =	vor.u32 v5, v8;
	[tilespmem:s31+$0x30] =	vst v12;
	v12 =	vld.idx.msk [tilespmem:v27+s17+$0x0], $0xffff  }
0x24f: {  	v28 =	vld.idx.msk [tilespmem:v28+s17+$0x0], $0xffff;
	v27 =	vor.u32 v5, v13;
	v25 =	vmul.f32 $8.000000000e+00, v25;
	[tilespmem:s7+$0x30] =	vst v22  }
0x250: {  	[tilespmem:s10+$0x70] =	vst v9;
	v15 =	vmul.f32 $8.000000000e+00, v15;
	v9 =	vld.idx.msk [tilespmem:v14+s17+$0x0], $0xffff  }
0x251: {  	v20 =	vld.idx.msk [tilespmem:v20+s17+$0x0], $0xffff;
	[tilespmem:s0+$0x0] =	vst v25;
	v22 =	vor.u32 v5, v16;
	v14 =	vmul.f32 $8.000000000e+00, v29  }
0x252: {  	[tilespmem:s23+$0x70] =	vst v15;
	v15 =	vld.idx.msk [tilespmem:v23+s17+$0x0], $0xffff;
	v23 =	vor.u32 v5, v17;
	v24 =	vmul.f32 $8.000000000e+00, v24  }
0x253: {  	v25 =	vld.idx.msk [tilespmem:v26+s17+$0x0], $0xffff;
	v12 =	vmul.f32 $8.000000000e+00, v12;
	[tilespmem:s28+$0x40] =	vst v14;
	v14 =	vor.u32 v5, v19  }
0x254: {  	[tilespmem:s8+$0x40] =	vst v24;
	v26 =	vld.idx.msk [tilespmem:v27+s17+$0x0], $0xffff;
	v27 =	vmul.f32 $8.000000000e+00, v28;
	v28 =	vor.u32 v6, v10  }
0x255: {  	v24 =	vor.u32 v6, v11;
	[tilespmem:s30+$0x0] =	vst v12;
	v21 =	vld.idx.msk [tilespmem:v21+s17+$0x0], $0xffff;
	v9 =	vmul.f32 $8.000000000e+00, v9  }
0x256: {  	v20 =	vmul.f32 $8.000000000e+00, v20;
	v12 =	vor.u32 v6, v8;
	v22 =	vld.idx.msk [tilespmem:v22+s17+$0x0], $0xffff;
	[tilespmem:s6+$0x40] =	vst v27  }
0x257: {  	v15 =	vmul.f32 $8.000000000e+00, v15;
	v27 =	vor.u32 v6, v13;
	v23 =	vld.idx.msk [tilespmem:v23+s17+$0x0], $0xffff;
	[tilespmem:s7+$0x40] =	vst v9  }
0x258: {  	[tilespmem:s1+$0x50] =	vst v20;
	v20 =	vor.u32 v6, v18;
	v9 =	vmul.f32 $8.000000000e+00, v25;
	v14 =	vld.idx.msk [tilespmem:v14+s17+$0x0], $0xffff  }
0x259: {  	[tilespmem:s0+$0x10] =	vst v15;
	v15 =	vmul.f32 $8.000000000e+00, v26;
	v25 =	vld.idx.msk [tilespmem:v28+s17+$0x0], $0xffff;
	v26 =	vor.u32 v6, v16  }
0x25a: {  	v21 =	vmul.f32 $8.000000000e+00, v21;
	[tilespmem:s13+$0x50] =	vst v9;
	v9 =	vld.idx.msk [tilespmem:v24+s17+$0x0], $0xffff;
	v24 =	vor.u32 v6, v17  }
0x25b: {  	v12 =	vld.idx.msk [tilespmem:v12+s17+$0x0], $0xffff;
	[tilespmem:s28+$0x50] =	vst v15;
	v15 =	vmul.f32 $8.000000000e+00, v22;
	v22 =	vor.u32 v6, v19  }
0x25c: {  	v10 =	vor.u32 v7, v10;
	[tilespmem:s8+$0x50] =	vst v21;
	v27 =	vld.idx.msk [tilespmem:v27+s17+$0x0], $0xffff;
	v23 =	vmul.f32 $8.000000000e+00, v23  }
0x25d: {  	v11 =	vor.u32 v7, v11;
	[tilespmem:s30+$0x10] =	vst v15;
	v15 =	vld.idx.msk [tilespmem:v20+s17+$0x0], $0xffff;
	v14 =	vmul.f32 $8.000000000e+00, v14  }
0x25e: {  	v8 =	vor.u32 v7, v8;
	v20 =	vmul.f32 $8.000000000e+00, v25;
	[tilespmem:s6+$0x50] =	vst v23;
	v21 =	vld.idx.msk [tilespmem:v26+s17+$0x0], $0xffff  }
0x25f: {  	v13 =	vor.u32 v7, v13;
	v9 =	vmul.f32 $8.000000000e+00, v9;
	v23 =	vld.idx.msk [tilespmem:v24+s17+$0x0], $0xffff;
	[tilespmem:s7+$0x50] =	vst v14  }
0x260: {  	v18 =	vor.u32 v7, v18;
	v12 =	vmul.f32 $8.000000000e+00, v12;
	[tilespmem:s1+$0x60] =	vst v20;
	v14 =	vld.idx.msk [tilespmem:v22+s17+$0x0], $0xffff  }
0x261: {  	v16 =	vor.u32 v7, v16;
	[tilespmem:s0+$0x20] =	vst v9;
	v9 =	vmul.f32 $8.000000000e+00, v27;
	v10 =	vld.idx.msk [tilespmem:v10+s17+$0x0], $0xffff  }
0x262: {  	v11 =	vld.idx.msk [tilespmem:v11+s17+$0x0], $0xffff;
	[tilespmem:s13+$0x60] =	vst v12;
	v12 =	vor.u32 v7, v17;
	v15 =	vmul.f32 $8.000000000e+00, v15  }
0x263: {  	v17 =	vor.u32 v7, v19;
	[tilespmem:s28+$0x60] =	vst v9;
	v8 =	vld.idx.msk [tilespmem:v8+s17+$0x0], $0xffff;
	v9 =	vmul.f32 $8.000000000e+00, v21  }
0x264: {  	v13 =	vld.idx.msk [tilespmem:v13+s17+$0x0], $0xffff;
	v19 =	vmul.f32 $8.000000000e+00, v23;
	[tilespmem:s8+$0x60] =	vst v15  }
0x265: {  	[tilespmem:s30+$0x20] =	vst v9;
	v9 =	vmul.f32 $8.000000000e+00, v14;
	v14 =	vld.idx.msk [tilespmem:v18+s17+$0x0], $0xffff  }
0x266: {  	v10 =	vmul.f32 $8.000000000e+00, v10;
	v15 =	vld.idx.msk [tilespmem:v16+s17+$0x0], $0xffff;
	[tilespmem:s6+$0x60] =	vst v19  }
0x267: {  	v11 =	vmul.f32 $8.000000000e+00, v11;
	[tilespmem:s7+$0x60] =	vst v9;
	v9 =	vld.idx.msk [tilespmem:v12+s17+$0x0], $0xffff  }
0x268: {  	v8 =	vmul.f32 $8.000000000e+00, v8;
	[tilespmem:s1+$0x70] =	vst v10;
	v10 =	vld.idx.msk [tilespmem:v17+s17+$0x0], $0xffff  }
0x269: {  	[tilespmem:s0+$0x30] =	vst v11;
	v11 =	vmul.f32 $8.000000000e+00, v13  }
0x26a: {  	[tilespmem:s13+$0x70] =	vst v8;
	v8 =	vmul.f32 $8.000000000e+00, v14  }
0x26b: {  	[tilespmem:s28+$0x70] =	vst v11;
	v11 =	vmul.f32 $8.000000000e+00, v15  }
0x26c: {  	v9 =	vmul.f32 $8.000000000e+00, v9;
	[tilespmem:s8+$0x70] =	vst v8  }
0x26d: {  	[tilespmem:s30+$0x30] =	vst v11;
	v8 =	vmul.f32 $8.000000000e+00, v10  }
0x26e: {  	s2 =	simm.s32 @!p1 $0xA400;
	[tilespmem:s6+$0x70] =	vst v9  }
0x26f: {  	s1 =	simm.s32 @!p1 $0x80;
	s0 =	sadd.s32 @!p1 $0x300, s3;
	s8 =	simm.s32 $0x2;
	[tilespmem:s7+$0x70] =	vst v8  }
0x270: {  	[tilespmem:s2], [sflag:$0x3] =	stream.indirect.gather @!p1 [hbm4b:s4+s1], $0x40, s0, s1, $0xb8;
	[tilespmem:$0x16400] =	vst v63  }
0x271: {  	s12 =	simm.s32 $0x4;
	v8 =	vmov s8;
	s9 =	rddreg [dreg:$0x6]  }
0x272: {  	s10 =	simm.s32 $0x400;
	s11 =	simm.s32 $0x12400;
	v8 =	vand.u32 $0x3E, v8;
	s0 =	sadd.s32 s5, s9  }
0x273: {  	v21 =	vbroadcast v8, $0x0;
	[hbm4b:s0+s10] =	stream.strided.scatter [tilespmem:s11], [sflag:$0x7], $0x2000, s22, s10, $0x38;
	[tilespmem:$0x16400] =	vst v63  }
0x274: {  	_ =	swait.ge [sflag:s12], $0x2000  }
0x275: {  	v8 =	vor.u32 v0, v21;
	[sflag:s12] =	ssyncset.done $0x0  }
0x276: {  	s13 =	simm.s32 $0x0;
	s0 =	simm.s32 @!p0 $0x8;
	[sflag:s12] =	ssyncadd.s32 $0xFFFFE000  }
0x277: {  	v9 =	vmov s13;
	_ =	swait.ge @!p0 [sflag:s0], $0x2000  }
0x278: {  	v9 =	vand.u32 $0x3C, v9;
	[sflag:s0] =	ssyncset.done @!p0 $0x0  }
0x279: {  	v22 =	vbroadcast v9, $0x0;
	[sflag:s0] =	ssyncadd.s32 @!p0 $0xFFFFE000  }
0x27a: {  	v8 =	vld.idx.msk [tilespmem:v8+s19+$0x0], $0xffff  }
0x27b: {  	s16 =	simm.s32 $0x3;
	v9 =	vor.u32 v0, v22  }
0x27c: {  	v10 =	vmov s16  }
0x27d: {  	s20 =	simm.s32 $0x0;
	v10 =	vand.u32 $0x3F, v10;
	v11 =	vor.u32 v1, v21  }
0x27e: {  	s21 =	simm.s32 $0x100;
	v20 =	vbroadcast v10, $0x0;
	s0 =	sand.u32 $0x1C00, s20  }
0x27f: {  	s23 =	simm.s32 $0x6;
	s1 =	sand.u32 $0x300, s21;
	s0 =	sadd.s32 $0x14400, s0;
	v8 =	vmul.f32 $8.000000000e+00, v8  }
0x280: {  	v10 =	vor.u32 v0, v20;
	v12 =	vld.idx.msk [tilespmem:v9+s19+$0x0], $0xffff;
	v9 =	vmov s23;
	s12 =	sor.u32 s1, s0  }
0x281: {  	s24 =	simm.s32 $0x1;
	v9 =	vand.u32 $0x3E, v9;
	[tilespmem:s12+$0x0] =	vst v8  }
0x282: {  	v13 =	vmov s24;
	v9 =	vbroadcast v9, $0x0;
	v8 =	vld.idx.msk [tilespmem:v11+s19+$0x0], $0xffff  }
0x283: {  	v13 =	vand.u32 $0x3D, v13;
	v11 =	vor.u32 v1, v22  }
0x284: {  	v24 =	vbroadcast v13, $0x0;
	v15 =	vor.u32 v0, v9  }
0x285: {  	v14 =	vor.u32 v2, v21;
	v10 =	vld.idx.msk [tilespmem:v10+s19+$0x0], $0xffff;
	v12 =	vmul.f32 $8.000000000e+00, v12  }
0x286: {  	v16 =	vor.u32 v0, v24;
	s16 =	simm.s32 $0x14440  }
0x287: {  	s25 =	simm.s32 $0x4;
	[tilespmem:s16+$0xFFFFFFC0] =	vst v12;
	v8 =	vmul.f32 $8.000000000e+00, v8  }
0x288: {  	v13 =	vor.u32 v1, v20;
	v12 =	vmov s25;
	v11 =	vld.idx.msk [tilespmem:v11+s19+$0x0], $0xffff  }
0x289: {  	s26 =	simm.s32 $0x180;
	v15 =	vld.idx.msk [tilespmem:v15+s19+$0x0], $0xffff;
	[tilespmem:s12+$0x10] =	vst v8;
	v8 =	vand.u32 $0x3C, v12  }
0x28a: {  	s29 =	simm.s32 $0x7;
	s1 =	sand.u32 $0x380, s26;
	v10 =	vmul.f32 $8.000000000e+00, v10;
	v17 =	vld.idx.msk [tilespmem:v14+s19+$0x0], $0xffff;
	v12 =	vbroadcast v8, $0x0  }
0x28b: {  	v16 =	vld.idx.msk [tilespmem:v16+s19+$0x0], $0xffff;
	s2 =	sor.u32 s1, s0;
	v8 =	vor.u32 v2, v22;
	v14 =	vmov s29  }
0x28c: {  	s7 =	simm.s32 $0x200;
	[tilespmem:s2+$0x0] =	vst v10;
	v10 =	vand.u32 $0x3F, v14;
	v18 =	vor.u32 v0, v12  }
0x28d: {  	s8 =	simm.s32 $0x300;
	s1 =	sand.u32 $0x1C00, s7;
	v19 =	vor.u32 v1, v9;
	v14 =	vbroadcast v10, $0x0;
	v10 =	vld.idx.msk [tilespmem:v13+s19+$0x0], $0xffff;
	v11 =	vmul.f32 $8.000000000e+00, v11  }
0x28e: {  	v25 =	vor.u32 v1, v24;
	s6 =	sand.u32 $0x300, s8;
	s1 =	sadd.s32 $0x14400, s1;
	v15 =	vmul.f32 $8.000000000e+00, v15  }
0x28f: {  	s9 =	simm.s32 $0x80;
	s10 =	sor.u32 s6, s1;
	v23 =	vor.u32 v0, v14;
	[tilespmem:s16+$0xFFFFFFD0] =	vst v11;
	v17 =	vmul.f32 $8.000000000e+00, v17  }
0x290: {  	s11 =	simm.s32 $0x5;
	s6 =	sand.u32 $0x280, s9;
	v16 =	vmul.f32 $8.000000000e+00, v16;
	[tilespmem:s10+$0x0] =	vst v15;
	v13 =	vor.u32 v3, v21;
	v8 =	vld.idx.msk [tilespmem:v8+s19+$0x0], $0xffff  }
0x291: {  	s25 =	sor.u32 s6, s0;
	v15 =	vmov s11;
	v11 =	vor.u32 v2, v20;
	[tilespmem:s12+$0x20] =	vst v17;
	v17 =	vld.idx.msk [tilespmem:v18+s19+$0x0], $0xffff  }
0x292: {  	[tilespmem:s25+$0x0] =	vst v16;
	v15 =	vand.u32 $0x3D, v15;
	v10 =	vmul.f32 $8.000000000e+00, v10;
	v18 =	vld.idx.msk [tilespmem:v19+s19+$0x0], $0xffff  }
0x293: {  	v25 =	vld.idx.msk [tilespmem:v25+s19+$0x0], $0xffff;
	v15 =	vbroadcast v15, $0x0  }
0x294: {  	[tilespmem:s2+$0x10] =	vst v10;
	v10 =	vld.idx.msk [tilespmem:v23+s19+$0x0], $0xffff;
	v23 =	vor.u32 v3, v22  }
0x295: {  	v26 =	vor.u32 v0, v15;
	v13 =	vld.idx.msk [tilespmem:v13+s19+$0x0], $0xffff  }
0x296: {  	v19 =	vor.u32 v1, v12;
	v11 =	vld.idx.msk [tilespmem:v11+s19+$0x0], $0xffff;
	v8 =	vmul.f32 $8.000000000e+00, v8  }
0x297: {  	s13 =	simm.s32 $0xA;
	v16 =	vmul.f32 $8.000000000e+00, v17;
	v17 =	vor.u32 v2, v9;
	v18 =	vmul.f32 $8.000000000e+00, v18  }
0x298: {  	v28 =	vor.u32 v2, v24;
	v30 =	vor.u32 v3, v20;
	[tilespmem:s16+$0xFFFFFFE0] =	vst v8;
	v8 =	vmov s13  }
0x299: {  	s31 =	simm.s32 $0x14640;
	s21 =	simm.s32 $0x380;
	v27 =	vor.u32 v1, v14;
	v8 =	vand.u32 $0x3E, v8;
	v23 =	vld.idx.msk [tilespmem:v23+s19+$0x0], $0xffff;
	[tilespmem:s10+$0x10] =	vst v18;
	v18 =	vmul.f32 $8.000000000e+00, v25  }
0x29a: {  	s23 =	simm.s32 $0xB;
	s6 =	sand.u32 $0x380, s21;
	[tilespmem:s31+$0xFFFFFFC0] =	vst v16;
	v16 =	vor.u32 v4, v21;
	v10 =	vmul.f32 $8.000000000e+00, v10;
	v8 =	vbroadcast v8, $0x0;
	v25 =	vld.idx.msk [tilespmem:v26+s19+$0x0], $0xffff  }
0x29b: {  	s20 =	simm.s32 $0x8;
	s11 =	sor.u32 s6, s1;
	v13 =	vmul.f32 $8.000000000e+00, v13;
	v26 =	vmov s23;
	v19 =	vld.idx.msk [tilespmem:v19+s19+$0x0], $0xffff;
	v29 =	vmul.f32 $8.000000000e+00, v11;
	[tilespmem:s25+$0x10] =	vst v18  }
0x29c: {  	v11 =	vmov s20;
	v26 =	vand.u32 $0x3F, v26;
	v31 =	vor.u32 v0, v8;
	[tilespmem:s11+$0x0] =	vst v10;
	v17 =	vld.idx.msk [tilespmem:v17+s19+$0x0], $0xffff  }
0x29d: {  	v55 =	vor.u32 v1, v15;
	v11 =	vand.u32 $0x3C, v11;
	v10 =	vbroadcast v26, $0x0;
	v26 =	vld.idx.msk [tilespmem:v28+s19+$0x0], $0xffff;
	[tilespmem:s2+$0x20] =	vst v29  }
0x29e: {  	s9 =	simm.s32 $0x280;
	[tilespmem:s12+$0x30] =	vst v13;
	v13 =	vor.u32 v2, v12;
	v11 =	vbroadcast v11, $0x0;
	v29 =	vld.idx.msk [tilespmem:v30+s19+$0x0], $0xffff  }
0x29f: {  	s20 =	sand.u32 $0x280, s9;
	v30 =	vor.u32 v0, v10;
	v16 =	vld.idx.msk [tilespmem:v16+s19+$0x0], $0xffff;
	v25 =	vmul.f32 $8.000000000e+00, v25  }
0x2a0: {  	s23 =	sor.u32 s20, s1;
	v27 =	vld.idx.msk [tilespmem:v27+s19+$0x0], $0xffff;
	v28 =	vor.u32 v0, v11;
	v19 =	vmul.f32 $8.000000000e+00, v19  }
0x2a1: {  	v18 =	vor.u32 v3, v9;
	v31 =	vld.idx.msk [tilespmem:v31+s19+$0x0], $0xffff;
	[tilespmem:s23+$0x0] =	vst v25  }
0x2a2: {  	v48 =	vor.u32 v3, v24;
	v17 =	vmul.f32 $8.000000000e+00, v17;
	[tilespmem:s31+$0xFFFFFFD0] =	vst v19;
	v35 =	vld.idx.msk [tilespmem:v55+s19+$0x0], $0xffff  }
0x2a3: {  	v49 =	vor.u32 v2, v14;
	v26 =	vmul.f32 $8.000000000e+00, v26;
	v19 =	vld.idx.msk [tilespmem:v13+s19+$0x0], $0xffff  }
0x2a4: {  	s24 =	simm.s32 $0x9;
	v30 =	vld.idx.msk [tilespmem:v30+s19+$0x0], $0xffff;
	[tilespmem:s10+$0x20] =	vst v17;
	v17 =	vor.u32 v5, v21;
	v16 =	vmul.f32 $8.000000000e+00, v16  }
0x2a5: {  	v50 =	vor.u32 v4, v20;
	v27 =	vmul.f32 $8.000000000e+00, v27;
	v13 =	vmov s24;
	v28 =	vld.idx.msk [tilespmem:v28+s19+$0x0], $0xffff;
	[tilespmem:s25+$0x20] =	vst v26  }
0x2a6: {  	s26 =	simm.s32 $0x400;
	v51 =	vor.u32 v1, v8;
	v13 =	vand.u32 $0x3D, v13;
	v18 =	vld.idx.msk [tilespmem:v18+s19+$0x0], $0xffff;
	[tilespmem:s12+$0x40] =	vst v16;
	v16 =	vmul.f32 $8.000000000e+00, v29  }
0x2a7: {  	s0 =	sand.u32 $0x1C00, s26;
	s29 =	simm.s32 $0x500;
	v26 =	vor.u32 v3, v12;
	[tilespmem:s11+$0x10] =	vst v27;
	v13 =	vbroadcast v13, $0x0;
	v29 =	vld.idx.msk [tilespmem:v48+s19+$0x0], $0xffff  }
0x2a8: {  	s6 =	sadd.s32 $0x14400, s0;
	s8 =	sand.u32 $0x300, s29;
	v27 =	vmul.f32 $8.000000000e+00, v31;
	v31 =	vor.u32 v4, v22;
	[tilespmem:s2+$0x30] =	vst v16;
	v16 =	vmul.f32 $8.000000000e+00, v19;
	v19 =	vld.idx.msk [tilespmem:v49+s19+$0x0], $0xffff  }
0x2a9: {  	s13 =	sor.u32 s8, s6;
	v52 =	vor.u32 v0, v13;
	v17 =	vld.idx.msk [tilespmem:v17+s19+$0x0], $0xffff  }
0x2aa: {  	v23 =	vmul.f32 $8.000000000e+00, v23;
	v54 =	vor.u32 v1, v11;
	[tilespmem:s13+$0x0] =	vst v27;
	v53 =	vld.idx.msk [tilespmem:v50+s19+$0x0], $0xffff  }
0x2ab: {  	v56 =	vor.u32 v4, v9;
	[tilespmem:s31+$0xFFFFFFE0] =	vst v16;
	v16 =	vld.idx.msk [tilespmem:v51+s19+$0x0], $0xffff  }
0x2ac: {  	[tilespmem:s16+$0xFFFFFFF0] =	vst v23;
	v27 =	vor.u32 v4, v24;
	v23 =	vmul.f32 $8.000000000e+00, v28;
	v26 =	vld.idx.msk [tilespmem:v26+s19+$0x0], $0xffff  }
0x2ad: {  	s0 =	simm.s32 $0x14840;
	v58 =	vor.u32 v3, v14;
	v18 =	vmul.f32 $8.000000000e+00, v18;
	v31 =	vld.idx.msk [tilespmem:v31+s19+$0x0], $0xffff  }
0x2ae: {  	v59 =	vor.u32 v6, v21;
	v29 =	vmul.f32 $8.000000000e+00, v29;
	[tilespmem:s0+$0xFFFFFFC0] =	vst v23;
	v28 =	vld.idx.msk [tilespmem:v52+s19+$0x0], $0xffff  }
0x2af: {  	v57 =	vor.u32 v2, v8;
	v25 =	vmul.f32 $8.000000000e+00, v30;
	v30 =	vld.idx.msk [tilespmem:v54+s19+$0x0], $0xffff;
	[tilespmem:s10+$0x30] =	vst v18;
	v18 =	vmul.f32 $8.000000000e+00, v19  }
0x2b0: {  	v60 =	vor.u32 v5, v24;
	s29 =	simm.s32 $0xE;
	[tilespmem:s25+$0x30] =	vst v29;
	v29 =	vor.u32 v1, v10;
	v32 =	vld.idx.msk [tilespmem:v56+s19+$0x0], $0xffff;
	v17 =	vmul.f32 $8.000000000e+00, v17  }
0x2b1: {  	s21 =	simm.s32 $0x580;
	s26 =	simm.s32 $0xF;
	v41 =	vmov s29;
	v23 =	vld.idx.msk [tilespmem:v27+s19+$0x0], $0xffff;
	v27 =	vor.u32 v5, v20;
	v16 =	vmul.f32 $8.000000000e+00, v16;
	[tilespmem:s11+$0x20] =	vst v18  }
0x2b2: {  	v63 =	vmov s26;
	v42 =	vand.u32 $0x3E, v41;
	s1 =	sand.u32 $0x380, s21;
	v19 =	vor.u32 v5, v22;
	v34 =	vld.idx.msk [tilespmem:v58+s19+$0x0], $0xffff;
	[tilespmem:s12+$0x50] =	vst v17  }
0x2b3: {  	v61 =	vor.u32 v2, v15;
	s1 =	sor.u32 s1, s6;
	v33 =	vmul.f32 $8.000000000e+00, v53;
	v18 =	vand.u32 $0x3F, v63;
	[tilespmem:s13+$0x10] =	vst v16;
	v37 =	vld.idx.msk [tilespmem:v59+s19+$0x0], $0xffff  }
0x2b4: {  	v62 =	vor.u32 v2, v11;
	s24 =	simm.s32 $0xC;
	[tilespmem:s1+$0x0] =	vst v25;
	v31 =	vmul.f32 $8.000000000e+00, v31;
	v18 =	vbroadcast v18, $0x0;
	v25 =	vld.idx.msk [tilespmem:v57+s19+$0x0], $0xffff  }
0x2b5: {  	v35 =	vmul.f32 $8.000000000e+00, v35;
	[tilespmem:s2+$0x40] =	vst v33;
	v17 =	vbroadcast v42, $0x0;
	v16 =	vmov s24;
	v29 =	vld.idx.msk [tilespmem:v29+s19+$0x0], $0xffff  }
0x2b6: {  	v30 =	vmul.f32 $8.000000000e+00, v30;
	v16 =	vand.u32 $0x3C, v16;
	[tilespmem:s16+$0x0] =	vst v31;
	v44 =	vor.u32 v0, v18;
	v27 =	vld.idx.msk [tilespmem:v27+s19+$0x0], $0xffff  }
0x2b7: {  	[tilespmem:s23+$0x10] =	vst v35;
	v45 =	vor.u32 v0, v17;
	v23 =	vmul.f32 $8.000000000e+00, v23;
	v16 =	vbroadcast v16, $0x0;
	v19 =	vld.idx.msk [tilespmem:v19+s19+$0x0], $0xffff  }
0x2b8: {  	s9 =	simm.s32 $0x480;
	v43 =	vor.u32 v3, v8;
	v26 =	vmul.f32 $8.000000000e+00, v26;
	[tilespmem:s0+$0xFFFFFFD0] =	vst v30;
	v30 =	vld.idx.msk [tilespmem:v61+s19+$0x0], $0xffff  }
0x2b9: {  	s7 =	sand.u32 $0x280, s9;
	v28 =	vmul.f32 $8.000000000e+00, v28;
	v46 =	vld.idx.msk [tilespmem:v62+s19+$0x0], $0xffff;
	[tilespmem:s25+$0x40] =	vst v23;
	v23 =	vor.u32 v0, v16  }
0x2ba: {  	s28 =	sor.u32 s7, s6;
	v49 =	vor.u32 v6, v22;
	[tilespmem:s31+$0xFFFFFFF0] =	vst v26;
	v31 =	vld.idx.msk [tilespmem:v60+s19+$0x0], $0xffff;
	v25 =	vmul.f32 $8.000000000e+00, v25  }
0x2bb: {  	v50 =	vor.u32 v3, v15;
	[tilespmem:s28+$0x0] =	vst v28;
	v33 =	vld.idx.msk [tilespmem:v44+s19+$0x0], $0xffff;
	v27 =	vmul.f32 $8.000000000e+00, v27  }
0x2bc: {  	v53 =	vor.u32 v2, v10;
	v51 =	vld.idx.msk [tilespmem:v45+s19+$0x0], $0xffff;
	v26 =	vmul.f32 $8.000000000e+00, v19;
	[tilespmem:s13+$0x20] =	vst v25  }
0x2bd: {  	v30 =	vmul.f32 $8.000000000e+00, v30;
	v25 =	vmul.f32 $8.000000000e+00, v29;
	v29 =	vor.u32 v5, v9;
	v36 =	vld.idx.msk [tilespmem:v43+s19+$0x0], $0xffff;
	[tilespmem:s2+$0x50] =	vst v27  }
0x2be: {  	v48 =	vor.u32 v6, v20;
	v23 =	vld.idx.msk [tilespmem:v23+s19+$0x0], $0xffff;
	[tilespmem:s16+$0x10] =	vst v26  }
0x2bf: {  	s8 =	simm.s32 $0xD;
	v52 =	vor.u32 v6, v24;
	v32 =	vmul.f32 $8.000000000e+00, v32;
	[tilespmem:s23+$0x20] =	vst v30;
	v30 =	vld.idx.msk [tilespmem:v49+s19+$0x0], $0xffff  }
0x2c0: {  	v27 =	vor.u32 v4, v14;
	[tilespmem:s1+$0x10] =	vst v25;
	v25 =	vmov s8;
	v26 =	vmul.f32 $8.000000000e+00, v31;
	v40 =	vld.idx.msk [tilespmem:v50+s19+$0x0], $0xffff  }
0x2c1: {  	s20 =	simm.s32 $0x600;
	[tilespmem:s10+$0x40] =	vst v32;
	v47 =	vmul.f32 $8.000000000e+00, v34;
	v31 =	vor.u32 v3, v11;
	v19 =	vand.u32 $0x3D, v25;
	v57 =	vld.idx.msk [tilespmem:v53+s19+$0x0], $0xffff  }
0x2c2: {  	s21 =	simm.s32 $0x700;
	s6 =	sand.u32 $0x1C00, s20;
	v38 =	vmul.f32 $8.000000000e+00, v46;
	v19 =	vbroadcast v19, $0x0;
	[tilespmem:s25+$0x50] =	vst v26;
	v26 =	vor.u32 v1, v17;
	v25 =	vld.idx.msk [tilespmem:v29+s19+$0x0], $0xffff  }
0x2c3: {  	s20 =	sadd.s32 $0x14400, s6;
	s24 =	sand.u32 $0x300, s21;
	v59 =	vor.u32 v7, v22;
	[tilespmem:s11+$0x30] =	vst v47;
	v32 =	vmul.f32 $8.000000000e+00, v51;
	v29 =	vld.idx.msk [tilespmem:v48+s19+$0x0], $0xffff  }
0x2c4: {  	v39 =	vor.u32 v4, v8;
	s6 =	sor.u32 s24, s20;
	[tilespmem:s0+$0xFFFFFFE0] =	vst v38;
	v28 =	vld.idx.msk [tilespmem:v52+s19+$0x0], $0xffff;
	v54 =	vor.u32 v0, v19;
	v55 =	vmul.f32 $8.000000000e+00, v23  }
0x2c5: {  	s30 =	simm.s32 $0x14A40;
	v58 =	vor.u32 v7, v20;
	v61 =	vor.u32 v7, v21;
	[tilespmem:s6+$0x0] =	vst v32;
	v27 =	vld.idx.msk [tilespmem:v27+s19+$0x0], $0xffff;
	v30 =	vmul.f32 $8.000000000e+00, v30  }
0x2c6: {  	v20 =	vor.u32 v5, v10;
	v22 =	vor.u32 v1, v13;
	v56 =	vmul.f32 $8.000000000e+00, v36;
	v60 =	vld.idx.msk [tilespmem:v31+s19+$0x0], $0xffff;
	[tilespmem:s30+$0xFFFFFFC0] =	vst v55  }
0x2c7: {  	v21 =	vor.u32 v5, v18;
	v47 =	vor.u32 v4, v15;
	v31 =	vmul.f32 $8.000000000e+00, v37;
	v63 =	vld.idx.msk [tilespmem:v26+s19+$0x0], $0xffff;
	[tilespmem:s16+$0x20] =	vst v30  }
0x2c8: {  	v62 =	vor.u32 v7, v24;
	v24 =	vor.u32 v1, v18;
	[tilespmem:s13+$0x30] =	vst v56;
	v29 =	vmul.f32 $8.000000000e+00, v29;
	v35 =	vld.idx.msk [tilespmem:v59+s19+$0x0], $0xffff  }
0x2c9: {  	v45 =	vor.u32 v4, v12;
	v43 =	vor.u32 v2, v17;
	v46 =	vmul.f32 $8.000000000e+00, v40;
	[tilespmem:s12+$0x60] =	vst v31;
	v34 =	vld.idx.msk [tilespmem:v54+s19+$0x0], $0xffff  }
0x2ca: {  	v38 =	vor.u32 v1, v16;
	v32 =	vor.u32 v2, v13;
	v26 =	vmul.f32 $8.000000000e+00, v28;
	v40 =	vld.idx.msk [tilespmem:v61+s19+$0x0], $0xffff;
	[tilespmem:s2+$0x60] =	vst v29  }
0x2cb: {  	v23 =	vor.u32 v5, v14;
	v36 =	vmul.f32 $8.000000000e+00, v33;
	[tilespmem:s23+$0x30] =	vst v46;
	v28 =	vmul.f32 $8.000000000e+00, v57;
	v37 =	vld.idx.msk [tilespmem:v58+s19+$0x0], $0xffff  }
0x2cc: {  	s26 =	simm.s32 $0x680;
	s9 =	simm.s32 $0x780;
	v33 =	vor.u32 v3, v10;
	v31 =	vor.u32 v1, v19;
	v42 =	vld.idx.msk [tilespmem:v47+s19+$0x0], $0xffff;
	v48 =	vmul.f32 $8.000000000e+00, v27;
	[tilespmem:s25+$0x60] =	vst v26  }
0x2cd: {  	s29 =	sand.u32 $0x380, s9;
	s7 =	sand.u32 $0x280, s26;
	v30 =	vor.u32 v5, v15;
	v29 =	vor.u32 v5, v12;
	v27 =	vmul.f32 $8.000000000e+00, v60;
	[tilespmem:s1+$0x20] =	vst v28;
	v41 =	vld.idx.msk [tilespmem:v62+s19+$0x0], $0xffff  }
0x2ce: {  	s7 =	sor.u32 s7, s20;
	s24 =	simm.s32 $0x10;
	s8 =	sor.u32 s29, s20;
	v28 =	vor.u32 v6, v9;
	[tilespmem:s11+$0x40] =	vst v48;
	v44 =	vmul.f32 $8.000000000e+00, v63;
	v26 =	vmul.f32 $8.000000000e+00, v34;
	v34 =	vld.idx.msk [tilespmem:v45+s19+$0x0], $0xffff  }
.LBB2_9:
0x2cf: {  	s21 =	sadd.s32 $0x1, s24  }
0x2d0: {  	v45 =	vmov s24;
	s26 =	sadd.s32 $0x3, s24;
	v38 =	vld.idx.msk [tilespmem:v38+s19+$0x0], $0xffff;
	v46 =	vor.u32 v2, v16;
	[tilespmem:s8+$0x0] =	vst v36;
	v36 =	vmul.f32 $8.000000000e+00, v37;
	s29 =	smov.u32 s24;
	s20 =	sadd.s32 $0x4, s24  }
0x2d1: {  	p0 =	slt.u32 s24, $0x3C;
	v35 =	vmul.f32 $8.000000000e+00, v35;
	v37 =	vmov s21;
	s21 =	sadd.s32 $0x2, s29;
	v47 =	vmov s26;
	[tilespmem:s6+$0x10] =	vst v44;
	v44 =	vld.idx.msk [tilespmem:v22+s19+$0x0], $0xffff;
	v22 =	vmovc v31  }
0x2d2: {  	v40 =	vmul.f32 $8.000000000e+00, v40;
	v31 =	vmov s21;
	v47 =	vand.u32 $0x3F, v47;
	v39 =	vld.idx.msk [tilespmem:v39+s19+$0x0], $0xffff;
	[tilespmem:s2+$0x70] =	vst v36;
	s2 =	smov.u32 s11;
	s11 =	smov.u32 s1;
	s1 =	smov.u32 s8  }
0x2d3: {  	v31 =	vand.u32 $0x3E, v31;
	v36 =	vbroadcast v47, $0x0;
	v43 =	vld.idx.msk [tilespmem:v43+s19+$0x0], $0xffff;
	[tilespmem:s16+$0x30] =	vst v35;
	v35 =	vmul.f32 $8.000000000e+00, v41;
	s16 =	smov.u32 s31;
	s31 =	smov.u32 s0;
	s0 =	smov.u32 s30  }
0x2d4: {  	v25 =	vmul.f32 $8.000000000e+00, v25;
	v37 =	vand.u32 $0x3D, v37;
	v41 =	vbroadcast v31, $0x0;
	v24 =	vld.idx.msk [tilespmem:v24+s19+$0x0], $0xffff;
	[tilespmem:s12+$0x70] =	vst v40;
	s12 =	smov.u32 s10;
	s10 =	smov.u32 s13;
	s13 =	smov.u32 s6  }
0x2d5: {  	v34 =	vmul.f32 $8.000000000e+00, v34;
	v31 =	vand.u32 $0x3C, v45;
	v40 =	vmul.f32 $8.000000000e+00, v42;
	v42 =	vld.idx.msk [tilespmem:v23+s19+$0x0], $0xffff;
	[tilespmem:s25+$0x70] =	vst v35;
	v23 =	vmovc v20;
	v20 =	vmovc v21;
	s25 =	smov.u32 s23;
	s23 =	smov.u32 s28;
	s28 =	smov.u32 s7  }
0x2d6: {  	v35 =	vbroadcast v31, $0x0;
	v31 =	vbroadcast v37, $0x0;
	v37 =	vor.u32 v0, v41;
	v33 =	vld.idx.msk [tilespmem:v33+s19+$0x0], $0xffff;
	[tilespmem:s12+$0x50] =	vst v25  }
0x2d7: {  	v45 =	vor.u32 v3, v17;
	v25 =	vor.u32 v0, v36;
	v44 =	vmul.f32 $8.000000000e+00, v44;
	[tilespmem:s25+$0x40] =	vst v40;
	v28 =	vld.idx.msk [tilespmem:v28+s19+$0x0], $0xffff  }
0x2d8: {  	v21 =	vor.u32 v5, v36;
	v38 =	vmul.f32 $8.000000000e+00, v38;
	v40 =	vor.u32 v0, v35;
	[tilespmem:s16+$0x0] =	vst v34;
	v30 =	vld.idx.msk [tilespmem:v30+s19+$0x0], $0xffff  }
0x2d9: {  	v34 =	vmul.f32 $8.000000000e+00, v43;
	[tilespmem:s23+$0x10] =	vst v44;
	v29 =	vld.idx.msk [tilespmem:v29+s19+$0x0], $0xffff  }
0x2da: {  	[tilespmem:s30+$0xFFFFFFD0] =	vst v38;
	v32 =	vld.idx.msk [tilespmem:v32+s19+$0x0], $0xffff;
	v38 =	vmul.f32 $8.000000000e+00, v39  }
0x2db: {  	v24 =	vmul.f32 $8.000000000e+00, v24;
	v39 =	vld.idx.msk [tilespmem:v46+s19+$0x0], $0xffff;
	[tilespmem:s13+$0x20] =	vst v34;
	v34 =	vor.u32 v5, v8  }
0x2dc: {  	v33 =	vmul.f32 $8.000000000e+00, v33;
	v43 =	vld.idx.msk [tilespmem:v45+s19+$0x0], $0xffff;
	[tilespmem:s10+$0x40] =	vst v38;
	v38 =	vor.u32 v6, v14  }
0x2dd: {  	s9 =	sadd.s32 $0x200, s9;
	v44 =	vor.u32 v0, v31;
	v45 =	vor.u32 v6, v12;
	v40 =	vld.idx.msk [tilespmem:v40+s19+$0x0], $0xffff;
	[tilespmem:s1+$0x10] =	vst v24  }
0x2de: {  	v47 =	vor.u32 v3, v13;
	v46 =	vld.idx.msk [tilespmem:v25+s19+$0x0], $0xffff;
	[tilespmem:s11+$0x30] =	vst v33;
	v33 =	vmul.f32 $8.000000000e+00, v42  }
0x2df: {  	v42 =	vor.u32 v1, v41;
	v37 =	vld.idx.msk [tilespmem:v37+s19+$0x0], $0xffff;
	[tilespmem:s31+$0xFFFFFFF0] =	vst v27;
	v27 =	vmul.f32 $8.000000000e+00, v29;
	v29 =	vor.u32 v6, v15  }
0x2e0: {  	v48 =	vor.u32 v2, v18;
	s30 =	sadd.s32 $0x200, s30;
	v24 =	vor.u32 v1, v36;
	v32 =	vmul.f32 $8.000000000e+00, v32;
	v25 =	vld.idx.msk [tilespmem:v34+s19+$0x0], $0xffff;
	[tilespmem:s2+$0x50] =	vst v33  }
0x2e1: {  	s6 =	sadd.s32 $0xFFFFFE80, s9;
	v33 =	vor.u32 v4, v10;
	[tilespmem:s16+$0x10] =	vst v27;
	v27 =	vmul.f32 $8.000000000e+00, v30;
	v30 =	vld.idx.msk [tilespmem:v38+s19+$0x0], $0xffff  }
0x2e2: {  	s8 =	sadd.s32 $0xFFFFFF80, s9;
	s6 =	sand.u32 $0x1C00, s6;
	v34 =	vor.u32 v3, v16;
	[tilespmem:s23+$0x20] =	vst v32;
	v32 =	vld.idx.msk [tilespmem:v45+s19+$0x0], $0xffff  }
0x2e3: {  	s7 =	sadd.s32 $0x14400, s6;
	s6 =	sand.u32 $0x300, s8;
	v38 =	vmul.f32 $8.000000000e+00, v40;
	v40 =	vld.idx.msk [tilespmem:v47+s19+$0x0], $0xffff;
	[tilespmem:s25+$0x50] =	vst v27  }
0x2e4: {  	s6 =	sor.u32 s6, s7;
	v27 =	vmul.f32 $8.000000000e+00, v39;
	[tilespmem:s28+$0x0] =	vst v26;
	v26 =	vld.idx.msk [tilespmem:v29+s19+$0x0], $0xffff  }
0x2e5: {  	v29 =	vmul.f32 $8.000000000e+00, v43;
	[tilespmem:s30+$0xFFFFFFC0] =	vst v38;
	v39 =	vld.idx.msk [tilespmem:v48+s19+$0x0], $0xffff;
	v38 =	vor.u32 v7, v14;
	v14 =	vmovc v10;
	v10 =	vmov v18  }
0x2e6: {  	v37 =	vmul.f32 $8.000000000e+00, v37;
	v18 =	vmovc v36;
	[tilespmem:s0+$0xFFFFFFE0] =	vst v27;
	v27 =	vld.idx.msk [tilespmem:v33+s19+$0x0], $0xffff;
	v33 =	vor.u32 v7, v12;
	v12 =	vmov v11  }
0x2e7: {  	v43 =	vor.u32 v7, v9;
	v9 =	vmovc v8;
	v8 =	vmov v17;
	v36 =	vmul.f32 $8.000000000e+00, v30;
	v34 =	vld.idx.msk [tilespmem:v34+s19+$0x0], $0xffff;
	[tilespmem:s13+$0x30] =	vst v29  }
0x2e8: {  	v28 =	vmul.f32 $8.000000000e+00, v28;
	v17 =	vmovc v41;
	v29 =	vmul.f32 $8.000000000e+00, v32;
	v32 =	vor.u32 v7, v15;
	v30 =	vld.idx.msk [tilespmem:v44+s19+$0x0], $0xffff;
	[tilespmem:s6+$0x0] =	vst v37  }
0x2e9: {  	v11 =	vmovc v16;
	v16 =	vmov v35;
	v44 =	vor.u32 v4, v12;
	v45 =	vmul.f32 $8.000000000e+00, v40;
	v42 =	vld.idx.msk [tilespmem:v42+s19+$0x0], $0xffff;
	[tilespmem:s2+$0x60] =	vst v36  }
0x2ea: {  	v15 =	vmovc v13;
	v36 =	vmul.f32 $8.000000000e+00, v46;
	v46 =	vor.u32 v4, v13;
	v26 =	vmul.f32 $8.000000000e+00, v26;
	[tilespmem:s16+$0x20] =	vst v29;
	v37 =	vld.idx.msk [tilespmem:v38+s19+$0x0], $0xffff  }
.Ltmp3:
0x2eb: {  	s8 =	sand.u32 $0x380, s9;
	v13 =	vmovc v19;
	v19 =	vmov v31;
	v38 =	vor.u32 v1, v16;
	v41 =	vmul.f32 $8.000000000e+00, v39;
	v35 =	vld.idx.msk [tilespmem:v33+s19+$0x0], $0xffff;
	[tilespmem:s12+$0x60] =	vst v28;
	(pc) =	sbr.rel @p0 .LBB2_9-.Ltmp3, $4  }
0x2ec: {  	s8 =	sor.u32 s8, s7;
	v31 =	vor.u32 v1, v19;
	v29 =	vor.u32 v5, v12;
	v47 =	vmul.f32 $8.000000000e+00, v27;
	[tilespmem:s25+$0x60] =	vst v26;
	v40 =	vld.idx.msk [tilespmem:v43+s19+$0x0], $0xffff  }
0x2ed: {  	s21 =	sadd.s32 $0xFFFFFF00, s9;
	v39 =	vor.u32 v4, v8;
	v28 =	vor.u32 v6, v9;
	v27 =	vmul.f32 $8.000000000e+00, v34;
	[tilespmem:s1+$0x20] =	vst v41;
	v41 =	vld.idx.msk [tilespmem:v32+s19+$0x0], $0xffff  }
0x2ee: {  	s21 =	sand.u32 $0x280, s21;
	v43 =	vor.u32 v2, v17;
	v26 =	vmul.f32 $8.000000000e+00, v30;
	v30 =	vor.u32 v5, v15;
	v34 =	vld.idx.msk [tilespmem:v44+s19+$0x0], $0xffff;
	[tilespmem:s23+$0x30] =	vst v45  }
0x2ef: {  	s24 =	smov.u32 s20;
	s7 =	sor.u32 s21, s7;
	v33 =	vor.u32 v3, v10;
	v32 =	vor.u32 v2, v13;
	v44 =	vmul.f32 $8.000000000e+00, v42;
	v42 =	vld.idx.msk [tilespmem:v46+s19+$0x0], $0xffff;
	[tilespmem:s11+$0x40] =	vst v47  }
0x2f0: {  	[tilespmem:s8+$0x0] =	vst v36  }
0x2f1: {  	[tilespmem:s7+$0x0] =	vst v26  }
0x2f2: {  	v60 =	vmul.f32 $8.000000000e+00, v37;
	[tilespmem:s0+$0xFFFFFFF0] =	vst v27  }
0x2f3: {  	v35 =	vmul.f32 $8.000000000e+00, v35;
	[tilespmem:s6+$0x10] =	vst v44  }
0x2f4: {  	v22 =	vld.idx.msk [tilespmem:v22+s19+$0x0], $0xffff;
	v25 =	vmul.f32 $8.000000000e+00, v25;
	[tilespmem:s2+$0x70] =	vst v60  }
0x2f5: {  	v62 =	vld.idx.msk [tilespmem:v38+s19+$0x0], $0xffff;
	v61 =	vmul.f32 $8.000000000e+00, v40;
	[tilespmem:s16+$0x30] =	vst v35  }
0x2f6: {  	v23 =	vld.idx.msk [tilespmem:v23+s19+$0x0], $0xffff;
	v63 =	vmul.f32 $8.000000000e+00, v41;
	[tilespmem:s10+$0x50] =	vst v25  }
0x2f7: {  	v24 =	vld.idx.msk [tilespmem:v24+s19+$0x0], $0xffff;
	[tilespmem:s12+$0x70] =	vst v61;
	v34 =	vmul.f32 $8.000000000e+00, v34  }
0x2f8: {  	v31 =	vld.idx.msk [tilespmem:v31+s19+$0x0], $0xffff;
	v41 =	vmul.f32 $8.000000000e+00, v42;
	[tilespmem:s25+$0x70] =	vst v63  }
0x2f9: {  	v40 =	vld.idx.msk [tilespmem:v43+s19+$0x0], $0xffff;
	v22 =	vmul.f32 $8.000000000e+00, v22;
	[tilespmem:s31+$0x0] =	vst v34  }
0x2fa: {  	v43 =	vld.idx.msk [tilespmem:v33+s19+$0x0], $0xffff;
	v44 =	vmul.f32 $8.000000000e+00, v62;
	[tilespmem:s23+$0x40] =	vst v41  }
0x2fb: {  	v46 =	vor.u32 v2, v16;
	v28 =	vld.idx.msk [tilespmem:v28+s19+$0x0], $0xffff;
	v23 =	vmul.f32 $8.000000000e+00, v23;
	[tilespmem:s28+$0x10] =	vst v22  }
0x2fc: {  	v48 =	vor.u32 v6, v14;
	v42 =	vld.idx.msk [tilespmem:v39+s19+$0x0], $0xffff;
	v24 =	vmul.f32 $8.000000000e+00, v24;
	[tilespmem:s30+$0xFFFFFFD0] =	vst v44  }
0x2fd: {  	v49 =	vor.u32 v2, v18;
	v29 =	vld.idx.msk [tilespmem:v29+s19+$0x0], $0xffff;
	v56 =	vmul.f32 $8.000000000e+00, v31;
	[tilespmem:s11+$0x50] =	vst v23  }
0x2fe: {  	v52 =	vor.u32 v2, v19;
	v45 =	vmul.f32 $8.000000000e+00, v40;
	v30 =	vld.idx.msk [tilespmem:v30+s19+$0x0], $0xffff;
	[tilespmem:s8+$0x10] =	vst v24  }
0x2ff: {  	v47 =	vor.u32 v3, v17;
	v25 =	vmul.f32 $8.000000000e+00, v43;
	v32 =	vld.idx.msk [tilespmem:v32+s19+$0x0], $0xffff;
	[tilespmem:s7+$0x10] =	vst v56  }
0x300: {  	v57 =	vor.u32 v4, v10;
	v22 =	vld.idx.msk [tilespmem:v46+s19+$0x0], $0xffff;
	v28 =	vmul.f32 $8.000000000e+00, v28;
	[tilespmem:s6+$0x20] =	vst v45  }
0x301: {  	v9 =	vor.u32 v7, v9;
	v54 =	vld.idx.msk [tilespmem:v48+s19+$0x0], $0xffff;
	v35 =	vmul.f32 $8.000000000e+00, v42;
	[tilespmem:s1+$0x30] =	vst v25  }
0x302: {  	v50 =	vor.u32 v6, v12;
	v26 =	vld.idx.msk [tilespmem:v49+s19+$0x0], $0xffff;
	[tilespmem:s10+$0x60] =	vst v28;
	v29 =	vmul.f32 $8.000000000e+00, v29  }
0x303: {  	v53 =	vor.u32 v6, v15;
	v23 =	vld.idx.msk [tilespmem:v52+s19+$0x0], $0xffff;
	[tilespmem:s13+$0x40] =	vst v35;
	v30 =	vmul.f32 $8.000000000e+00, v30  }
0x304: {  	v55 =	vor.u32 v3, v13;
	v51 =	vld.idx.msk [tilespmem:v47+s19+$0x0], $0xffff;
	v32 =	vmul.f32 $8.000000000e+00, v32;
	[tilespmem:s31+$0x10] =	vst v29  }
0x305: {  	v58 =	vor.u32 v7, v14;
	v33 =	vld.idx.msk [tilespmem:v57+s19+$0x0], $0xffff;
	v22 =	vmul.f32 $8.000000000e+00, v22;
	[tilespmem:s23+$0x50] =	vst v30  }
0x306: {  	v59 =	vor.u32 v3, v18;
	v9 =	vld.idx.msk [tilespmem:v9+s19+$0x0], $0xffff;
	v61 =	vmul.f32 $8.000000000e+00, v54;
	[tilespmem:s28+$0x20] =	vst v32  }
0x307: {  	v60 =	vor.u32 v3, v16;
	v24 =	vld.idx.msk [tilespmem:v50+s19+$0x0], $0xffff;
	v63 =	vmul.f32 $8.000000000e+00, v26;
	[tilespmem:s30+$0xFFFFFFE0] =	vst v22  }
0x308: {  	v34 =	vor.u32 v3, v19;
	v23 =	vmul.f32 $8.000000000e+00, v23;
	v27 =	vld.idx.msk [tilespmem:v53+s19+$0x0], $0xffff;
	[tilespmem:s11+$0x60] =	vst v61  }
0x309: {  	v35 =	vor.u32 v4, v11;
	v25 =	vmul.f32 $8.000000000e+00, v51;
	v32 =	vld.idx.msk [tilespmem:v55+s19+$0x0], $0xffff;
	[tilespmem:s8+$0x20] =	vst v63  }
0x30a: {  	v44 =	vor.u32 v4, v17;
	v41 =	vmul.f32 $8.000000000e+00, v33;
	v14 =	vld.idx.msk [tilespmem:v58+s19+$0x0], $0xffff;
	[tilespmem:s7+$0x20] =	vst v23  }
0x30b: {  	v9 =	vmul.f32 $8.000000000e+00, v9;
	[tilespmem:s6+$0x30] =	vst v25;
	v36 =	vld.idx.msk [tilespmem:v59+s19+$0x0], $0xffff  }
0x30c: {  	v62 =	vor.u32 v7, v12;
	v37 =	vld.idx.msk [tilespmem:v60+s19+$0x0], $0xffff;
	[tilespmem:s1+$0x40] =	vst v41;
	v24 =	vmul.f32 $8.000000000e+00, v24  }
0x30d: {  	v40 =	vor.u32 v4, v13;
	v22 =	vld.idx.msk [tilespmem:v34+s19+$0x0], $0xffff;
	[tilespmem:s10+$0x70] =	vst v9;
	v27 =	vmul.f32 $8.000000000e+00, v27  }
0x30e: {  	v42 =	vor.u32 v4, v18;
	v25 =	vld.idx.msk [tilespmem:v35+s19+$0x0], $0xffff;
	[tilespmem:s31+$0x20] =	vst v24;
	v39 =	vmul.f32 $8.000000000e+00, v32  }
0x30f: {  	v43 =	vor.u32 v4, v16;
	v28 =	vld.idx.msk [tilespmem:v44+s19+$0x0], $0xffff;
	v14 =	vmul.f32 $8.000000000e+00, v14;
	[tilespmem:s23+$0x60] =	vst v27  }
0x310: {  	v47 =	vor.u32 v4, v19;
	v20 =	vld.idx.msk [tilespmem:v20+s19+$0x0], $0xffff;
	v45 =	vmul.f32 $8.000000000e+00, v36;
	[tilespmem:s28+$0x30] =	vst v39  }
0x311: {  	v38 =	vor.u32 v7, v15;
	v46 =	vmul.f32 $8.000000000e+00, v37;
	v12 =	vld.idx.msk [tilespmem:v62+s19+$0x0], $0xffff;
	[tilespmem:s11+$0x70] =	vst v14  }
0x312: {  	v51 =	vor.u32 v5, v8;
	v22 =	vmul.f32 $8.000000000e+00, v22;
	v48 =	vld.idx.msk [tilespmem:v40+s19+$0x0], $0xffff;
	[tilespmem:s8+$0x30] =	vst v45  }
0x313: {  	v49 =	vor.u32 v5, v11;
	v25 =	vmul.f32 $8.000000000e+00, v25;
	[tilespmem:s30+$0xFFFFFFF0] =	vst v46;
	v50 =	vld.idx.msk [tilespmem:v42+s19+$0x0], $0xffff  }
0x314: {  	v58 =	vor.u32 v5, v17;
	v62 =	vmul.f32 $8.000000000e+00, v28;
	v52 =	vld.idx.msk [tilespmem:v43+s19+$0x0], $0xffff;
	[tilespmem:s7+$0x30] =	vst v22  }
0x315: {  	v53 =	vor.u32 v5, v13;
	v20 =	vmul.f32 $8.000000000e+00, v20;
	[tilespmem:s0+$0x0] =	vst v25;
	v54 =	vld.idx.msk [tilespmem:v47+s19+$0x0], $0xffff  }
0x316: {  	v15 =	vld.idx.msk [tilespmem:v38+s19+$0x0], $0xffff;
	[tilespmem:s6+$0x40] =	vst v62;
	v12 =	vmul.f32 $8.000000000e+00, v12  }
0x317: {  	v56 =	vor.u32 v5, v16;
	v59 =	vld.idx.msk [tilespmem:v51+s19+$0x0], $0xffff;
	[tilespmem:s1+$0x50] =	vst v20;
	v55 =	vmul.f32 $8.000000000e+00, v48  }
0x318: {  	v60 =	vor.u32 v5, v19;
	v57 =	vld.idx.msk [tilespmem:v49+s19+$0x0], $0xffff;
	[tilespmem:s31+$0x30] =	vst v12;
	v24 =	vmul.f32 $8.000000000e+00, v50  }
0x319: {  	v63 =	vor.u32 v6, v10;
	v23 =	vld.idx.msk [tilespmem:v58+s19+$0x0], $0xffff;
	v12 =	vmul.f32 $8.000000000e+00, v52;
	[tilespmem:s28+$0x40] =	vst v55  }
0x31a: {  	v33 =	vor.u32 v6, v8;
	v9 =	vmul.f32 $8.000000000e+00, v54;
	v61 =	vld.idx.msk [tilespmem:v53+s19+$0x0], $0xffff;
	[tilespmem:s8+$0x40] =	vst v24  }
0x31b: {  	v32 =	vor.u32 v6, v11;
	v15 =	vmul.f32 $8.000000000e+00, v15;
	[tilespmem:s30+$0x0] =	vst v12;
	v21 =	vld.idx.msk [tilespmem:v21+s19+$0x0], $0xffff  }
0x31c: {  	v41 =	vor.u32 v6, v17;
	v35 =	vmul.f32 $8.000000000e+00, v59;
	v22 =	vld.idx.msk [tilespmem:v56+s19+$0x0], $0xffff;
	[tilespmem:s7+$0x40] =	vst v9  }
0x31d: {  	v34 =	vor.u32 v6, v13;
	[tilespmem:s23+$0x70] =	vst v15;
	v15 =	vmul.f32 $8.000000000e+00, v57;
	v14 =	vld.idx.msk [tilespmem:v60+s19+$0x0], $0xffff  }
0x31e: {  	v36 =	vor.u32 v6, v18;
	v38 =	vld.idx.msk [tilespmem:v63+s19+$0x0], $0xffff;
	[tilespmem:s13+$0x50] =	vst v35;
	v23 =	vmul.f32 $8.000000000e+00, v23  }
0x31f: {  	v39 =	vor.u32 v6, v16;
	v12 =	vld.idx.msk [tilespmem:v33+s19+$0x0], $0xffff;
	[tilespmem:s0+$0x10] =	vst v15;
	v37 =	vmul.f32 $8.000000000e+00, v61  }
0x320: {  	v43 =	vor.u32 v6, v19;
	v40 =	vld.idx.msk [tilespmem:v32+s19+$0x0], $0xffff;
	[tilespmem:s6+$0x50] =	vst v23;
	v21 =	vmul.f32 $8.000000000e+00, v21  }
0x321: {  	v44 =	vor.u32 v7, v10;
	v23 =	vld.idx.msk [tilespmem:v41+s19+$0x0], $0xffff;
	v42 =	vmul.f32 $8.000000000e+00, v22;
	[tilespmem:s28+$0x50] =	vst v37  }
0x322: {  	v8 =	vor.u32 v7, v8;
	v14 =	vmul.f32 $8.000000000e+00, v14;
	v27 =	vld.idx.msk [tilespmem:v34+s19+$0x0], $0xffff;
	[tilespmem:s8+$0x50] =	vst v21  }
0x323: {  	v45 =	vor.u32 v7, v11;
	v47 =	vmul.f32 $8.000000000e+00, v38;
	[tilespmem:s30+$0x10] =	vst v42;
	v46 =	vld.idx.msk [tilespmem:v36+s19+$0x0], $0xffff  }
0x324: {  	v53 =	vor.u32 v7, v17;
	v12 =	vmul.f32 $8.000000000e+00, v12;
	v48 =	vld.idx.msk [tilespmem:v39+s19+$0x0], $0xffff;
	[tilespmem:s7+$0x50] =	vst v14  }
0x325: {  	v49 =	vor.u32 v7, v13;
	[tilespmem:s1+$0x60] =	vst v47;
	v9 =	vmul.f32 $8.000000000e+00, v40;
	v14 =	vld.idx.msk [tilespmem:v43+s19+$0x0], $0xffff  }
0x326: {  	v50 =	vor.u32 v7, v18;
	v10 =	vld.idx.msk [tilespmem:v44+s19+$0x0], $0xffff;
	[tilespmem:s13+$0x60] =	vst v12;
	v56 =	vmul.f32 $8.000000000e+00, v23  }
0x327: {  	v52 =	vor.u32 v7, v16;
	v8 =	vld.idx.msk [tilespmem:v8+s19+$0x0], $0xffff;
	[tilespmem:s0+$0x20] =	vst v9;
	v51 =	vmul.f32 $8.000000000e+00, v27  }
0x328: {  	v55 =	vor.u32 v7, v19;
	v11 =	vld.idx.msk [tilespmem:v45+s19+$0x0], $0xffff;
	[tilespmem:s6+$0x60] =	vst v56;
	v15 =	vmul.f32 $8.000000000e+00, v46  }
0x329: {  	v60 =	vld.idx.msk [tilespmem:v53+s19+$0x0], $0xffff;
	v54 =	vmul.f32 $8.000000000e+00, v48;
	[tilespmem:s28+$0x60] =	vst v51  }
0x32a: {  	v57 =	vmul.f32 $8.000000000e+00, v14;
	v13 =	vld.idx.msk [tilespmem:v49+s19+$0x0], $0xffff;
	[tilespmem:s8+$0x60] =	vst v15  }
0x32b: {  	v10 =	vmul.f32 $8.000000000e+00, v10;
	[tilespmem:s30+$0x20] =	vst v54;
	v58 =	vld.idx.msk [tilespmem:v50+s19+$0x0], $0xffff  }
0x32c: {  	v8 =	vmul.f32 $8.000000000e+00, v8;
	v59 =	vld.idx.msk [tilespmem:v52+s19+$0x0], $0xffff;
	[tilespmem:s7+$0x60] =	vst v57  }
0x32d: {  	[tilespmem:s1+$0x70] =	vst v10;
	v11 =	vmul.f32 $8.000000000e+00, v11;
	v61 =	vld.idx.msk [tilespmem:v55+s19+$0x0], $0xffff  }
0x32e: {  	[tilespmem:s13+$0x70] =	vst v8;
	v9 =	vmul.f32 $8.000000000e+00, v60  }
0x32f: {  	[tilespmem:s0+$0x30] =	vst v11;
	v62 =	vmul.f32 $8.000000000e+00, v13  }
0x330: {  	[tilespmem:s6+$0x70] =	vst v9;
	v8 =	vmul.f32 $8.000000000e+00, v58  }
0x331: {  	v63 =	vmul.f32 $8.000000000e+00, v59;
	[tilespmem:s28+$0x70] =	vst v62  }
0x332: {  	s18 =	sadd.s32 $0x1, s18;
	[tilespmem:s8+$0x70] =	vst v8;
	v8 =	vmul.f32 $8.000000000e+00, v61  }
0x333: {  	p0 =	sne.s32 s18, $0x32;
	s2 =	simm.s32 @!p1 $0xC400;
	[tilespmem:s30+$0x30] =	vst v63  }
.Ltmp4:
0x334: {  	s1 =	simm.s32 @!p1 $0x80;
	s0 =	sadd.s32 @!p1 $0x380, s3;
	[tilespmem:s7+$0x70] =	vst v8;
	(pc) =	sbr.rel @p0 .LBB2_2-.Ltmp4, $4  }
0x335: {  	[tilespmem:s2], [sflag:$0x4] =	stream.indirect.gather @!p1 [hbm4b:s4+s1], $0x40, s0, s1, $0xb8;
	[tilespmem:$0x16400] =	vst v63  }
0x336: {  	s29 =	rddreg [dreg:$0x7]  }
0x337: {  	s31 =	simm.s32 $0x14400;
	s30 =	simm.s32 $0x400;
	s0 =	sadd.s32 s5, s29  }
0x338: {  	[hbm4b:s0+s30] =	stream.strided.scatter [tilespmem:s31], [sflag:$0x8], $0x2000, s22, s30, $0x38;
	[tilespmem:$0x16400] =	vst v63  }
0x339: {  	s0 =	simm.s32 $0x5  }
0x33a: {  	_ =	swait.ge [sflag:s0], $0x2000  }
0x33b: {  	[sflag:s0] =	ssyncset.done $0x0  }
0x33c: {  	s29 =	simm.s32 $0x6;
	[sflag:s0] =	ssyncadd.s32 $0xFFFFE000  }
0x33d: {  	_ =	swait.ge [sflag:s29], $0x2000  }
0x33e: {  	[sflag:s29] =	ssyncset.done $0x0  }
0x33f: {  	s30 =	simm.s32 $0x7;
	[sflag:s29] =	ssyncadd.s32 $0xFFFFE000  }
0x340: {  	_ =	swait.ge [sflag:s30], $0x2000  }
0x341: {  	[sflag:s30] =	ssyncset.done $0x0  }
0x342: {  	s1 =	simm.s32 $0x8;
	[sflag:s30] =	ssyncadd.s32 $0xFFFFE000  }
0x343: {  	_ =	swait.ge [sflag:s1], $0x2000  }
0x344: {  	s2 =	rddreg [dreg:$0x9]  }
0x345: {  	s31 =	rddreg [dreg:$0x8];
	s2 =	sadd.s32 $0x1, s2  }
0x346: {  	p0 =	sne.s32 s2, s31  }
.Ltmp5:
0x347: {  	_ = 	snop;
	(pc) =	sbr.rel @p0 .LBB2_1-.Ltmp5, $3  }
0x348: {  	_ =	sdelay $0x1  }
0x349: {  	[sflag:s1] =	ssyncset.done $0x0  }
0x34a: {  	[sflag:s1] =	ssyncadd.s32 $0xFFFFE000  }
0x34b: {  	_ =	sfence.sel $0x180000  }
0x34c: {  	[bflag:$0x0] =	sbarrier.arrive $0xFFFF  }
0x34d: {  	_ =	strace $0x90000047  }
0x34e: {  	s0 =	stileid.u32;
	[bflag:$0x2] =	sbarrier.arrive $0xFFFF  }
0x34f: {  	p0 =	sne.s32 s0, $0x0;
	s0 =	rddreg [dreg:$0x2]  }
0x350: {  	s0 =	sadd.s32 @!p0 $0x100000, s0  }
0x351: {  	[sflag:s0] =	ssyncadd.tile.s32 @!p0 $0x1;
	_ =	shalt  }
.Lfunc_end2:
_tile_overlayer_lowered:
.L_overlay_start_2:
0x352: {  	(tag) =	ssettag $0x2  }
0x353: {  	s0 =	rddreg [dreg:$0x0];
	s2 =	stileid.u32  }
0x354: {  	s1 =	rddreg [dreg:$0x1];
	p0 =	sne.s32 s2, $0x0  }
0x355: {  	s3 =	rddreg [dreg:$0x2];
	[bflag:$0x3] =	sbarrier.arrive $0xFFFF;
	s2 =	simm.s32 @!p0 $0x1C09  }
0x356: {  	[timem:s3], [sflag:s2] =	dma.local @!p0 [hbm:s0], s1  }
0x357: {  	s0 =	simm.s32 @!p0 $0x9  }
0x358: {  	_ =	swait.ge @!p0 [sflag:s0], s1  }
0x359: {  	s1 =	ssub.s32 @!p0 $0x0, s1;
	[sflag:s0] =	ssyncset.done @!p0 $0x0  }
0x35a: {  	[sflag:s0] =	ssyncadd.s32 @!p0 s1  }
0x35b: {  	[bflag:$0x3] =	sbarrier.arrive $0xFFFF  }
0x35c: {  	_ =	shalt  }

</sc_bundles>
